<compile_context>
chip_gen: v7x
topology: tpu7x:2x2x1
jax: 0.10.2.dev20260603
libtpu: 0.0.44.dev20260713+nightly
codegen_flags: <defaults>
</compile_context>

<pallas_src>
import functools

import jax
import jax.numpy as jnp
from jax import lax
from jax.experimental import pallas as pl
from jax.experimental.pallas import tpu as pltpu
from jax.experimental.pallas import tpu_sc as plsc

_BATCH = 16384
_N_CORES = 2
_N_SUBCORES = 16
_NW = _N_CORES * _N_SUBCORES
_BPW = _BATCH // _NW
_CHUNK = 128
_NCHUNK = _BPW // _CHUNK
_GROUPS = _BPW // 16

_DP1 = 1.5703125
_DP2 = 4.837512969970703125e-4
_DP3 = 7.54978995489188216e-8
_TWO_OVER_PI = 0.6366197723675814

_S1 = -1.6666654611e-1
_S2 = 8.3321608736e-3
_S3 = -1.9515295891e-4
_C1 = 4.166664568298827e-2
_C2 = -1.388731625493765e-3
_C3 = 2.443315711809948e-5


def _rsqrt(x):
    i = lax.bitcast_convert_type(x, jnp.int32)
    i = jnp.int32(0x5F3759DF) - (i >> 1)
    y = lax.bitcast_convert_type(i, jnp.float32)
    for _ in range(3):
        y = y * (1.5 - 0.5 * x * y * y)
    return y


def _sincos(t):
    n = (t * _TWO_OVER_PI + 0.5).astype(jnp.int32)
    nf = n.astype(jnp.float32)
    r = ((t - nf * _DP1) - nf * _DP2) - nf * _DP3
    r2 = r * r
    sp = r + r * r2 * (_S1 + r2 * (_S2 + r2 * _S3))
    cp = 1.0 - 0.5 * r2 + r2 * r2 * (_C1 + r2 * (_C2 + r2 * _C3))
    q = n & 3
    neg_sp, neg_cp = -sp, -cp
    sin_t = jnp.where(
        q == 0, sp, jnp.where(q == 1, cp, jnp.where(q == 2, neg_sp, neg_cp)))
    cos_t = jnp.where(
        q == 0, cp, jnp.where(q == 1, neg_sp, jnp.where(q == 2, neg_cp, sp)))
    return sin_t, cos_t


def _pose_components(x, y, z, tx, ty, tz):
    t2 = x * x + y * y + z * z
    arg = t2 + 1e-20
    rinv = _rsqrt(arg)
    t = arg * rinv
    small = t < 1e-6
    ts = jnp.where(small, 1.0, t)
    s, c = _sincos(ts)
    a = jnp.where(small, 1.0 - t2 * (1.0 / 6.0), s * rinv)
    b = jnp.where(small, 0.5 - t2 * (1.0 / 24.0), (1.0 - c) * rinv * rinv)

    bxy = b * x * y
    bxz = b * x * z
    byz = b * y * z
    ax, ay, az = a * x, a * y, a * z
    r00 = 1.0 + b * (x * x - t2)
    r01 = az + bxy
    r02 = bxz - ay
    r10 = bxy - az
    r11 = 1.0 + b * (y * y - t2)
    r12 = ax + byz
    r20 = ay + bxz
    r21 = byz - ax
    r22 = 1.0 + b * (z * z - t2)

    tv0 = -(r00 * tx + r01 * ty + r02 * tz)
    tv1 = -(r10 * tx + r11 * ty + r12 * tz)
    tv2 = -(r20 * tx + r21 * ty + r22 * tz)

    zero = jnp.zeros_like(x)
    one = zero + 1.0
    return (r00, r01, r02, tv0,
            r10, r11, r12, tv1,
            r20, r21, r22, tv2,
            zero, zero, zero, one)


@functools.cache
def _build_kernel():
    return functools.partial(
        pl.kernel,
        out_type=jax.ShapeDtypeStruct((_BATCH * 16,), jnp.float32),
        mesh=plsc.VectorSubcoreMesh(core_axis_name="c", subcore_axis_name="s"),
        compiler_params=pltpu.CompilerParams(needs_layout_passes=False),
        scratch_types=[
            pltpu.VMEM((_NCHUNK, _CHUNK), jnp.int32),
            pltpu.VMEM((_BPW,), jnp.float32),
            pltpu.VMEM((_BPW,), jnp.float32),
            pltpu.VMEM((_BPW,), jnp.float32),
            pltpu.VMEM((_BPW,), jnp.float32),
            pltpu.VMEM((_BPW,), jnp.float32),
            pltpu.VMEM((_BPW,), jnp.float32),
            pltpu.VMEM((_BPW * 16,), jnp.float32),
            pltpu.SemaphoreType.DMA,
            pltpu.SemaphoreType.DMA,
        ],
    )(_cam_pose_kernel)


def _cam_pose_kernel(idx_hbm, rx_hbm, ry_hbm, rz_hbm, tx_hbm, ty_hbm, tz_hbm,
                     out_hbm, idx_v, x_v, y_v, z_v, tx_v, ty_v, tz_v,
                     out_v, sem_a, sem_b):
    wid = lax.axis_index("s") * _N_CORES + lax.axis_index("c")
    base = wid * _BPW
    tables = ((rx_hbm, x_v), (ry_hbm, y_v), (rz_hbm, z_v),
              (tx_hbm, tx_v), (ty_hbm, ty_v), (tz_hbm, tz_v))
    sems = (sem_a, sem_b)

    copies = [[], []]
    for k in range(_NCHUNK):
        pltpu.sync_copy(idx_hbm.at[pl.ds(base + k * _CHUNK, _CHUNK)],
                        idx_v.at[k])
        sl = pl.ds(k * _CHUNK, _CHUNK)
        for tbl, dst in tables:
            copies[k // 2].append(pltpu.async_copy(tbl.at[idx_v.at[k]],
                                                   dst.at[sl], sems[k // 2]))

    def group(g):
        off = pl.multiple_of(g * 16, 16)
        x = x_v[pl.ds(off, 16)]
        y = y_v[pl.ds(off, 16)]
        z = z_v[pl.ds(off, 16)]
        tx = tx_v[pl.ds(off, 16)]
        ty = ty_v[pl.ds(off, 16)]
        tz = tz_v[pl.ds(off, 16)]
        comps = _pose_components(x, y, z, tx, ty, tz)
        obase = pl.multiple_of((g >> 3) * 512 + (g & 7) * 16, 16)
        for rc, v in enumerate(comps):
            r, c = rc >> 2, rc & 3
            out_v[pl.ds(obase + r * 2048 + c * 128, 16)] = v

    gph = _GROUPS // 2
    for p in range(2):
        for cp in copies[p]:
            cp.wait()
        plsc.parallel_loop(p * gph, (p + 1) * gph, unroll=4)(group)

    outs = [pltpu.async_copy(out_v.at[pl.ds(r * 2048, 2048)],
                             out_hbm.at[pl.ds(r * 65536 + wid * 2048, 2048)],
                             sem_a)
            for r in range(4)]
    for cp in outs:
        cp.wait()


def kernel(img_idx, cam_rots, cam_tvecs):
    out = _build_kernel()(
        img_idx.astype(jnp.int32),
        cam_rots[:, 0], cam_rots[:, 1], cam_rots[:, 2],
        cam_tvecs[:, 0], cam_tvecs[:, 1], cam_tvecs[:, 2])
    return out.reshape(4, 128, 4, 128).transpose(1, 3, 0, 2).reshape(
        _BATCH, 4, 4)

# --- scband reference (transcript-rebuilt; emitter-appended) ---
"""Pipeline reference for scband-camera-params-3195455668405 (READ-ONLY COPY).

The authoritative reference and input builder live on the scoring server;
editing this copy changes nothing except your own understanding.
"""

import jax, jax.numpy as jnp
import numpy as np

N_IMAGES = 100000
BATCH = 16384


def skew(w):
    x, y, z = w[..., 0], w[..., 1], w[..., 2]
    O = jnp.zeros_like(x)
    r0 = jnp.stack([O, -z, y], axis=-1)
    r1 = jnp.stack([z, O, -x], axis=-1)
    r2 = jnp.stack([-y, x, O], axis=-1)
    return jnp.stack([r0, r1, r2], axis=-2)


def so3_to_SO3(w):
    # Rodrigues / exponential map, matching camera.Lie().so3_to_SO3
    t2 = jnp.sum(w * w, axis=-1)
    t = jnp.sqrt(t2 + 1e-20)
    small = t < 1e-6
    ts = jnp.where(small, 1.0, t)
    A = jnp.where(small, 1.0 - t2 / 6.0, jnp.sin(ts) / ts)
    B = jnp.where(small, 0.5 - t2 / 24.0, (1.0 - jnp.cos(ts)) / (ts * ts))
    wx = skew(w)
    I = jnp.eye(3, dtype=w.dtype)
    return I + A[..., None, None] * wx + B[..., None, None] * (wx @ wx)


def to_homo(m):
    last = jnp.zeros_like(m[..., :1, :])
    last = last.at[..., -1].set(1.0)
    return jnp.concatenate([m, last], axis=-2)


def gather_unique(indices, fn):
    uniq, inv = jnp.unique(indices, return_inverse=True, size=indices.shape[0], fill_value=0)
    results = fn(uniq)
    return results[inv.reshape(indices.shape)]


def setup_inputs(seed: int = 0) -> dict:
    key = jax.random.key(seed)
    k1, k2, k3 = jax.random.split(key, 3)
    img_idx = jax.random.randint(k1, (BATCH,), 0, N_IMAGES)
    cam_rots = jax.random.normal(k2, (N_IMAGES, 3), dtype=jnp.float32) * 0.5
    cam_tvecs = jax.random.normal(k3, (N_IMAGES, 3), dtype=jnp.float32)
    return {"img_idx": img_idx, "cam_rots": cam_rots, "cam_tvecs": cam_tvecs}


def reference(img_idx, cam_rots, cam_tvecs):
    # get_cam_pose(img_idx):
    # R_inv = gather_unique(idx, so3_to_SO3(cam_rots[idx]))
    R_inv = gather_unique(img_idx, lambda idx: so3_to_SO3(cam_rots[idx]))
    # get_cam_rot: transpose
    R = jnp.swapaxes(R_inv, -1, -2)
    # get_cam_tvec: -(R @ cam_tvecs[idx])
    tvec = -jnp.einsum("bij,bj->bi", R, cam_tvecs[img_idx])
    pose = jnp.concatenate([R, tvec[..., None]], axis=-1)
    return to_homo(pose)

if __name__ == "__main__":
    import jax
    _d = setup_inputs()
    print(jax.jit(kernel)(*tuple(_d.values())))

</pallas_src>

<mosaic_0001>
#map = affine_map<(d0, d1) -> (0)>
module attributes {stable_mosaic.version = 14 : i64} {
  func.func @_cam_pose_kernel(%arg0: i32, %arg1: i32, %arg2: memref<16384xi32, #tpu.memory_space<hbm>>, %arg3: memref<100000xf32, #tpu.memory_space<hbm>>, %arg4: memref<100000xf32, #tpu.memory_space<hbm>>, %arg5: memref<100000xf32, #tpu.memory_space<hbm>>, %arg6: memref<100000xf32, #tpu.memory_space<hbm>>, %arg7: memref<100000xf32, #tpu.memory_space<hbm>>, %arg8: memref<100000xf32, #tpu.memory_space<hbm>>, %arg9: memref<262144xf32, #tpu.memory_space<hbm>>, %arg10: memref<4x128xi32, #tpu.memory_space<vmem>>, %arg11: memref<512xf32, #tpu.memory_space<vmem>>, %arg12: memref<512xf32, #tpu.memory_space<vmem>>, %arg13: memref<512xf32, #tpu.memory_space<vmem>>, %arg14: memref<512xf32, #tpu.memory_space<vmem>>, %arg15: memref<512xf32, #tpu.memory_space<vmem>>, %arg16: memref<512xf32, #tpu.memory_space<vmem>>, %arg17: memref<8192xf32, #tpu.memory_space<vmem>>, %arg18: memref<!tpu.dma_semaphore, #tpu.memory_space<semaphore_mem>>, %arg19: memref<!tpu.dma_semaphore, #tpu.memory_space<semaphore_mem>>) attributes {dimension_semantics = [#tpu.dimension_semantics<core_parallel>, #tpu.dimension_semantics<subcore_parallel>], iteration_bounds = array<i64: 2, 16>, scalar_prefetch = 0 : i64, scratch_operands = 10 : i64, tpu.core_type = #tpu.core_type<sc_vector_subcore>, window_params = [{transform_indices = #map}, {transform_indices = #map}, {transform_indices = #map}, {transform_indices = #map}, {transform_indices = #map}, {transform_indices = #map}, {transform_indices = #map}, {transform_indices = #map}]} {
    %mul3A = arith.constant 2 : i32
    %mul3A_0 = arith.muli %arg1, %mul3A : i32
    %add3A = arith.addi %mul3A_0, %arg0 : i32
    %mul3A_1 = arith.constant 512 : i32
    %mul3A_2 = arith.muli %add3A, %mul3A_1 : i32
    %add3A_3 = arith.constant 0 : i32
    %add3A_4 = arith.addi %mul3A_2, %add3A_3 : i32
    %run_scoped3A = arith.constant 0 : i32
    "tpu.region"() ({
      %run_scoped3A_465 = tpu.sem_alloc : memref<!tpu.dma_semaphore, #tpu.memory_space<semaphore_mem>>
      %dma_start3A_466 = arith.constant 0 : i32
      %dma_start3A_467 = tpu.memref_slice %arg10[%run_scoped3A, %dma_start3A_466] : memref<4x128xi32, #tpu.memory_space<vmem>> -> memref<1x128xi32, #tpu.memory_space<vmem>>
      %dma_start3A_468 = tpu.memref_squeeze %dma_start3A_467 : memref<1x128xi32, #tpu.memory_space<vmem>> -> memref<128xi32, #tpu.memory_space<vmem>>
      %dma_start3A_469 = tpu.memref_slice %arg2[%add3A_4] : memref<16384xi32, #tpu.memory_space<hbm>> -> memref<128xi32, #tpu.memory_space<hbm>>
      %dma_start3A_470 = arith.constant 0 : i32
      %dma_start3A_471 = tpu.memref_slice %arg10[%run_scoped3A, %dma_start3A_470] : memref<4x128xi32, #tpu.memory_space<vmem>> -> memref<1x128xi32, #tpu.memory_space<vmem>>
      %dma_start3A_472 = tpu.memref_squeeze %dma_start3A_471 : memref<1x128xi32, #tpu.memory_space<vmem>> -> memref<128xi32, #tpu.memory_space<vmem>>
      %dma_start3A_473 = tpu.memref_slice %arg2[%add3A_4] : memref<16384xi32, #tpu.memory_space<hbm>> -> memref<128xi32, #tpu.memory_space<hbm>>
      tpu.enqueue_dma source(%dma_start3A_473 : memref<128xi32, #tpu.memory_space<hbm>>) target(%dma_start3A_472 : memref<128xi32, #tpu.memory_space<vmem>>) target_semaphore(%run_scoped3A_465 : memref<!tpu.dma_semaphore, #tpu.memory_space<semaphore_mem>>)
      %dma_wait3A_474 = arith.constant 0 : i32
      %dma_wait3A_475 = tpu.memref_slice %arg10[%run_scoped3A, %dma_wait3A_474] : memref<4x128xi32, #tpu.memory_space<vmem>> -> memref<1x128xi32, #tpu.memory_space<vmem>>
      %dma_wait3A_476 = tpu.memref_squeeze %dma_wait3A_475 : memref<1x128xi32, #tpu.memory_space<vmem>> -> memref<128xi32, #tpu.memory_space<vmem>>
      %dma_wait3A_477 = tpu.memref_slice %arg2[%add3A_4] : memref<16384xi32, #tpu.memory_space<hbm>> -> memref<128xi32, #tpu.memory_space<hbm>>
      %dma_wait3A_478 = arith.constant 0 : i32
      %dma_wait3A_479 = tpu.memref_slice %arg10[%run_scoped3A, %dma_wait3A_478] : memref<4x128xi32, #tpu.memory_space<vmem>> -> memref<1x128xi32, #tpu.memory_space<vmem>>
      %dma_wait3A_480 = tpu.memref_squeeze %dma_wait3A_479 : memref<1x128xi32, #tpu.memory_space<vmem>> -> memref<128xi32, #tpu.memory_space<vmem>>
      %dma_wait3A_481 = tpu.memref_slice %arg2[%add3A_4] : memref<16384xi32, #tpu.memory_space<hbm>> -> memref<128xi32, #tpu.memory_space<hbm>>
      tpu.wait_dma2 semaphore(%run_scoped3A_465 : memref<!tpu.dma_semaphore, #tpu.memory_space<semaphore_mem>>) src(%dma_wait3A_481 : memref<128xi32, #tpu.memory_space<hbm>>) dst(%dma_wait3A_480 : memref<128xi32, #tpu.memory_space<vmem>>)
      tpu.yield
    }) : () -> ()
    %dma_start3A = arith.constant 0 : i32
    %dma_start3A_5 = arith.constant 0 : i32
    %dma_start3A_6 = tpu.memref_slice %arg11[%dma_start3A_5] : memref<512xf32, #tpu.memory_space<vmem>> -> memref<128xf32, #tpu.memory_space<vmem>>
    %dma_start3A_7 = arith.constant 0 : i32
    %dma_start3A_8 = tpu.memref_slice %arg10[%dma_start3A, %dma_start3A_7] : memref<4x128xi32, #tpu.memory_space<vmem>> -> memref<1x128xi32, #tpu.memory_space<vmem>>
    %dma_start3A_9 = tpu.memref_squeeze %dma_start3A_8 : memref<1x128xi32, #tpu.memory_space<vmem>> -> memref<128xi32, #tpu.memory_space<vmem>>
    %dma_start3A_10 = arith.constant 0 : i32
    %dma_start3A_11 = tpu.memref_slice %arg3[%dma_start3A_10] : memref<100000xf32, #tpu.memory_space<hbm>> -> memref<100000xf32, #tpu.memory_space<hbm>>
    tpu.enqueue_indirect_dma source(%dma_start3A_11 : memref<100000xf32, #tpu.memory_space<hbm>>) target(%dma_start3A_6 : memref<128xf32, #tpu.memory_space<vmem>>) offsets(%dma_start3A_9 : memref<128xi32, #tpu.memory_space<vmem>>) semaphore(%arg18 : memref<!tpu.dma_semaphore, #tpu.memory_space<semaphore_mem>>)
    %dma_start3A_12 = arith.constant 0 : i32
    %dma_start3A_13 = arith.constant 0 : i32
    %dma_start3A_14 = tpu.memref_slice %arg12[%dma_start3A_13] : memref<512xf32, #tpu.memory_space<vmem>> -> memref<128xf32, #tpu.memory_space<vmem>>
    %dma_start3A_15 = arith.constant 0 : i32
    %dma_start3A_16 = tpu.memref_slice %arg10[%dma_start3A_12, %dma_start3A_15] : memref<4x128xi32, #tpu.memory_space<vmem>> -> memref<1x128xi32, #tpu.memory_space<vmem>>
    %dma_start3A_17 = tpu.memref_squeeze %dma_start3A_16 : memref<1x128xi32, #tpu.memory_space<vmem>> -> memref<128xi32, #tpu.memory_space<vmem>>
    %dma_start3A_18 = arith.constant 0 : i32
    %dma_start3A_19 = tpu.memref_slice %arg4[%dma_start3A_18] : memref<100000xf32, #tpu.memory_space<hbm>> -> memref<100000xf32, #tpu.memory_space<hbm>>
    tpu.enqueue_indirect_dma source(%dma_start3A_19 : memref<100000xf32, #tpu.memory_space<hbm>>) target(%dma_start3A_14 : memref<128xf32, #tpu.memory_space<vmem>>) offsets(%dma_start3A_17 : memref<128xi32, #tpu.memory_space<vmem>>) semaphore(%arg18 : memref<!tpu.dma_semaphore, #tpu.memory_space<semaphore_mem>>)
    %dma_start3A_20 = arith.constant 0 : i32
    %dma_start3A_21 = arith.constant 0 : i32
    %dma_start3A_22 = tpu.memref_slice %arg13[%dma_start3A_21] : memref<512xf32, #tpu.memory_space<vmem>> -> memref<128xf32, #tpu.memory_space<vmem>>
    %dma_start3A_23 = arith.constant 0 : i32
    %dma_start3A_24 = tpu.memref_slice %arg10[%dma_start3A_20, %dma_start3A_23] : memref<4x128xi32, #tpu.memory_space<vmem>> -> memref<1x128xi32, #tpu.memory_space<vmem>>
    %dma_start3A_25 = tpu.memref_squeeze %dma_start3A_24 : memref<1x128xi32, #tpu.memory_space<vmem>> -> memref<128xi32, #tpu.memory_space<vmem>>
    %dma_start3A_26 = arith.constant 0 : i32
    %dma_start3A_27 = tpu.memref_slice %arg5[%dma_start3A_26] : memref<100000xf32, #tpu.memory_space<hbm>> -> memref<100000xf32, #tpu.memory_space<hbm>>
    tpu.enqueue_indirect_dma source(%dma_start3A_27 : memref<100000xf32, #tpu.memory_space<hbm>>) target(%dma_start3A_22 : memref<128xf32, #tpu.memory_space<vmem>>) offsets(%dma_start3A_25 : memref<128xi32, #tpu.memory_space<vmem>>) semaphore(%arg18 : memref<!tpu.dma_semaphore, #tpu.memory_space<semaphore_mem>>)
    %dma_start3A_28 = arith.constant 0 : i32
    %dma_start3A_29 = arith.constant 0 : i32
    %dma_start3A_30 = tpu.memref_slice %arg14[%dma_start3A_29] : memref<512xf32, #tpu.memory_space<vmem>> -> memref<128xf32, #tpu.memory_space<vmem>>
    %dma_start3A_31 = arith.constant 0 : i32
    %dma_start3A_32 = tpu.memref_slice %arg10[%dma_start3A_28, %dma_start3A_31] : memref<4x128xi32, #tpu.memory_space<vmem>> -> memref<1x128xi32, #tpu.memory_space<vmem>>
    %dma_start3A_33 = tpu.memref_squeeze %dma_start3A_32 : memref<1x128xi32, #tpu.memory_space<vmem>> -> memref<128xi32, #tpu.memory_space<vmem>>
    %dma_start3A_34 = arith.constant 0 : i32
    %dma_start3A_35 = tpu.memref_slice %arg6[%dma_start3A_34] : memref<100000xf32, #tpu.memory_space<hbm>> -> memref<100000xf32, #tpu.memory_space<hbm>>
    tpu.enqueue_indirect_dma source(%dma_start3A_35 : memref<100000xf32, #tpu.memory_space<hbm>>) target(%dma_start3A_30 : memref<128xf32, #tpu.memory_space<vmem>>) offsets(%dma_start3A_33 : memref<128xi32, #tpu.memory_space<vmem>>) semaphore(%arg18 : memref<!tpu.dma_semaphore, #tpu.memory_space<semaphore_mem>>)
    %dma_start3A_36 = arith.constant 0 : i32
    %dma_start3A_37 = arith.constant 0 : i32
    %dma_start3A_38 = tpu.memref_slice %arg15[%dma_start3A_37] : memref<512xf32, #tpu.memory_space<vmem>> -> memref<128xf32, #tpu.memory_space<vmem>>
    %dma_start3A_39 = arith.constant 0 : i32
    %dma_start3A_40 = tpu.memref_slice %arg10[%dma_start3A_36, %dma_start3A_39] : memref<4x128xi32, #tpu.memory_space<vmem>> -> memref<1x128xi32, #tpu.memory_space<vmem>>
    %dma_start3A_41 = tpu.memref_squeeze %dma_start3A_40 : memref<1x128xi32, #tpu.memory_space<vmem>> -> memref<128xi32, #tpu.memory_space<vmem>>
    %dma_start3A_42 = arith.constant 0 : i32
    %dma_start3A_43 = tpu.memref_slice %arg7[%dma_start3A_42] : memref<100000xf32, #tpu.memory_space<hbm>> -> memref<100000xf32, #tpu.memory_space<hbm>>
    tpu.enqueue_indirect_dma source(%dma_start3A_43 : memref<100000xf32, #tpu.memory_space<hbm>>) target(%dma_start3A_38 : memref<128xf32, #tpu.memory_space<vmem>>) offsets(%dma_start3A_41 : memref<128xi32, #tpu.memory_space<vmem>>) semaphore(%arg18 : memref<!tpu.dma_semaphore, #tpu.memory_space<semaphore_mem>>)
    %dma_start3A_44 = arith.constant 0 : i32
    %dma_start3A_45 = arith.constant 0 : i32
    %dma_start3A_46 = tpu.memref_slice %arg16[%dma_start3A_45] : memref<512xf32, #tpu.memory_space<vmem>> -> memref<128xf32, #tpu.memory_space<vmem>>
    %dma_start3A_47 = arith.constant 0 : i32
    %dma_start3A_48 = tpu.memref_slice %arg10[%dma_start3A_44, %dma_start3A_47] : memref<4x128xi32, #tpu.memory_space<vmem>> -> memref<1x128xi32, #tpu.memory_space<vmem>>
    %dma_start3A_49 = tpu.memref_squeeze %dma_start3A_48 : memref<1x128xi32, #tpu.memory_space<vmem>> -> memref<128xi32, #tpu.memory_space<vmem>>
    %dma_start3A_50 = arith.constant 0 : i32
    %dma_start3A_51 = tpu.memref_slice %arg8[%dma_start3A_50] : memref<100000xf32, #tpu.memory_space<hbm>> -> memref<100000xf32, #tpu.memory_space<hbm>>
    tpu.enqueue_indirect_dma source(%dma_start3A_51 : memref<100000xf32, #tpu.memory_space<hbm>>) target(%dma_start3A_46 : memref<128xf32, #tpu.memory_space<vmem>>) offsets(%dma_start3A_49 : memref<128xi32, #tpu.memory_space<vmem>>) semaphore(%arg18 : memref<!tpu.dma_semaphore, #tpu.memory_space<semaphore_mem>>)
    %add3A_52 = arith.constant 128 : i32
    %add3A_53 = arith.addi %mul3A_2, %add3A_52 : i32
    %run_scoped3A_54 = arith.constant 1 : i32
    "tpu.region"() ({
      %run_scoped3A_465 = tpu.sem_alloc : memref<!tpu.dma_semaphore, #tpu.memory_space<semaphore_mem>>
      %dma_start3A_466 = arith.constant 0 : i32
      %dma_start3A_467 = tpu.memref_slice %arg10[%run_scoped3A_54, %dma_start3A_466] : memref<4x128xi32, #tpu.memory_space<vmem>> -> memref<1x128xi32, #tpu.memory_space<vmem>>
      %dma_start3A_468 = tpu.memref_squeeze %dma_start3A_467 : memref<1x128xi32, #tpu.memory_space<vmem>> -> memref<128xi32, #tpu.memory_space<vmem>>
      %dma_start3A_469 = tpu.memref_slice %arg2[%add3A_53] : memref<16384xi32, #tpu.memory_space<hbm>> -> memref<128xi32, #tpu.memory_space<hbm>>
      %dma_start3A_470 = arith.constant 0 : i32
      %dma_start3A_471 = tpu.memref_slice %arg10[%run_scoped3A_54, %dma_start3A_470] : memref<4x128xi32, #tpu.memory_space<vmem>> -> memref<1x128xi32, #tpu.memory_space<vmem>>
      %dma_start3A_472 = tpu.memref_squeeze %dma_start3A_471 : memref<1x128xi32, #tpu.memory_space<vmem>> -> memref<128xi32, #tpu.memory_space<vmem>>
      %dma_start3A_473 = tpu.memref_slice %arg2[%add3A_53] : memref<16384xi32, #tpu.memory_space<hbm>> -> memref<128xi32, #tpu.memory_space<hbm>>
      tpu.enqueue_dma source(%dma_start3A_473 : memref<128xi32, #tpu.memory_space<hbm>>) target(%dma_start3A_472 : memref<128xi32, #tpu.memory_space<vmem>>) target_semaphore(%run_scoped3A_465 : memref<!tpu.dma_semaphore, #tpu.memory_space<semaphore_mem>>)
      %dma_wait3A_474 = arith.constant 0 : i32
      %dma_wait3A_475 = tpu.memref_slice %arg10[%run_scoped3A_54, %dma_wait3A_474] : memref<4x128xi32, #tpu.memory_space<vmem>> -> memref<1x128xi32, #tpu.memory_space<vmem>>
      %dma_wait3A_476 = tpu.memref_squeeze %dma_wait3A_475 : memref<1x128xi32, #tpu.memory_space<vmem>> -> memref<128xi32, #tpu.memory_space<vmem>>
      %dma_wait3A_477 = tpu.memref_slice %arg2[%add3A_53] : memref<16384xi32, #tpu.memory_space<hbm>> -> memref<128xi32, #tpu.memory_space<hbm>>
      %dma_wait3A_478 = arith.constant 0 : i32
      %dma_wait3A_479 = tpu.memref_slice %arg10[%run_scoped3A_54, %dma_wait3A_478] : memref<4x128xi32, #tpu.memory_space<vmem>> -> memref<1x128xi32, #tpu.memory_space<vmem>>
      %dma_wait3A_480 = tpu.memref_squeeze %dma_wait3A_479 : memref<1x128xi32, #tpu.memory_space<vmem>> -> memref<128xi32, #tpu.memory_space<vmem>>
      %dma_wait3A_481 = tpu.memref_slice %arg2[%add3A_53] : memref<16384xi32, #tpu.memory_space<hbm>> -> memref<128xi32, #tpu.memory_space<hbm>>
      tpu.wait_dma2 semaphore(%run_scoped3A_465 : memref<!tpu.dma_semaphore, #tpu.memory_space<semaphore_mem>>) src(%dma_wait3A_481 : memref<128xi32, #tpu.memory_space<hbm>>) dst(%dma_wait3A_480 : memref<128xi32, #tpu.memory_space<vmem>>)
      tpu.yield
    }) : () -> ()
    %dma_start3A_55 = arith.constant 1 : i32
    %dma_start3A_56 = arith.constant 128 : i32
    %dma_start3A_57 = tpu.memref_slice %arg11[%dma_start3A_56] : memref<512xf32, #tpu.memory_space<vmem>> -> memref<128xf32, #tpu.memory_space<vmem>>
    %dma_start3A_58 = arith.constant 0 : i32
    %dma_start3A_59 = tpu.memref_slice %arg10[%dma_start3A_55, %dma_start3A_58] : memref<4x128xi32, #tpu.memory_space<vmem>> -> memref<1x128xi32, #tpu.memory_space<vmem>>
    %dma_start3A_60 = tpu.memref_squeeze %dma_start3A_59 : memref<1x128xi32, #tpu.memory_space<vmem>> -> memref<128xi32, #tpu.memory_space<vmem>>
    %dma_start3A_61 = arith.constant 0 : i32
    %dma_start3A_62 = tpu.memref_slice %arg3[%dma_start3A_61] : memref<100000xf32, #tpu.memory_space<hbm>> -> memref<100000xf32, #tpu.memory_space<hbm>>
    tpu.enqueue_indirect_dma source(%dma_start3A_62 : memref<100000xf32, #tpu.memory_space<hbm>>) target(%dma_start3A_57 : memref<128xf32, #tpu.memory_space<vmem>>) offsets(%dma_start3A_60 : memref<128xi32, #tpu.memory_space<vmem>>) semaphore(%arg18 : memref<!tpu.dma_semaphore, #tpu.memory_space<semaphore_mem>>)
    %dma_start3A_63 = arith.constant 1 : i32
    %dma_start3A_64 = arith.constant 128 : i32
    %dma_start3A_65 = tpu.memref_slice %arg12[%dma_start3A_64] : memref<512xf32, #tpu.memory_space<vmem>> -> memref<128xf32, #tpu.memory_space<vmem>>
    %dma_start3A_66 = arith.constant 0 : i32
    %dma_start3A_67 = tpu.memref_slice %arg10[%dma_start3A_63, %dma_start3A_66] : memref<4x128xi32, #tpu.memory_space<vmem>> -> memref<1x128xi32, #tpu.memory_space<vmem>>
    %dma_start3A_68 = tpu.memref_squeeze %dma_start3A_67 : memref<1x128xi32, #tpu.memory_space<vmem>> -> memref<128xi32, #tpu.memory_space<vmem>>
    %dma_start3A_69 = arith.constant 0 : i32
    %dma_start3A_70 = tpu.memref_slice %arg4[%dma_start3A_69] : memref<100000xf32, #tpu.memory_space<hbm>> -> memref<100000xf32, #tpu.memory_space<hbm>>
    tpu.enqueue_indirect_dma source(%dma_start3A_70 : memref<100000xf32, #tpu.memory_space<hbm>>) target(%dma_start3A_65 : memref<128xf32, #tpu.memory_space<vmem>>) offsets(%dma_start3A_68 : memref<128xi32, #tpu.memory_space<vmem>>) semaphore(%arg18 : memref<!tpu.dma_semaphore, #tpu.memory_space<semaphore_mem>>)
    %dma_start3A_71 = arith.constant 1 : i32
    %dma_start3A_72 = arith.constant 128 : i32
    %dma_start3A_73 = tpu.memref_slice %arg13[%dma_start3A_72] : memref<512xf32, #tpu.memory_space<vmem>> -> memref<128xf32, #tpu.memory_space<vmem>>
    %dma_start3A_74 = arith.constant 0 : i32
    %dma_start3A_75 = tpu.memref_slice %arg10[%dma_start3A_71, %dma_start3A_74] : memref<4x128xi32, #tpu.memory_space<vmem>> -> memref<1x128xi32, #tpu.memory_space<vmem>>
    %dma_start3A_76 = tpu.memref_squeeze %dma_start3A_75 : memref<1x128xi32, #tpu.memory_space<vmem>> -> memref<128xi32, #tpu.memory_space<vmem>>
    %dma_start3A_77 = arith.constant 0 : i32
    %dma_start3A_78 = tpu.memref_slice %arg5[%dma_start3A_77] : memref<100000xf32, #tpu.memory_space<hbm>> -> memref<100000xf32, #tpu.memory_space<hbm>>
    tpu.enqueue_indirect_dma source(%dma_start3A_78 : memref<100000xf32, #tpu.memory_space<hbm>>) target(%dma_start3A_73 : memref<128xf32, #tpu.memory_space<vmem>>) offsets(%dma_start3A_76 : memref<128xi32, #tpu.memory_space<vmem>>) semaphore(%arg18 : memref<!tpu.dma_semaphore, #tpu.memory_space<semaphore_mem>>)
    %dma_start3A_79 = arith.constant 1 : i32
    %dma_start3A_80 = arith.constant 128 : i32
    %dma_start3A_81 = tpu.memref_slice %arg14[%dma_start3A_80] : memref<512xf32, #tpu.memory_space<vmem>> -> memref<128xf32, #tpu.memory_space<vmem>>
    %dma_start3A_82 = arith.constant 0 : i32
    %dma_start3A_83 = tpu.memref_slice %arg10[%dma_start3A_79, %dma_start3A_82] : memref<4x128xi32, #tpu.memory_space<vmem>> -> memref<1x128xi32, #tpu.memory_space<vmem>>
    %dma_start3A_84 = tpu.memref_squeeze %dma_start3A_83 : memref<1x128xi32, #tpu.memory_space<vmem>> -> memref<128xi32, #tpu.memory_space<vmem>>
    %dma_start3A_85 = arith.constant 0 : i32
    %dma_start3A_86 = tpu.memref_slice %arg6[%dma_start3A_85] : memref<100000xf32, #tpu.memory_space<hbm>> -> memref<100000xf32, #tpu.memory_space<hbm>>
    tpu.enqueue_indirect_dma source(%dma_start3A_86 : memref<100000xf32, #tpu.memory_space<hbm>>) target(%dma_start3A_81 : memref<128xf32, #tpu.memory_space<vmem>>) offsets(%dma_start3A_84 : memref<128xi32, #tpu.memory_space<vmem>>) semaphore(%arg18 : memref<!tpu.dma_semaphore, #tpu.memory_space<semaphore_mem>>)
    %dma_start3A_87 = arith.constant 1 : i32
    %dma_start3A_88 = arith.constant 128 : i32
    %dma_start3A_89 = tpu.memref_slice %arg15[%dma_start3A_88] : memref<512xf32, #tpu.memory_space<vmem>> -> memref<128xf32, #tpu.memory_space<vmem>>
    %dma_start3A_90 = arith.constant 0 : i32
    %dma_start3A_91 = tpu.memref_slice %arg10[%dma_start3A_87, %dma_start3A_90] : memref<4x128xi32, #tpu.memory_space<vmem>> -> memref<1x128xi32, #tpu.memory_space<vmem>>
    %dma_start3A_92 = tpu.memref_squeeze %dma_start3A_91 : memref<1x128xi32, #tpu.memory_space<vmem>> -> memref<128xi32, #tpu.memory_space<vmem>>
    %dma_start3A_93 = arith.constant 0 : i32
    %dma_start3A_94 = tpu.memref_slice %arg7[%dma_start3A_93] : memref<100000xf32, #tpu.memory_space<hbm>> -> memref<100000xf32, #tpu.memory_space<hbm>>
    tpu.enqueue_indirect_dma source(%dma_start3A_94 : memref<100000xf32, #tpu.memory_space<hbm>>) target(%dma_start3A_89 : memref<128xf32, #tpu.memory_space<vmem>>) offsets(%dma_start3A_92 : memref<128xi32, #tpu.memory_space<vmem>>) semaphore(%arg18 : memref<!tpu.dma_semaphore, #tpu.memory_space<semaphore_mem>>)
    %dma_start3A_95 = arith.constant 1 : i32
    %dma_start3A_96 = arith.constant 128 : i32
    %dma_start3A_97 = tpu.memref_slice %arg16[%dma_start3A_96] : memref<512xf32, #tpu.memory_space<vmem>> -> memref<128xf32, #tpu.memory_space<vmem>>
    %dma_start3A_98 = arith.constant 0 : i32
    %dma_start3A_99 = tpu.memref_slice %arg10[%dma_start3A_95, %dma_start3A_98] : memref<4x128xi32, #tpu.memory_space<vmem>> -> memref<1x128xi32, #tpu.memory_space<vmem>>
    %dma_start3A_100 = tpu.memref_squeeze %dma_start3A_99 : memref<1x128xi32, #tpu.memory_space<vmem>> -> memref<128xi32, #tpu.memory_space<vmem>>
    %dma_start3A_101 = arith.constant 0 : i32
    %dma_start3A_102 = tpu.memref_slice %arg8[%dma_start3A_101] : memref<100000xf32, #tpu.memory_space<hbm>> -> memref<100000xf32, #tpu.memory_space<hbm>>
    tpu.enqueue_indirect_dma source(%dma_start3A_102 : memref<100000xf32, #tpu.memory_space<hbm>>) target(%dma_start3A_97 : memref<128xf32, #tpu.memory_space<vmem>>) offsets(%dma_start3A_100 : memref<128xi32, #tpu.memory_space<vmem>>) semaphore(%arg18 : memref<!tpu.dma_semaphore, #tpu.memory_space<semaphore_mem>>)
    %add3A_103 = arith.constant 256 : i32
    %add3A_104 = arith.addi %mul3A_2, %add3A_103 : i32
    %run_scoped3A_105 = arith.constant 2 : i32
    "tpu.region"() ({
      %run_scoped3A_465 = tpu.sem_alloc : memref<!tpu.dma_semaphore, #tpu.memory_space<semaphore_mem>>
      %dma_start3A_466 = arith.constant 0 : i32
      %dma_start3A_467 = tpu.memref_slice %arg10[%run_scoped3A_105, %dma_start3A_466] : memref<4x128xi32, #tpu.memory_space<vmem>> -> memref<1x128xi32, #tpu.memory_space<vmem>>
      %dma_start3A_468 = tpu.memref_squeeze %dma_start3A_467 : memref<1x128xi32, #tpu.memory_space<vmem>> -> memref<128xi32, #tpu.memory_space<vmem>>
      %dma_start3A_469 = tpu.memref_slice %arg2[%add3A_104] : memref<16384xi32, #tpu.memory_space<hbm>> -> memref<128xi32, #tpu.memory_space<hbm>>
      %dma_start3A_470 = arith.constant 0 : i32
      %dma_start3A_471 = tpu.memref_slice %arg10[%run_scoped3A_105, %dma_start3A_470] : memref<4x128xi32, #tpu.memory_space<vmem>> -> memref<1x128xi32, #tpu.memory_space<vmem>>
      %dma_start3A_472 = tpu.memref_squeeze %dma_start3A_471 : memref<1x128xi32, #tpu.memory_space<vmem>> -> memref<128xi32, #tpu.memory_space<vmem>>
      %dma_start3A_473 = tpu.memref_slice %arg2[%add3A_104] : memref<16384xi32, #tpu.memory_space<hbm>> -> memref<128xi32, #tpu.memory_space<hbm>>
      tpu.enqueue_dma source(%dma_start3A_473 : memref<128xi32, #tpu.memory_space<hbm>>) target(%dma_start3A_472 : memref<128xi32, #tpu.memory_space<vmem>>) target_semaphore(%run_scoped3A_465 : memref<!tpu.dma_semaphore, #tpu.memory_space<semaphore_mem>>)
      %dma_wait3A_474 = arith.constant 0 : i32
      %dma_wait3A_475 = tpu.memref_slice %arg10[%run_scoped3A_105, %dma_wait3A_474] : memref<4x128xi32, #tpu.memory_space<vmem>> -> memref<1x128xi32, #tpu.memory_space<vmem>>
      %dma_wait3A_476 = tpu.memref_squeeze %dma_wait3A_475 : memref<1x128xi32, #tpu.memory_space<vmem>> -> memref<128xi32, #tpu.memory_space<vmem>>
      %dma_wait3A_477 = tpu.memref_slice %arg2[%add3A_104] : memref<16384xi32, #tpu.memory_space<hbm>> -> memref<128xi32, #tpu.memory_space<hbm>>
      %dma_wait3A_478 = arith.constant 0 : i32
      %dma_wait3A_479 = tpu.memref_slice %arg10[%run_scoped3A_105, %dma_wait3A_478] : memref<4x128xi32, #tpu.memory_space<vmem>> -> memref<1x128xi32, #tpu.memory_space<vmem>>
      %dma_wait3A_480 = tpu.memref_squeeze %dma_wait3A_479 : memref<1x128xi32, #tpu.memory_space<vmem>> -> memref<128xi32, #tpu.memory_space<vmem>>
      %dma_wait3A_481 = tpu.memref_slice %arg2[%add3A_104] : memref<16384xi32, #tpu.memory_space<hbm>> -> memref<128xi32, #tpu.memory_space<hbm>>
      tpu.wait_dma2 semaphore(%run_scoped3A_465 : memref<!tpu.dma_semaphore, #tpu.memory_space<semaphore_mem>>) src(%dma_wait3A_481 : memref<128xi32, #tpu.memory_space<hbm>>) dst(%dma_wait3A_480 : memref<128xi32, #tpu.memory_space<vmem>>)
      tpu.yield
    }) : () -> ()
    %dma_start3A_106 = arith.constant 2 : i32
    %dma_start3A_107 = arith.constant 256 : i32
    %dma_start3A_108 = tpu.memref_slice %arg11[%dma_start3A_107] : memref<512xf32, #tpu.memory_space<vmem>> -> memref<128xf32, #tpu.memory_space<vmem>>
    %dma_start3A_109 = arith.constant 0 : i32
    %dma_start3A_110 = tpu.memref_slice %arg10[%dma_start3A_106, %dma_start3A_109] : memref<4x128xi32, #tpu.memory_space<vmem>> -> memref<1x128xi32, #tpu.memory_space<vmem>>
    %dma_start3A_111 = tpu.memref_squeeze %dma_start3A_110 : memref<1x128xi32, #tpu.memory_space<vmem>> -> memref<128xi32, #tpu.memory_space<vmem>>
    %dma_start3A_112 = arith.constant 0 : i32
    %dma_start3A_113 = tpu.memref_slice %arg3[%dma_start3A_112] : memref<100000xf32, #tpu.memory_space<hbm>> -> memref<100000xf32, #tpu.memory_space<hbm>>
    tpu.enqueue_indirect_dma source(%dma_start3A_113 : memref<100000xf32, #tpu.memory_space<hbm>>) target(%dma_start3A_108 : memref<128xf32, #tpu.memory_space<vmem>>) offsets(%dma_start3A_111 : memref<128xi32, #tpu.memory_space<vmem>>) semaphore(%arg19 : memref<!tpu.dma_semaphore, #tpu.memory_space<semaphore_mem>>)
    %dma_start3A_114 = arith.constant 2 : i32
    %dma_start3A_115 = arith.constant 256 : i32
    %dma_start3A_116 = tpu.memref_slice %arg12[%dma_start3A_115] : memref<512xf32, #tpu.memory_space<vmem>> -> memref<128xf32, #tpu.memory_space<vmem>>
    %dma_start3A_117 = arith.constant 0 : i32
    %dma_start3A_118 = tpu.memref_slice %arg10[%dma_start3A_114, %dma_start3A_117] : memref<4x128xi32, #tpu.memory_space<vmem>> -> memref<1x128xi32, #tpu.memory_space<vmem>>
    %dma_start3A_119 = tpu.memref_squeeze %dma_start3A_118 : memref<1x128xi32, #tpu.memory_space<vmem>> -> memref<128xi32, #tpu.memory_space<vmem>>
    %dma_start3A_120 = arith.constant 0 : i32
    %dma_start3A_121 = tpu.memref_slice %arg4[%dma_start3A_120] : memref<100000xf32, #tpu.memory_space<hbm>> -> memref<100000xf32, #tpu.memory_space<hbm>>
    tpu.enqueue_indirect_dma source(%dma_start3A_121 : memref<100000xf32, #tpu.memory_space<hbm>>) target(%dma_start3A_116 : memref<128xf32, #tpu.memory_space<vmem>>) offsets(%dma_start3A_119 : memref<128xi32, #tpu.memory_space<vmem>>) semaphore(%arg19 : memref<!tpu.dma_semaphore, #tpu.memory_space<semaphore_mem>>)
    %dma_start3A_122 = arith.constant 2 : i32
    %dma_start3A_123 = arith.constant 256 : i32
    %dma_start3A_124 = tpu.memref_slice %arg13[%dma_start3A_123] : memref<512xf32, #tpu.memory_space<vmem>> -> memref<128xf32, #tpu.memory_space<vmem>>
    %dma_start3A_125 = arith.constant 0 : i32
    %dma_start3A_126 = tpu.memref_slice %arg10[%dma_start3A_122, %dma_start3A_125] : memref<4x128xi32, #tpu.memory_space<vmem>> -> memref<1x128xi32, #tpu.memory_space<vmem>>
    %dma_start3A_127 = tpu.memref_squeeze %dma_start3A_126 : memref<1x128xi32, #tpu.memory_space<vmem>> -> memref<128xi32, #tpu.memory_space<vmem>>
    %dma_start3A_128 = arith.constant 0 : i32
    %dma_start3A_129 = tpu.memref_slice %arg5[%dma_start3A_128] : memref<100000xf32, #tpu.memory_space<hbm>> -> memref<100000xf32, #tpu.memory_space<hbm>>
    tpu.enqueue_indirect_dma source(%dma_start3A_129 : memref<100000xf32, #tpu.memory_space<hbm>>) target(%dma_start3A_124 : memref<128xf32, #tpu.memory_space<vmem>>) offsets(%dma_start3A_127 : memref<128xi32, #tpu.memory_space<vmem>>) semaphore(%arg19 : memref<!tpu.dma_semaphore, #tpu.memory_space<semaphore_mem>>)
    %dma_start3A_130 = arith.constant 2 : i32
    %dma_start3A_131 = arith.constant 256 : i32
    %dma_start3A_132 = tpu.memref_slice %arg14[%dma_start3A_131] : memref<512xf32, #tpu.memory_space<vmem>> -> memref<128xf32, #tpu.memory_space<vmem>>
    %dma_start3A_133 = arith.constant 0 : i32
    %dma_start3A_134 = tpu.memref_slice %arg10[%dma_start3A_130, %dma_start3A_133] : memref<4x128xi32, #tpu.memory_space<vmem>> -> memref<1x128xi32, #tpu.memory_space<vmem>>
    %dma_start3A_135 = tpu.memref_squeeze %dma_start3A_134 : memref<1x128xi32, #tpu.memory_space<vmem>> -> memref<128xi32, #tpu.memory_space<vmem>>
    %dma_start3A_136 = arith.constant 0 : i32
    %dma_start3A_137 = tpu.memref_slice %arg6[%dma_start3A_136] : memref<100000xf32, #tpu.memory_space<hbm>> -> memref<100000xf32, #tpu.memory_space<hbm>>
    tpu.enqueue_indirect_dma source(%dma_start3A_137 : memref<100000xf32, #tpu.memory_space<hbm>>) target(%dma_start3A_132 : memref<128xf32, #tpu.memory_space<vmem>>) offsets(%dma_start3A_135 : memref<128xi32, #tpu.memory_space<vmem>>) semaphore(%arg19 : memref<!tpu.dma_semaphore, #tpu.memory_space<semaphore_mem>>)
    %dma_start3A_138 = arith.constant 2 : i32
    %dma_start3A_139 = arith.constant 256 : i32
    %dma_start3A_140 = tpu.memref_slice %arg15[%dma_start3A_139] : memref<512xf32, #tpu.memory_space<vmem>> -> memref<128xf32, #tpu.memory_space<vmem>>
    %dma_start3A_141 = arith.constant 0 : i32
    %dma_start3A_142 = tpu.memref_slice %arg10[%dma_start3A_138, %dma_start3A_141] : memref<4x128xi32, #tpu.memory_space<vmem>> -> memref<1x128xi32, #tpu.memory_space<vmem>>
    %dma_start3A_143 = tpu.memref_squeeze %dma_start3A_142 : memref<1x128xi32, #tpu.memory_space<vmem>> -> memref<128xi32, #tpu.memory_space<vmem>>
    %dma_start3A_144 = arith.constant 0 : i32
    %dma_start3A_145 = tpu.memref_slice %arg7[%dma_start3A_144] : memref<100000xf32, #tpu.memory_space<hbm>> -> memref<100000xf32, #tpu.memory_space<hbm>>
    tpu.enqueue_indirect_dma source(%dma_start3A_145 : memref<100000xf32, #tpu.memory_space<hbm>>) target(%dma_start3A_140 : memref<128xf32, #tpu.memory_space<vmem>>) offsets(%dma_start3A_143 : memref<128xi32, #tpu.memory_space<vmem>>) semaphore(%arg19 : memref<!tpu.dma_semaphore, #tpu.memory_space<semaphore_mem>>)
    %dma_start3A_146 = arith.constant 2 : i32
    %dma_start3A_147 = arith.constant 256 : i32
    %dma_start3A_148 = tpu.memref_slice %arg16[%dma_start3A_147] : memref<512xf32, #tpu.memory_space<vmem>> -> memref<128xf32, #tpu.memory_space<vmem>>
    %dma_start3A_149 = arith.constant 0 : i32
    %dma_start3A_150 = tpu.memref_slice %arg10[%dma_start3A_146, %dma_start3A_149] : memref<4x128xi32, #tpu.memory_space<vmem>> -> memref<1x128xi32, #tpu.memory_space<vmem>>
    %dma_start3A_151 = tpu.memref_squeeze %dma_start3A_150 : memref<1x128xi32, #tpu.memory_space<vmem>> -> memref<128xi32, #tpu.memory_space<vmem>>
    %dma_start3A_152 = arith.constant 0 : i32
    %dma_start3A_153 = tpu.memref_slice %arg8[%dma_start3A_152] : memref<100000xf32, #tpu.memory_space<hbm>> -> memref<100000xf32, #tpu.memory_space<hbm>>
    tpu.enqueue_indirect_dma source(%dma_start3A_153 : memref<100000xf32, #tpu.memory_space<hbm>>) target(%dma_start3A_148 : memref<128xf32, #tpu.memory_space<vmem>>) offsets(%dma_start3A_151 : memref<128xi32, #tpu.memory_space<vmem>>) semaphore(%arg19 : memref<!tpu.dma_semaphore, #tpu.memory_space<semaphore_mem>>)
    %add3A_154 = arith.constant 384 : i32
    %add3A_155 = arith.addi %mul3A_2, %add3A_154 : i32
    %run_scoped3A_156 = arith.constant 3 : i32
    "tpu.region"() ({
      %run_scoped3A_465 = tpu.sem_alloc : memref<!tpu.dma_semaphore, #tpu.memory_space<semaphore_mem>>
      %dma_start3A_466 = arith.constant 0 : i32
      %dma_start3A_467 = tpu.memref_slice %arg10[%run_scoped3A_156, %dma_start3A_466] : memref<4x128xi32, #tpu.memory_space<vmem>> -> memref<1x128xi32, #tpu.memory_space<vmem>>
      %dma_start3A_468 = tpu.memref_squeeze %dma_start3A_467 : memref<1x128xi32, #tpu.memory_space<vmem>> -> memref<128xi32, #tpu.memory_space<vmem>>
      %dma_start3A_469 = tpu.memref_slice %arg2[%add3A_155] : memref<16384xi32, #tpu.memory_space<hbm>> -> memref<128xi32, #tpu.memory_space<hbm>>
      %dma_start3A_470 = arith.constant 0 : i32
      %dma_start3A_471 = tpu.memref_slice %arg10[%run_scoped3A_156, %dma_start3A_470] : memref<4x128xi32, #tpu.memory_space<vmem>> -> memref<1x128xi32, #tpu.memory_space<vmem>>
      %dma_start3A_472 = tpu.memref_squeeze %dma_start3A_471 : memref<1x128xi32, #tpu.memory_space<vmem>> -> memref<128xi32, #tpu.memory_space<vmem>>
      %dma_start3A_473 = tpu.memref_slice %arg2[%add3A_155] : memref<16384xi32, #tpu.memory_space<hbm>> -> memref<128xi32, #tpu.memory_space<hbm>>
      tpu.enqueue_dma source(%dma_start3A_473 : memref<128xi32, #tpu.memory_space<hbm>>) target(%dma_start3A_472 : memref<128xi32, #tpu.memory_space<vmem>>) target_semaphore(%run_scoped3A_465 : memref<!tpu.dma_semaphore, #tpu.memory_space<semaphore_mem>>)
      %dma_wait3A_474 = arith.constant 0 : i32
      %dma_wait3A_475 = tpu.memref_slice %arg10[%run_scoped3A_156, %dma_wait3A_474] : memref<4x128xi32, #tpu.memory_space<vmem>> -> memref<1x128xi32, #tpu.memory_space<vmem>>
      %dma_wait3A_476 = tpu.memref_squeeze %dma_wait3A_475 : memref<1x128xi32, #tpu.memory_space<vmem>> -> memref<128xi32, #tpu.memory_space<vmem>>
      %dma_wait3A_477 = tpu.memref_slice %arg2[%add3A_155] : memref<16384xi32, #tpu.memory_space<hbm>> -> memref<128xi32, #tpu.memory_space<hbm>>
      %dma_wait3A_478 = arith.constant 0 : i32
      %dma_wait3A_479 = tpu.memref_slice %arg10[%run_scoped3A_156, %dma_wait3A_478] : memref<4x128xi32, #tpu.memory_space<vmem>> -> memref<1x128xi32, #tpu.memory_space<vmem>>
      %dma_wait3A_480 = tpu.memref_squeeze %dma_wait3A_479 : memref<1x128xi32, #tpu.memory_space<vmem>> -> memref<128xi32, #tpu.memory_space<vmem>>
      %dma_wait3A_481 = tpu.memref_slice %arg2[%add3A_155] : memref<16384xi32, #tpu.memory_space<hbm>> -> memref<128xi32, #tpu.memory_space<hbm>>
      tpu.wait_dma2 semaphore(%run_scoped3A_465 : memref<!tpu.dma_semaphore, #tpu.memory_space<semaphore_mem>>) src(%dma_wait3A_481 : memref<128xi32, #tpu.memory_space<hbm>>) dst(%dma_wait3A_480 : memref<128xi32, #tpu.memory_space<vmem>>)
      tpu.yield
    }) : () -> ()
    %dma_start3A_157 = arith.constant 3 : i32
    %dma_start3A_158 = arith.constant 384 : i32
    %dma_start3A_159 = tpu.memref_slice %arg11[%dma_start3A_158] : memref<512xf32, #tpu.memory_space<vmem>> -> memref<128xf32, #tpu.memory_space<vmem>>
    %dma_start3A_160 = arith.constant 0 : i32
    %dma_start3A_161 = tpu.memref_slice %arg10[%dma_start3A_157, %dma_start3A_160] : memref<4x128xi32, #tpu.memory_space<vmem>> -> memref<1x128xi32, #tpu.memory_space<vmem>>
    %dma_start3A_162 = tpu.memref_squeeze %dma_start3A_161 : memref<1x128xi32, #tpu.memory_space<vmem>> -> memref<128xi32, #tpu.memory_space<vmem>>
    %dma_start3A_163 = arith.constant 0 : i32
    %dma_start3A_164 = tpu.memref_slice %arg3[%dma_start3A_163] : memref<100000xf32, #tpu.memory_space<hbm>> -> memref<100000xf32, #tpu.memory_space<hbm>>
    tpu.enqueue_indirect_dma source(%dma_start3A_164 : memref<100000xf32, #tpu.memory_space<hbm>>) target(%dma_start3A_159 : memref<128xf32, #tpu.memory_space<vmem>>) offsets(%dma_start3A_162 : memref<128xi32, #tpu.memory_space<vmem>>) semaphore(%arg19 : memref<!tpu.dma_semaphore, #tpu.memory_space<semaphore_mem>>)
    %dma_start3A_165 = arith.constant 3 : i32
    %dma_start3A_166 = arith.constant 384 : i32
    %dma_start3A_167 = tpu.memref_slice %arg12[%dma_start3A_166] : memref<512xf32, #tpu.memory_space<vmem>> -> memref<128xf32, #tpu.memory_space<vmem>>
    %dma_start3A_168 = arith.constant 0 : i32
    %dma_start3A_169 = tpu.memref_slice %arg10[%dma_start3A_165, %dma_start3A_168] : memref<4x128xi32, #tpu.memory_space<vmem>> -> memref<1x128xi32, #tpu.memory_space<vmem>>
    %dma_start3A_170 = tpu.memref_squeeze %dma_start3A_169 : memref<1x128xi32, #tpu.memory_space<vmem>> -> memref<128xi32, #tpu.memory_space<vmem>>
    %dma_start3A_171 = arith.constant 0 : i32
    %dma_start3A_172 = tpu.memref_slice %arg4[%dma_start3A_171] : memref<100000xf32, #tpu.memory_space<hbm>> -> memref<100000xf32, #tpu.memory_space<hbm>>
    tpu.enqueue_indirect_dma source(%dma_start3A_172 : memref<100000xf32, #tpu.memory_space<hbm>>) target(%dma_start3A_167 : memref<128xf32, #tpu.memory_space<vmem>>) offsets(%dma_start3A_170 : memref<128xi32, #tpu.memory_space<vmem>>) semaphore(%arg19 : memref<!tpu.dma_semaphore, #tpu.memory_space<semaphore_mem>>)
    %dma_start3A_173 = arith.constant 3 : i32
    %dma_start3A_174 = arith.constant 384 : i32
    %dma_start3A_175 = tpu.memref_slice %arg13[%dma_start3A_174] : memref<512xf32, #tpu.memory_space<vmem>> -> memref<128xf32, #tpu.memory_space<vmem>>
    %dma_start3A_176 = arith.constant 0 : i32
    %dma_start3A_177 = tpu.memref_slice %arg10[%dma_start3A_173, %dma_start3A_176] : memref<4x128xi32, #tpu.memory_space<vmem>> -> memref<1x128xi32, #tpu.memory_space<vmem>>
    %dma_start3A_178 = tpu.memref_squeeze %dma_start3A_177 : memref<1x128xi32, #tpu.memory_space<vmem>> -> memref<128xi32, #tpu.memory_space<vmem>>
    %dma_start3A_179 = arith.constant 0 : i32
    %dma_start3A_180 = tpu.memref_slice %arg5[%dma_start3A_179] : memref<100000xf32, #tpu.memory_space<hbm>> -> memref<100000xf32, #tpu.memory_space<hbm>>
    tpu.enqueue_indirect_dma source(%dma_start3A_180 : memref<100000xf32, #tpu.memory_space<hbm>>) target(%dma_start3A_175 : memref<128xf32, #tpu.memory_space<vmem>>) offsets(%dma_start3A_178 : memref<128xi32, #tpu.memory_space<vmem>>) semaphore(%arg19 : memref<!tpu.dma_semaphore, #tpu.memory_space<semaphore_mem>>)
    %dma_start3A_181 = arith.constant 3 : i32
    %dma_start3A_182 = arith.constant 384 : i32
    %dma_start3A_183 = tpu.memref_slice %arg14[%dma_start3A_182] : memref<512xf32, #tpu.memory_space<vmem>> -> memref<128xf32, #tpu.memory_space<vmem>>
    %dma_start3A_184 = arith.constant 0 : i32
    %dma_start3A_185 = tpu.memref_slice %arg10[%dma_start3A_181, %dma_start3A_184] : memref<4x128xi32, #tpu.memory_space<vmem>> -> memref<1x128xi32, #tpu.memory_space<vmem>>
    %dma_start3A_186 = tpu.memref_squeeze %dma_start3A_185 : memref<1x128xi32, #tpu.memory_space<vmem>> -> memref<128xi32, #tpu.memory_space<vmem>>
    %dma_start3A_187 = arith.constant 0 : i32
    %dma_start3A_188 = tpu.memref_slice %arg6[%dma_start3A_187] : memref<100000xf32, #tpu.memory_space<hbm>> -> memref<100000xf32, #tpu.memory_space<hbm>>
    tpu.enqueue_indirect_dma source(%dma_start3A_188 : memref<100000xf32, #tpu.memory_space<hbm>>) target(%dma_start3A_183 : memref<128xf32, #tpu.memory_space<vmem>>) offsets(%dma_start3A_186 : memref<128xi32, #tpu.memory_space<vmem>>) semaphore(%arg19 : memref<!tpu.dma_semaphore, #tpu.memory_space<semaphore_mem>>)
    %dma_start3A_189 = arith.constant 3 : i32
    %dma_start3A_190 = arith.constant 384 : i32
    %dma_start3A_191 = tpu.memref_slice %arg15[%dma_start3A_190] : memref<512xf32, #tpu.memory_space<vmem>> -> memref<128xf32, #tpu.memory_space<vmem>>
    %dma_start3A_192 = arith.constant 0 : i32
    %dma_start3A_193 = tpu.memref_slice %arg10[%dma_start3A_189, %dma_start3A_192] : memref<4x128xi32, #tpu.memory_space<vmem>> -> memref<1x128xi32, #tpu.memory_space<vmem>>
    %dma_start3A_194 = tpu.memref_squeeze %dma_start3A_193 : memref<1x128xi32, #tpu.memory_space<vmem>> -> memref<128xi32, #tpu.memory_space<vmem>>
    %dma_start3A_195 = arith.constant 0 : i32
    %dma_start3A_196 = tpu.memref_slice %arg7[%dma_start3A_195] : memref<100000xf32, #tpu.memory_space<hbm>> -> memref<100000xf32, #tpu.memory_space<hbm>>
    tpu.enqueue_indirect_dma source(%dma_start3A_196 : memref<100000xf32, #tpu.memory_space<hbm>>) target(%dma_start3A_191 : memref<128xf32, #tpu.memory_space<vmem>>) offsets(%dma_start3A_194 : memref<128xi32, #tpu.memory_space<vmem>>) semaphore(%arg19 : memref<!tpu.dma_semaphore, #tpu.memory_space<semaphore_mem>>)
    %dma_start3A_197 = arith.constant 3 : i32
    %dma_start3A_198 = arith.constant 384 : i32
    %dma_start3A_199 = tpu.memref_slice %arg16[%dma_start3A_198] : memref<512xf32, #tpu.memory_space<vmem>> -> memref<128xf32, #tpu.memory_space<vmem>>
    %dma_start3A_200 = arith.constant 0 : i32
    %dma_start3A_201 = tpu.memref_slice %arg10[%dma_start3A_197, %dma_start3A_200] : memref<4x128xi32, #tpu.memory_space<vmem>> -> memref<1x128xi32, #tpu.memory_space<vmem>>
    %dma_start3A_202 = tpu.memref_squeeze %dma_start3A_201 : memref<1x128xi32, #tpu.memory_space<vmem>> -> memref<128xi32, #tpu.memory_space<vmem>>
    %dma_start3A_203 = arith.constant 0 : i32
    %dma_start3A_204 = tpu.memref_slice %arg8[%dma_start3A_203] : memref<100000xf32, #tpu.memory_space<hbm>> -> memref<100000xf32, #tpu.memory_space<hbm>>
    tpu.enqueue_indirect_dma source(%dma_start3A_204 : memref<100000xf32, #tpu.memory_space<hbm>>) target(%dma_start3A_199 : memref<128xf32, #tpu.memory_space<vmem>>) offsets(%dma_start3A_202 : memref<128xi32, #tpu.memory_space<vmem>>) semaphore(%arg19 : memref<!tpu.dma_semaphore, #tpu.memory_space<semaphore_mem>>)
    %dma_wait3A = arith.constant 0 : i32
    %dma_wait3A_205 = arith.constant 0 : i32
    %dma_wait3A_206 = tpu.memref_slice %arg11[%dma_wait3A_205] : memref<512xf32, #tpu.memory_space<vmem>> -> memref<128xf32, #tpu.memory_space<vmem>>
    %dma_wait3A_207 = arith.constant 0 : i32
    %dma_wait3A_208 = tpu.memref_slice %arg10[%dma_wait3A, %dma_wait3A_207] : memref<4x128xi32, #tpu.memory_space<vmem>> -> memref<1x128xi32, #tpu.memory_space<vmem>>
    %dma_wait3A_209 = tpu.memref_squeeze %dma_wait3A_208 : memref<1x128xi32, #tpu.memory_space<vmem>> -> memref<128xi32, #tpu.memory_space<vmem>>
    %dma_wait3A_210 = arith.constant 0 : i32
    %dma_wait3A_211 = tpu.memref_slice %arg3[%dma_wait3A_210] : memref<100000xf32, #tpu.memory_space<hbm>> -> memref<100000xf32, #tpu.memory_space<hbm>>
    tpu.wait_indirect_dma semaphore(%arg18 : memref<!tpu.dma_semaphore, #tpu.memory_space<semaphore_mem>>) src(%dma_wait3A_211 : memref<100000xf32, #tpu.memory_space<hbm>>) dst(%dma_wait3A_206 : memref<128xf32, #tpu.memory_space<vmem>>)
    %dma_wait3A_212 = arith.constant 0 : i32
    %dma_wait3A_213 = arith.constant 0 : i32
    %dma_wait3A_214 = tpu.memref_slice %arg12[%dma_wait3A_213] : memref<512xf32, #tpu.memory_space<vmem>> -> memref<128xf32, #tpu.memory_space<vmem>>
    %dma_wait3A_215 = arith.constant 0 : i32
    %dma_wait3A_216 = tpu.memref_slice %arg10[%dma_wait3A_212, %dma_wait3A_215] : memref<4x128xi32, #tpu.memory_space<vmem>> -> memref<1x128xi32, #tpu.memory_space<vmem>>
    %dma_wait3A_217 = tpu.memref_squeeze %dma_wait3A_216 : memref<1x128xi32, #tpu.memory_space<vmem>> -> memref<128xi32, #tpu.memory_space<vmem>>
    %dma_wait3A_218 = arith.constant 0 : i32
    %dma_wait3A_219 = tpu.memref_slice %arg4[%dma_wait3A_218] : memref<100000xf32, #tpu.memory_space<hbm>> -> memref<100000xf32, #tpu.memory_space<hbm>>
    tpu.wait_indirect_dma semaphore(%arg18 : memref<!tpu.dma_semaphore, #tpu.memory_space<semaphore_mem>>) src(%dma_wait3A_219 : memref<100000xf32, #tpu.memory_space<hbm>>) dst(%dma_wait3A_214 : memref<128xf32, #tpu.memory_space<vmem>>)
    %dma_wait3A_220 = arith.constant 0 : i32
    %dma_wait3A_221 = arith.constant 0 : i32
    %dma_wait3A_222 = tpu.memref_slice %arg13[%dma_wait3A_221] : memref<512xf32, #tpu.memory_space<vmem>> -> memref<128xf32, #tpu.memory_space<vmem>>
    %dma_wait3A_223 = arith.constant 0 : i32
    %dma_wait3A_224 = tpu.memref_slice %arg10[%dma_wait3A_220, %dma_wait3A_223] : memref<4x128xi32, #tpu.memory_space<vmem>> -> memref<1x128xi32, #tpu.memory_space<vmem>>
    %dma_wait3A_225 = tpu.memref_squeeze %dma_wait3A_224 : memref<1x128xi32, #tpu.memory_space<vmem>> -> memref<128xi32, #tpu.memory_space<vmem>>
    %dma_wait3A_226 = arith.constant 0 : i32
    %dma_wait3A_227 = tpu.memref_slice %arg5[%dma_wait3A_226] : memref<100000xf32, #tpu.memory_space<hbm>> -> memref<100000xf32, #tpu.memory_space<hbm>>
    tpu.wait_indirect_dma semaphore(%arg18 : memref<!tpu.dma_semaphore, #tpu.memory_space<semaphore_mem>>) src(%dma_wait3A_227 : memref<100000xf32, #tpu.memory_space<hbm>>) dst(%dma_wait3A_222 : memref<128xf32, #tpu.memory_space<vmem>>)
    %dma_wait3A_228 = arith.constant 0 : i32
    %dma_wait3A_229 = arith.constant 0 : i32
    %dma_wait3A_230 = tpu.memref_slice %arg14[%dma_wait3A_229] : memref<512xf32, #tpu.memory_space<vmem>> -> memref<128xf32, #tpu.memory_space<vmem>>
    %dma_wait3A_231 = arith.constant 0 : i32
    %dma_wait3A_232 = tpu.memref_slice %arg10[%dma_wait3A_228, %dma_wait3A_231] : memref<4x128xi32, #tpu.memory_space<vmem>> -> memref<1x128xi32, #tpu.memory_space<vmem>>
    %dma_wait3A_233 = tpu.memref_squeeze %dma_wait3A_232 : memref<1x128xi32, #tpu.memory_space<vmem>> -> memref<128xi32, #tpu.memory_space<vmem>>
    %dma_wait3A_234 = arith.constant 0 : i32
    %dma_wait3A_235 = tpu.memref_slice %arg6[%dma_wait3A_234] : memref<100000xf32, #tpu.memory_space<hbm>> -> memref<100000xf32, #tpu.memory_space<hbm>>
    tpu.wait_indirect_dma semaphore(%arg18 : memref<!tpu.dma_semaphore, #tpu.memory_space<semaphore_mem>>) src(%dma_wait3A_235 : memref<100000xf32, #tpu.memory_space<hbm>>) dst(%dma_wait3A_230 : memref<128xf32, #tpu.memory_space<vmem>>)
    %dma_wait3A_236 = arith.constant 0 : i32
    %dma_wait3A_237 = arith.constant 0 : i32
    %dma_wait3A_238 = tpu.memref_slice %arg15[%dma_wait3A_237] : memref<512xf32, #tpu.memory_space<vmem>> -> memref<128xf32, #tpu.memory_space<vmem>>
    %dma_wait3A_239 = arith.constant 0 : i32
    %dma_wait3A_240 = tpu.memref_slice %arg10[%dma_wait3A_236, %dma_wait3A_239] : memref<4x128xi32, #tpu.memory_space<vmem>> -> memref<1x128xi32, #tpu.memory_space<vmem>>
    %dma_wait3A_241 = tpu.memref_squeeze %dma_wait3A_240 : memref<1x128xi32, #tpu.memory_space<vmem>> -> memref<128xi32, #tpu.memory_space<vmem>>
    %dma_wait3A_242 = arith.constant 0 : i32
    %dma_wait3A_243 = tpu.memref_slice %arg7[%dma_wait3A_242] : memref<100000xf32, #tpu.memory_space<hbm>> -> memref<100000xf32, #tpu.memory_space<hbm>>
    tpu.wait_indirect_dma semaphore(%arg18 : memref<!tpu.dma_semaphore, #tpu.memory_space<semaphore_mem>>) src(%dma_wait3A_243 : memref<100000xf32, #tpu.memory_space<hbm>>) dst(%dma_wait3A_238 : memref<128xf32, #tpu.memory_space<vmem>>)
    %dma_wait3A_244 = arith.constant 0 : i32
    %dma_wait3A_245 = arith.constant 0 : i32
    %dma_wait3A_246 = tpu.memref_slice %arg16[%dma_wait3A_245] : memref<512xf32, #tpu.memory_space<vmem>> -> memref<128xf32, #tpu.memory_space<vmem>>
    %dma_wait3A_247 = arith.constant 0 : i32
    %dma_wait3A_248 = tpu.memref_slice %arg10[%dma_wait3A_244, %dma_wait3A_247] : memref<4x128xi32, #tpu.memory_space<vmem>> -> memref<1x128xi32, #tpu.memory_space<vmem>>
    %dma_wait3A_249 = tpu.memref_squeeze %dma_wait3A_248 : memref<1x128xi32, #tpu.memory_space<vmem>> -> memref<128xi32, #tpu.memory_space<vmem>>
    %dma_wait3A_250 = arith.constant 0 : i32
    %dma_wait3A_251 = tpu.memref_slice %arg8[%dma_wait3A_250] : memref<100000xf32, #tpu.memory_space<hbm>> -> memref<100000xf32, #tpu.memory_space<hbm>>
    tpu.wait_indirect_dma semaphore(%arg18 : memref<!tpu.dma_semaphore, #tpu.memory_space<semaphore_mem>>) src(%dma_wait3A_251 : memref<100000xf32, #tpu.memory_space<hbm>>) dst(%dma_wait3A_246 : memref<128xf32, #tpu.memory_space<vmem>>)
    %dma_wait3A_252 = arith.constant 1 : i32
    %dma_wait3A_253 = arith.constant 128 : i32
    %dma_wait3A_254 = tpu.memref_slice %arg11[%dma_wait3A_253] : memref<512xf32, #tpu.memory_space<vmem>> -> memref<128xf32, #tpu.memory_space<vmem>>
    %dma_wait3A_255 = arith.constant 0 : i32
    %dma_wait3A_256 = tpu.memref_slice %arg10[%dma_wait3A_252, %dma_wait3A_255] : memref<4x128xi32, #tpu.memory_space<vmem>> -> memref<1x128xi32, #tpu.memory_space<vmem>>
    %dma_wait3A_257 = tpu.memref_squeeze %dma_wait3A_256 : memref<1x128xi32, #tpu.memory_space<vmem>> -> memref<128xi32, #tpu.memory_space<vmem>>
    %dma_wait3A_258 = arith.constant 0 : i32
    %dma_wait3A_259 = tpu.memref_slice %arg3[%dma_wait3A_258] : memref<100000xf32, #tpu.memory_space<hbm>> -> memref<100000xf32, #tpu.memory_space<hbm>>
    tpu.wait_indirect_dma semaphore(%arg18 : memref<!tpu.dma_semaphore, #tpu.memory_space<semaphore_mem>>) src(%dma_wait3A_259 : memref<100000xf32, #tpu.memory_space<hbm>>) dst(%dma_wait3A_254 : memref<128xf32, #tpu.memory_space<vmem>>)
    %dma_wait3A_260 = arith.constant 1 : i32
    %dma_wait3A_261 = arith.constant 128 : i32
    %dma_wait3A_262 = tpu.memref_slice %arg12[%dma_wait3A_261] : memref<512xf32, #tpu.memory_space<vmem>> -> memref<128xf32, #tpu.memory_space<vmem>>
    %dma_wait3A_263 = arith.constant 0 : i32
    %dma_wait3A_264 = tpu.memref_slice %arg10[%dma_wait3A_260, %dma_wait3A_263] : memref<4x128xi32, #tpu.memory_space<vmem>> -> memref<1x128xi32, #tpu.memory_space<vmem>>
    %dma_wait3A_265 = tpu.memref_squeeze %dma_wait3A_264 : memref<1x128xi32, #tpu.memory_space<vmem>> -> memref<128xi32, #tpu.memory_space<vmem>>
    %dma_wait3A_266 = arith.constant 0 : i32
    %dma_wait3A_267 = tpu.memref_slice %arg4[%dma_wait3A_266] : memref<100000xf32, #tpu.memory_space<hbm>> -> memref<100000xf32, #tpu.memory_space<hbm>>
    tpu.wait_indirect_dma semaphore(%arg18 : memref<!tpu.dma_semaphore, #tpu.memory_space<semaphore_mem>>) src(%dma_wait3A_267 : memref<100000xf32, #tpu.memory_space<hbm>>) dst(%dma_wait3A_262 : memref<128xf32, #tpu.memory_space<vmem>>)
    %dma_wait3A_268 = arith.constant 1 : i32
    %dma_wait3A_269 = arith.constant 128 : i32
    %dma_wait3A_270 = tpu.memref_slice %arg13[%dma_wait3A_269] : memref<512xf32, #tpu.memory_space<vmem>> -> memref<128xf32, #tpu.memory_space<vmem>>
    %dma_wait3A_271 = arith.constant 0 : i32
    %dma_wait3A_272 = tpu.memref_slice %arg10[%dma_wait3A_268, %dma_wait3A_271] : memref<4x128xi32, #tpu.memory_space<vmem>> -> memref<1x128xi32, #tpu.memory_space<vmem>>
    %dma_wait3A_273 = tpu.memref_squeeze %dma_wait3A_272 : memref<1x128xi32, #tpu.memory_space<vmem>> -> memref<128xi32, #tpu.memory_space<vmem>>
    %dma_wait3A_274 = arith.constant 0 : i32
    %dma_wait3A_275 = tpu.memref_slice %arg5[%dma_wait3A_274] : memref<100000xf32, #tpu.memory_space<hbm>> -> memref<100000xf32, #tpu.memory_space<hbm>>
    tpu.wait_indirect_dma semaphore(%arg18 : memref<!tpu.dma_semaphore, #tpu.memory_space<semaphore_mem>>) src(%dma_wait3A_275 : memref<100000xf32, #tpu.memory_space<hbm>>) dst(%dma_wait3A_270 : memref<128xf32, #tpu.memory_space<vmem>>)
    %dma_wait3A_276 = arith.constant 1 : i32
    %dma_wait3A_277 = arith.constant 128 : i32
    %dma_wait3A_278 = tpu.memref_slice %arg14[%dma_wait3A_277] : memref<512xf32, #tpu.memory_space<vmem>> -> memref<128xf32, #tpu.memory_space<vmem>>
    %dma_wait3A_279 = arith.constant 0 : i32
    %dma_wait3A_280 = tpu.memref_slice %arg10[%dma_wait3A_276, %dma_wait3A_279] : memref<4x128xi32, #tpu.memory_space<vmem>> -> memref<1x128xi32, #tpu.memory_space<vmem>>
    %dma_wait3A_281 = tpu.memref_squeeze %dma_wait3A_280 : memref<1x128xi32, #tpu.memory_space<vmem>> -> memref<128xi32, #tpu.memory_space<vmem>>
    %dma_wait3A_282 = arith.constant 0 : i32
    %dma_wait3A_283 = tpu.memref_slice %arg6[%dma_wait3A_282] : memref<100000xf32, #tpu.memory_space<hbm>> -> memref<100000xf32, #tpu.memory_space<hbm>>
    tpu.wait_indirect_dma semaphore(%arg18 : memref<!tpu.dma_semaphore, #tpu.memory_space<semaphore_mem>>) src(%dma_wait3A_283 : memref<100000xf32, #tpu.memory_space<hbm>>) dst(%dma_wait3A_278 : memref<128xf32, #tpu.memory_space<vmem>>)
    %dma_wait3A_284 = arith.constant 1 : i32
    %dma_wait3A_285 = arith.constant 128 : i32
    %dma_wait3A_286 = tpu.memref_slice %arg15[%dma_wait3A_285] : memref<512xf32, #tpu.memory_space<vmem>> -> memref<128xf32, #tpu.memory_space<vmem>>
    %dma_wait3A_287 = arith.constant 0 : i32
    %dma_wait3A_288 = tpu.memref_slice %arg10[%dma_wait3A_284, %dma_wait3A_287] : memref<4x128xi32, #tpu.memory_space<vmem>> -> memref<1x128xi32, #tpu.memory_space<vmem>>
    %dma_wait3A_289 = tpu.memref_squeeze %dma_wait3A_288 : memref<1x128xi32, #tpu.memory_space<vmem>> -> memref<128xi32, #tpu.memory_space<vmem>>
    %dma_wait3A_290 = arith.constant 0 : i32
    %dma_wait3A_291 = tpu.memref_slice %arg7[%dma_wait3A_290] : memref<100000xf32, #tpu.memory_space<hbm>> -> memref<100000xf32, #tpu.memory_space<hbm>>
    tpu.wait_indirect_dma semaphore(%arg18 : memref<!tpu.dma_semaphore, #tpu.memory_space<semaphore_mem>>) src(%dma_wait3A_291 : memref<100000xf32, #tpu.memory_space<hbm>>) dst(%dma_wait3A_286 : memref<128xf32, #tpu.memory_space<vmem>>)
    %dma_wait3A_292 = arith.constant 1 : i32
    %dma_wait3A_293 = arith.constant 128 : i32
    %dma_wait3A_294 = tpu.memref_slice %arg16[%dma_wait3A_293] : memref<512xf32, #tpu.memory_space<vmem>> -> memref<128xf32, #tpu.memory_space<vmem>>
    %dma_wait3A_295 = arith.constant 0 : i32
    %dma_wait3A_296 = tpu.memref_slice %arg10[%dma_wait3A_292, %dma_wait3A_295] : memref<4x128xi32, #tpu.memory_space<vmem>> -> memref<1x128xi32, #tpu.memory_space<vmem>>
    %dma_wait3A_297 = tpu.memref_squeeze %dma_wait3A_296 : memref<1x128xi32, #tpu.memory_space<vmem>> -> memref<128xi32, #tpu.memory_space<vmem>>
    %dma_wait3A_298 = arith.constant 0 : i32
    %dma_wait3A_299 = tpu.memref_slice %arg8[%dma_wait3A_298] : memref<100000xf32, #tpu.memory_space<hbm>> -> memref<100000xf32, #tpu.memory_space<hbm>>
    tpu.wait_indirect_dma semaphore(%arg18 : memref<!tpu.dma_semaphore, #tpu.memory_space<semaphore_mem>>) src(%dma_wait3A_299 : memref<100000xf32, #tpu.memory_space<hbm>>) dst(%dma_wait3A_294 : memref<128xf32, #tpu.memory_space<vmem>>)
    %parallel_loop3A = arith.constant 0 : i32
    %parallel_loop3A_300 = arith.constant 16 : i32
    %parallel_loop3A_301 = arith.constant 1 : i32
    scf.for %parallel_loop3A_465 = %parallel_loop3A to %parallel_loop3A_300 step %parallel_loop3A_301  : i32 {
      %parallel_loop3A_466 = arith.constant 16 : i32
      %parallel_loop3A_467 = arith.muli %parallel_loop3A_465, %parallel_loop3A_466 : i32
      %parallel_loop3A_468 = tpu.assume_multiple %parallel_loop3A_467, 16 : i32
      %parallel_loop3A_469 = arith.index_cast %parallel_loop3A_468 : i32 to index
      %parallel_loop3A_470 = tpu.vector_load %arg11[%parallel_loop3A_469] {strides = array<i32>} : memref<512xf32, #tpu.memory_space<vmem>>, vector<16xf32>,
      %parallel_loop3A_471 = arith.index_cast %parallel_loop3A_468 : i32 to index
      %parallel_loop3A_472 = tpu.vector_load %arg12[%parallel_loop3A_471] {strides = array<i32>} : memref<512xf32, #tpu.memory_space<vmem>>, vector<16xf32>,
      %parallel_loop3A_473 = arith.index_cast %parallel_loop3A_468 : i32 to index
      %parallel_loop3A_474 = tpu.vector_load %arg13[%parallel_loop3A_473] {strides = array<i32>} : memref<512xf32, #tpu.memory_space<vmem>>, vector<16xf32>,
      %parallel_loop3A_475 = arith.index_cast %parallel_loop3A_468 : i32 to index
      %parallel_loop3A_476 = tpu.vector_load %arg14[%parallel_loop3A_475] {strides = array<i32>} : memref<512xf32, #tpu.memory_space<vmem>>, vector<16xf32>,
      %parallel_loop3A_477 = arith.index_cast %parallel_loop3A_468 : i32 to index
      %parallel_loop3A_478 = tpu.vector_load %arg15[%parallel_loop3A_477] {strides = array<i32>} : memref<512xf32, #tpu.memory_space<vmem>>, vector<16xf32>,
      %parallel_loop3A_479 = arith.index_cast %parallel_loop3A_468 : i32 to index
      %parallel_loop3A_480 = tpu.vector_load %arg16[%parallel_loop3A_479] {strides = array<i32>} : memref<512xf32, #tpu.memory_space<vmem>>, vector<16xf32>,
      %parallel_loop3A_481 = arith.mulf %parallel_loop3A_470, %parallel_loop3A_470 : vector<16xf32>
      %parallel_loop3A_482 = arith.mulf %parallel_loop3A_472, %parallel_loop3A_472 : vector<16xf32>
      %parallel_loop3A_483 = arith.addf %parallel_loop3A_481, %parallel_loop3A_482 : vector<16xf32>
      %parallel_loop3A_484 = arith.mulf %parallel_loop3A_474, %parallel_loop3A_474 : vector<16xf32>
      %parallel_loop3A_485 = arith.addf %parallel_loop3A_483, %parallel_loop3A_484 : vector<16xf32>
      %parallel_loop3A_486 = arith.constant 9.99999968E-21 : f32
      %parallel_loop3A_487 = vector.broadcast %parallel_loop3A_486 : f32 to vector<16xf32>
      %parallel_loop3A_488 = arith.addf %parallel_loop3A_485, %parallel_loop3A_487 : vector<16xf32>
      %parallel_loop3A_489 = tpu.bitcast %parallel_loop3A_488 : vector<16xf32> -> vector<16xi32>
      %parallel_loop3A_490 = arith.constant 1 : i32
      %parallel_loop3A_491 = vector.broadcast %parallel_loop3A_490 : i32 to vector<16xi32>
      %parallel_loop3A_492 = arith.shrsi %parallel_loop3A_489, %parallel_loop3A_491 : vector<16xi32>
      %parallel_loop3A_493 = arith.constant 1597463007 : i32
      %parallel_loop3A_494 = vector.broadcast %parallel_loop3A_493 : i32 to vector<16xi32>
      %parallel_loop3A_495 = arith.subi %parallel_loop3A_494, %parallel_loop3A_492 : vector<16xi32>
      %parallel_loop3A_496 = tpu.bitcast %parallel_loop3A_495 : vector<16xi32> -> vector<16xf32>
      %parallel_loop3A_497 = arith.constant 5.000000e-01 : f32
      %parallel_loop3A_498 = vector.broadcast %parallel_loop3A_497 : f32 to vector<16xf32>
      %parallel_loop3A_499 = arith.mulf %parallel_loop3A_498, %parallel_loop3A_488 : vector<16xf32>
      %parallel_loop3A_500 = arith.mulf %parallel_loop3A_499, %parallel_loop3A_496 : vector<16xf32>
      %parallel_loop3A_501 = arith.mulf %parallel_loop3A_500, %parallel_loop3A_496 : vector<16xf32>
      %parallel_loop3A_502 = arith.constant 1.500000e+00 : f32
      %parallel_loop3A_503 = vector.broadcast %parallel_loop3A_502 : f32 to vector<16xf32>
      %parallel_loop3A_504 = arith.subf %parallel_loop3A_503, %parallel_loop3A_501 : vector<16xf32>
      %parallel_loop3A_505 = arith.mulf %parallel_loop3A_496, %parallel_loop3A_504 : vector<16xf32>
      %parallel_loop3A_506 = arith.constant 5.000000e-01 : f32
      %parallel_loop3A_507 = vector.broadcast %parallel_loop3A_506 : f32 to vector<16xf32>
      %parallel_loop3A_508 = arith.mulf %parallel_loop3A_507, %parallel_loop3A_488 : vector<16xf32>
      %parallel_loop3A_509 = arith.mulf %parallel_loop3A_508, %parallel_loop3A_505 : vector<16xf32>
      %parallel_loop3A_510 = arith.mulf %parallel_loop3A_509, %parallel_loop3A_505 : vector<16xf32>
      %parallel_loop3A_511 = arith.constant 1.500000e+00 : f32
      %parallel_loop3A_512 = vector.broadcast %parallel_loop3A_511 : f32 to vector<16xf32>
      %parallel_loop3A_513 = arith.subf %parallel_loop3A_512, %parallel_loop3A_510 : vector<16xf32>
      %parallel_loop3A_514 = arith.mulf %parallel_loop3A_505, %parallel_loop3A_513 : vector<16xf32>
      %parallel_loop3A_515 = arith.constant 5.000000e-01 : f32
      %parallel_loop3A_516 = vector.broadcast %parallel_loop3A_515 : f32 to vector<16xf32>
      %parallel_loop3A_517 = arith.mulf %parallel_loop3A_516, %parallel_loop3A_488 : vector<16xf32>
      %parallel_loop3A_518 = arith.mulf %parallel_loop3A_517, %parallel_loop3A_514 : vector<16xf32>
      %parallel_loop3A_519 = arith.mulf %parallel_loop3A_518, %parallel_loop3A_514 : vector<16xf32>
      %parallel_loop3A_520 = arith.constant 1.500000e+00 : f32
      %parallel_loop3A_521 = vector.broadcast %parallel_loop3A_520 : f32 to vector<16xf32>
      %parallel_loop3A_522 = arith.subf %parallel_loop3A_521, %parallel_loop3A_519 : vector<16xf32>
      %parallel_loop3A_523 = arith.mulf %parallel_loop3A_514, %parallel_loop3A_522 : vector<16xf32>
      %parallel_loop3A_524 = arith.mulf %parallel_loop3A_488, %parallel_loop3A_523 : vector<16xf32>
      %parallel_loop3A_525 = arith.constant 9.99999997E-7 : f32
      %parallel_loop3A_526 = vector.broadcast %parallel_loop3A_525 : f32 to vector<16xf32>
      %parallel_loop3A_527 = arith.cmpf olt, %parallel_loop3A_524, %parallel_loop3A_526 : vector<16xf32>
      %parallel_loop3A_528 = arith.constant 1.000000e+00 : f32
      %parallel_loop3A_529 = vector.broadcast %parallel_loop3A_528 : f32 to vector<16xf32>
      %parallel_loop3A_530 = arith.select %parallel_loop3A_527, %parallel_loop3A_529, %parallel_loop3A_524 : vector<16xi1>, vector<16xf32>
      %parallel_loop3A_531 = arith.constant 0.636619746 : f32
      %parallel_loop3A_532 = vector.broadcast %parallel_loop3A_531 : f32 to vector<16xf32>
      %parallel_loop3A_533 = arith.mulf %parallel_loop3A_530, %parallel_loop3A_532 : vector<16xf32>
      %parallel_loop3A_534 = arith.constant 5.000000e-01 : f32
      %parallel_loop3A_535 = vector.broadcast %parallel_loop3A_534 : f32 to vector<16xf32>
      %parallel_loop3A_536 = arith.addf %parallel_loop3A_533, %parallel_loop3A_535 : vector<16xf32>
      %parallel_loop3A_537 = arith.fptosi %parallel_loop3A_536 : vector<16xf32> to vector<16xi32>
      %parallel_loop3A_538 = arith.sitofp %parallel_loop3A_537 : vector<16xi32> to vector<16xf32>
      %parallel_loop3A_539 = arith.constant 1.5703125 : f32
      %parallel_loop3A_540 = vector.broadcast %parallel_loop3A_539 : f32 to vector<16xf32>
      %parallel_loop3A_541 = arith.mulf %parallel_loop3A_538, %parallel_loop3A_540 : vector<16xf32>
      %parallel_loop3A_542 = arith.subf %parallel_loop3A_530, %parallel_loop3A_541 : vector<16xf32>
      %parallel_loop3A_543 = arith.constant 4.83751297E-4 : f32
      %parallel_loop3A_544 = vector.broadcast %parallel_loop3A_543 : f32 to vector<16xf32>
      %parallel_loop3A_545 = arith.mulf %parallel_loop3A_538, %parallel_loop3A_544 : vector<16xf32>
      %parallel_loop3A_546 = arith.subf %parallel_loop3A_542, %parallel_loop3A_545 : vector<16xf32>
      %parallel_loop3A_547 = arith.constant 7.549790e-08 : f32
      %parallel_loop3A_548 = vector.broadcast %parallel_loop3A_547 : f32 to vector<16xf32>
      %parallel_loop3A_549 = arith.mulf %parallel_loop3A_538, %parallel_loop3A_548 : vector<16xf32>
      %parallel_loop3A_550 = arith.subf %parallel_loop3A_546, %parallel_loop3A_549 : vector<16xf32>
      %parallel_loop3A_551 = arith.mulf %parallel_loop3A_550, %parallel_loop3A_550 : vector<16xf32>
      %parallel_loop3A_552 = arith.mulf %parallel_loop3A_550, %parallel_loop3A_551 : vector<16xf32>
      %parallel_loop3A_553 = arith.constant -1.95152956E-4 : f32
      %parallel_loop3A_554 = vector.broadcast %parallel_loop3A_553 : f32 to vector<16xf32>
      %parallel_loop3A_555 = arith.mulf %parallel_loop3A_551, %parallel_loop3A_554 : vector<16xf32>
      %parallel_loop3A_556 = arith.constant 0.00833216123 : f32
      %parallel_loop3A_557 = vector.broadcast %parallel_loop3A_556 : f32 to vector<16xf32>
      %parallel_loop3A_558 = arith.addf %parallel_loop3A_557, %parallel_loop3A_555 : vector<16xf32>
      %parallel_loop3A_559 = arith.mulf %parallel_loop3A_551, %parallel_loop3A_558 : vector<16xf32>
      %parallel_loop3A_560 = arith.constant -0.166666552 : f32
      %parallel_loop3A_561 = vector.broadcast %parallel_loop3A_560 : f32 to vector<16xf32>
      %parallel_loop3A_562 = arith.addf %parallel_loop3A_561, %parallel_loop3A_559 : vector<16xf32>
      %parallel_loop3A_563 = arith.mulf %parallel_loop3A_552, %parallel_loop3A_562 : vector<16xf32>
      %parallel_loop3A_564 = arith.addf %parallel_loop3A_550, %parallel_loop3A_563 : vector<16xf32>
      %parallel_loop3A_565 = arith.constant 5.000000e-01 : f32
      %parallel_loop3A_566 = vector.broadcast %parallel_loop3A_565 : f32 to vector<16xf32>
      %parallel_loop3A_567 = arith.mulf %parallel_loop3A_566, %parallel_loop3A_551 : vector<16xf32>
      %parallel_loop3A_568 = arith.constant 1.000000e+00 : f32
      %parallel_loop3A_569 = vector.broadcast %parallel_loop3A_568 : f32 to vector<16xf32>
      %parallel_loop3A_570 = arith.subf %parallel_loop3A_569, %parallel_loop3A_567 : vector<16xf32>
      %parallel_loop3A_571 = arith.mulf %parallel_loop3A_551, %parallel_loop3A_551 : vector<16xf32>
      %parallel_loop3A_572 = arith.constant 2.44331568E-5 : f32
      %parallel_loop3A_573 = vector.broadcast %parallel_loop3A_572 : f32 to vector<16xf32>
      %parallel_loop3A_574 = arith.mulf %parallel_loop3A_551, %parallel_loop3A_573 : vector<16xf32>
      %parallel_loop3A_575 = arith.constant -0.00138873165 : f32
      %parallel_loop3A_576 = vector.broadcast %parallel_loop3A_575 : f32 to vector<16xf32>
      %parallel_loop3A_577 = arith.addf %parallel_loop3A_576, %parallel_loop3A_574 : vector<16xf32>
      %parallel_loop3A_578 = arith.mulf %parallel_loop3A_551, %parallel_loop3A_577 : vector<16xf32>
      %parallel_loop3A_579 = arith.constant 0.0416666456 : f32
      %parallel_loop3A_580 = vector.broadcast %parallel_loop3A_579 : f32 to vector<16xf32>
      %parallel_loop3A_581 = arith.addf %parallel_loop3A_580, %parallel_loop3A_578 : vector<16xf32>
      %parallel_loop3A_582 = arith.mulf %parallel_loop3A_571, %parallel_loop3A_581 : vector<16xf32>
      %parallel_loop3A_583 = arith.addf %parallel_loop3A_570, %parallel_loop3A_582 : vector<16xf32>
      %parallel_loop3A_584 = arith.constant 3 : i32
      %parallel_loop3A_585 = vector.broadcast %parallel_loop3A_584 : i32 to vector<16xi32>
      %parallel_loop3A_586 = arith.andi %parallel_loop3A_537, %parallel_loop3A_585 : vector<16xi32>
      %parallel_loop3A_587 = arith.constant 0.000000e+00 : f32
      %parallel_loop3A_588 = vector.broadcast %parallel_loop3A_587 : f32 to vector<16xf32>
      %parallel_loop3A_589 = arith.subf %parallel_loop3A_588, %parallel_loop3A_564 : vector<16xf32>
      %parallel_loop3A_590 = arith.constant 0.000000e+00 : f32
      %parallel_loop3A_591 = vector.broadcast %parallel_loop3A_590 : f32 to vector<16xf32>
      %parallel_loop3A_592 = arith.subf %parallel_loop3A_591, %parallel_loop3A_583 : vector<16xf32>
      %parallel_loop3A_593 = arith.constant 0 : i32
      %parallel_loop3A_594 = vector.broadcast %parallel_loop3A_593 : i32 to vector<16xi32>
      %parallel_loop3A_595 = arith.cmpi eq, %parallel_loop3A_586, %parallel_loop3A_594 : vector<16xi32>
      %parallel_loop3A_596 = arith.constant 1 : i32
      %parallel_loop3A_597 = vector.broadcast %parallel_loop3A_596 : i32 to vector<16xi32>
      %parallel_loop3A_598 = arith.cmpi eq, %parallel_loop3A_586, %parallel_loop3A_597 : vector<16xi32>
      %parallel_loop3A_599 = arith.constant 2 : i32
      %parallel_loop3A_600 = vector.broadcast %parallel_loop3A_599 : i32 to vector<16xi32>
      %parallel_loop3A_601 = arith.cmpi eq, %parallel_loop3A_586, %parallel_loop3A_600 : vector<16xi32>
      %parallel_loop3A_602 = arith.select %parallel_loop3A_601, %parallel_loop3A_589, %parallel_loop3A_592 : vector<16xi1>, vector<16xf32>
      %parallel_loop3A_603 = arith.select %parallel_loop3A_598, %parallel_loop3A_583, %parallel_loop3A_602 : vector<16xi1>, vector<16xf32>
      %parallel_loop3A_604 = arith.select %parallel_loop3A_595, %parallel_loop3A_564, %parallel_loop3A_603 : vector<16xi1>, vector<16xf32>
      %parallel_loop3A_605 = arith.constant 0 : i32
      %parallel_loop3A_606 = vector.broadcast %parallel_loop3A_605 : i32 to vector<16xi32>
      %parallel_loop3A_607 = arith.cmpi eq, %parallel_loop3A_586, %parallel_loop3A_606 : vector<16xi32>
      %parallel_loop3A_608 = arith.constant 1 : i32
      %parallel_loop3A_609 = vector.broadcast %parallel_loop3A_608 : i32 to vector<16xi32>
      %parallel_loop3A_610 = arith.cmpi eq, %parallel_loop3A_586, %parallel_loop3A_609 : vector<16xi32>
      %parallel_loop3A_611 = arith.constant 2 : i32
      %parallel_loop3A_612 = vector.broadcast %parallel_loop3A_611 : i32 to vector<16xi32>
      %parallel_loop3A_613 = arith.cmpi eq, %parallel_loop3A_586, %parallel_loop3A_612 : vector<16xi32>
      %parallel_loop3A_614 = arith.select %parallel_loop3A_613, %parallel_loop3A_592, %parallel_loop3A_564 : vector<16xi1>, vector<16xf32>
      %parallel_loop3A_615 = arith.select %parallel_loop3A_610, %parallel_loop3A_589, %parallel_loop3A_614 : vector<16xi1>, vector<16xf32>
      %parallel_loop3A_616 = arith.select %parallel_loop3A_607, %parallel_loop3A_583, %parallel_loop3A_615 : vector<16xi1>, vector<16xf32>
      %parallel_loop3A_617 = arith.constant 0.166666672 : f32
      %parallel_loop3A_618 = vector.broadcast %parallel_loop3A_617 : f32 to vector<16xf32>
      %parallel_loop3A_619 = arith.mulf %parallel_loop3A_485, %parallel_loop3A_618 : vector<16xf32>
      %parallel_loop3A_620 = arith.constant 1.000000e+00 : f32
      %parallel_loop3A_621 = vector.broadcast %parallel_loop3A_620 : f32 to vector<16xf32>
      %parallel_loop3A_622 = arith.subf %parallel_loop3A_621, %parallel_loop3A_619 : vector<16xf32>
      %parallel_loop3A_623 = arith.mulf %parallel_loop3A_604, %parallel_loop3A_523 : vector<16xf32>
      %parallel_loop3A_624 = arith.select %parallel_loop3A_527, %parallel_loop3A_622, %parallel_loop3A_623 : vector<16xi1>, vector<16xf32>
      %parallel_loop3A_625 = arith.constant 0.0416666679 : f32
      %parallel_loop3A_626 = vector.broadcast %parallel_loop3A_625 : f32 to vector<16xf32>
      %parallel_loop3A_627 = arith.mulf %parallel_loop3A_485, %parallel_loop3A_626 : vector<16xf32>
      %parallel_loop3A_628 = arith.constant 5.000000e-01 : f32
      %parallel_loop3A_629 = vector.broadcast %parallel_loop3A_628 : f32 to vector<16xf32>
      %parallel_loop3A_630 = arith.subf %parallel_loop3A_629, %parallel_loop3A_627 : vector<16xf32>
      %parallel_loop3A_631 = arith.constant 1.000000e+00 : f32
      %parallel_loop3A_632 = vector.broadcast %parallel_loop3A_631 : f32 to vector<16xf32>
      %parallel_loop3A_633 = arith.subf %parallel_loop3A_632, %parallel_loop3A_616 : vector<16xf32>
      %parallel_loop3A_634 = arith.mulf %parallel_loop3A_633, %parallel_loop3A_523 : vector<16xf32>
      %parallel_loop3A_635 = arith.mulf %parallel_loop3A_634, %parallel_loop3A_523 : vector<16xf32>
      %parallel_loop3A_636 = arith.select %parallel_loop3A_527, %parallel_loop3A_630, %parallel_loop3A_635 : vector<16xi1>, vector<16xf32>
      %parallel_loop3A_637 = arith.mulf %parallel_loop3A_636, %parallel_loop3A_470 : vector<16xf32>
      %parallel_loop3A_638 = arith.mulf %parallel_loop3A_637, %parallel_loop3A_472 : vector<16xf32>
      %parallel_loop3A_639 = arith.mulf %parallel_loop3A_636, %parallel_loop3A_470 : vector<16xf32>
      %parallel_loop3A_640 = arith.mulf %parallel_loop3A_639, %parallel_loop3A_474 : vector<16xf32>
      %parallel_loop3A_641 = arith.mulf %parallel_loop3A_636, %parallel_loop3A_472 : vector<16xf32>
      %parallel_loop3A_642 = arith.mulf %parallel_loop3A_641, %parallel_loop3A_474 : vector<16xf32>
      %parallel_loop3A_643 = arith.mulf %parallel_loop3A_624, %parallel_loop3A_470 : vector<16xf32>
      %parallel_loop3A_644 = arith.mulf %parallel_loop3A_624, %parallel_loop3A_472 : vector<16xf32>
      %parallel_loop3A_645 = arith.mulf %parallel_loop3A_624, %parallel_loop3A_474 : vector<16xf32>
      %parallel_loop3A_646 = arith.mulf %parallel_loop3A_470, %parallel_loop3A_470 : vector<16xf32>
      %parallel_loop3A_647 = arith.subf %parallel_loop3A_646, %parallel_loop3A_485 : vector<16xf32>
      %parallel_loop3A_648 = arith.mulf %parallel_loop3A_636, %parallel_loop3A_647 : vector<16xf32>
      %parallel_loop3A_649 = arith.constant 1.000000e+00 : f32
      %parallel_loop3A_650 = vector.broadcast %parallel_loop3A_649 : f32 to vector<16xf32>
      %parallel_loop3A_651 = arith.addf %parallel_loop3A_650, %parallel_loop3A_648 : vector<16xf32>
      %parallel_loop3A_652 = arith.addf %parallel_loop3A_645, %parallel_loop3A_638 : vector<16xf32>
      %parallel_loop3A_653 = arith.subf %parallel_loop3A_640, %parallel_loop3A_644 : vector<16xf32>
      %parallel_loop3A_654 = arith.subf %parallel_loop3A_638, %parallel_loop3A_645 : vector<16xf32>
      %parallel_loop3A_655 = arith.mulf %parallel_loop3A_472, %parallel_loop3A_472 : vector<16xf32>
      %parallel_loop3A_656 = arith.subf %parallel_loop3A_655, %parallel_loop3A_485 : vector<16xf32>
      %parallel_loop3A_657 = arith.mulf %parallel_loop3A_636, %parallel_loop3A_656 : vector<16xf32>
      %parallel_loop3A_658 = arith.constant 1.000000e+00 : f32
      %parallel_loop3A_659 = vector.broadcast %parallel_loop3A_658 : f32 to vector<16xf32>
      %parallel_loop3A_660 = arith.addf %parallel_loop3A_659, %parallel_loop3A_657 : vector<16xf32>
      %parallel_loop3A_661 = arith.addf %parallel_loop3A_643, %parallel_loop3A_642 : vector<16xf32>
      %parallel_loop3A_662 = arith.addf %parallel_loop3A_644, %parallel_loop3A_640 : vector<16xf32>
      %parallel_loop3A_663 = arith.subf %parallel_loop3A_642, %parallel_loop3A_643 : vector<16xf32>
      %parallel_loop3A_664 = arith.mulf %parallel_loop3A_474, %parallel_loop3A_474 : vector<16xf32>
      %parallel_loop3A_665 = arith.subf %parallel_loop3A_664, %parallel_loop3A_485 : vector<16xf32>
      %parallel_loop3A_666 = arith.mulf %parallel_loop3A_636, %parallel_loop3A_665 : vector<16xf32>
      %parallel_loop3A_667 = arith.constant 1.000000e+00 : f32
      %parallel_loop3A_668 = vector.broadcast %parallel_loop3A_667 : f32 to vector<16xf32>
      %parallel_loop3A_669 = arith.addf %parallel_loop3A_668, %parallel_loop3A_666 : vector<16xf32>
      %parallel_loop3A_670 = arith.mulf %parallel_loop3A_651, %parallel_loop3A_476 : vector<16xf32>
      %parallel_loop3A_671 = arith.mulf %parallel_loop3A_652, %parallel_loop3A_478 : vector<16xf32>
      %parallel_loop3A_672 = arith.addf %parallel_loop3A_670, %parallel_loop3A_671 : vector<16xf32>
      %parallel_loop3A_673 = arith.mulf %parallel_loop3A_653, %parallel_loop3A_480 : vector<16xf32>
      %parallel_loop3A_674 = arith.addf %parallel_loop3A_672, %parallel_loop3A_673 : vector<16xf32>
      %parallel_loop3A_675 = arith.constant 0.000000e+00 : f32
      %parallel_loop3A_676 = vector.broadcast %parallel_loop3A_675 : f32 to vector<16xf32>
      %parallel_loop3A_677 = arith.subf %parallel_loop3A_676, %parallel_loop3A_674 : vector<16xf32>
      %parallel_loop3A_678 = arith.mulf %parallel_loop3A_654, %parallel_loop3A_476 : vector<16xf32>
      %parallel_loop3A_679 = arith.mulf %parallel_loop3A_660, %parallel_loop3A_478 : vector<16xf32>
      %parallel_loop3A_680 = arith.addf %parallel_loop3A_678, %parallel_loop3A_679 : vector<16xf32>
      %parallel_loop3A_681 = arith.mulf %parallel_loop3A_661, %parallel_loop3A_480 : vector<16xf32>
      %parallel_loop3A_682 = arith.addf %parallel_loop3A_680, %parallel_loop3A_681 : vector<16xf32>
      %parallel_loop3A_683 = arith.constant 0.000000e+00 : f32
      %parallel_loop3A_684 = vector.broadcast %parallel_loop3A_683 : f32 to vector<16xf32>
      %parallel_loop3A_685 = arith.subf %parallel_loop3A_684, %parallel_loop3A_682 : vector<16xf32>
      %parallel_loop3A_686 = arith.mulf %parallel_loop3A_662, %parallel_loop3A_476 : vector<16xf32>
      %parallel_loop3A_687 = arith.mulf %parallel_loop3A_663, %parallel_loop3A_478 : vector<16xf32>
      %parallel_loop3A_688 = arith.addf %parallel_loop3A_686, %parallel_loop3A_687 : vector<16xf32>
      %parallel_loop3A_689 = arith.mulf %parallel_loop3A_669, %parallel_loop3A_480 : vector<16xf32>
      %parallel_loop3A_690 = arith.addf %parallel_loop3A_688, %parallel_loop3A_689 : vector<16xf32>
      %parallel_loop3A_691 = arith.constant 0.000000e+00 : f32
      %parallel_loop3A_692 = vector.broadcast %parallel_loop3A_691 : f32 to vector<16xf32>
      %parallel_loop3A_693 = arith.subf %parallel_loop3A_692, %parallel_loop3A_690 : vector<16xf32>
      %parallel_loop3A_694 = arith.constant 0.000000e+00 : f32
      %parallel_loop3A_695 = vector.broadcast %parallel_loop3A_694 : f32 to vector<16xf32>
      %parallel_loop3A_696 = arith.constant 1.000000e+00 : f32
      %parallel_loop3A_697 = vector.broadcast %parallel_loop3A_696 : f32 to vector<16xf32>
      %parallel_loop3A_698 = arith.addf %parallel_loop3A_695, %parallel_loop3A_697 : vector<16xf32>
      %parallel_loop3A_699 = arith.constant 3 : i32
      %parallel_loop3A_700 = arith.shrsi %parallel_loop3A_465, %parallel_loop3A_699 : i32
      %parallel_loop3A_701 = arith.constant 512 : i32
      %parallel_loop3A_702 = arith.muli %parallel_loop3A_700, %parallel_loop3A_701 : i32
      %parallel_loop3A_703 = arith.constant 7 : i32
      %parallel_loop3A_704 = arith.andi %parallel_loop3A_465, %parallel_loop3A_703 : i32
      %parallel_loop3A_705 = arith.constant 16 : i32
      %parallel_loop3A_706 = arith.muli %parallel_loop3A_704, %parallel_loop3A_705 : i32
      %parallel_loop3A_707 = arith.addi %parallel_loop3A_702, %parallel_loop3A_706 : i32
      %parallel_loop3A_708 = tpu.assume_multiple %parallel_loop3A_707, 16 : i32
      %parallel_loop3A_709 = arith.constant 0 : i32
      %parallel_loop3A_710 = arith.addi %parallel_loop3A_708, %parallel_loop3A_709 : i32
      %parallel_loop3A_711 = arith.constant 0 : i32
      %parallel_loop3A_712 = arith.addi %parallel_loop3A_710, %parallel_loop3A_711 : i32
      %parallel_loop3A_713 = arith.index_cast %parallel_loop3A_712 : i32 to index
      %parallel_loop3A_714 = tpu.vector_load %arg17[%parallel_loop3A_713] {strides = array<i32>} : memref<8192xf32, #tpu.memory_space<vmem>>, vector<16xf32>,
      tpu.vector_store %arg17[%parallel_loop3A_713], %parallel_loop3A_651 {strides = array<i32>} : memref<8192xf32, #tpu.memory_space<vmem>>, vector<16xf32>,
      %parallel_loop3A_715 = arith.constant 0 : i32
      %parallel_loop3A_716 = arith.addi %parallel_loop3A_708, %parallel_loop3A_715 : i32
      %parallel_loop3A_717 = arith.constant 128 : i32
      %parallel_loop3A_718 = arith.addi %parallel_loop3A_716, %parallel_loop3A_717 : i32
      %parallel_loop3A_719 = arith.index_cast %parallel_loop3A_718 : i32 to index
      %parallel_loop3A_720 = tpu.vector_load %arg17[%parallel_loop3A_719] {strides = array<i32>} : memref<8192xf32, #tpu.memory_space<vmem>>, vector<16xf32>,
      tpu.vector_store %arg17[%parallel_loop3A_719], %parallel_loop3A_652 {strides = array<i32>} : memref<8192xf32, #tpu.memory_space<vmem>>, vector<16xf32>,
      %parallel_loop3A_721 = arith.constant 0 : i32
      %parallel_loop3A_722 = arith.addi %parallel_loop3A_708, %parallel_loop3A_721 : i32
      %parallel_loop3A_723 = arith.constant 256 : i32
      %parallel_loop3A_724 = arith.addi %parallel_loop3A_722, %parallel_loop3A_723 : i32
      %parallel_loop3A_725 = arith.index_cast %parallel_loop3A_724 : i32 to index
      %parallel_loop3A_726 = tpu.vector_load %arg17[%parallel_loop3A_725] {strides = array<i32>} : memref<8192xf32, #tpu.memory_space<vmem>>, vector<16xf32>,
      tpu.vector_store %arg17[%parallel_loop3A_725], %parallel_loop3A_653 {strides = array<i32>} : memref<8192xf32, #tpu.memory_space<vmem>>, vector<16xf32>,
      %parallel_loop3A_727 = arith.constant 0 : i32
      %parallel_loop3A_728 = arith.addi %parallel_loop3A_708, %parallel_loop3A_727 : i32
      %parallel_loop3A_729 = arith.constant 384 : i32
      %parallel_loop3A_730 = arith.addi %parallel_loop3A_728, %parallel_loop3A_729 : i32
      %parallel_loop3A_731 = arith.index_cast %parallel_loop3A_730 : i32 to index
      %parallel_loop3A_732 = tpu.vector_load %arg17[%parallel_loop3A_731] {strides = array<i32>} : memref<8192xf32, #tpu.memory_space<vmem>>, vector<16xf32>,
      tpu.vector_store %arg17[%parallel_loop3A_731], %parallel_loop3A_677 {strides = array<i32>} : memref<8192xf32, #tpu.memory_space<vmem>>, vector<16xf32>,
      %parallel_loop3A_733 = arith.constant 2048 : i32
      %parallel_loop3A_734 = arith.addi %parallel_loop3A_708, %parallel_loop3A_733 : i32
      %parallel_loop3A_735 = arith.constant 0 : i32
      %parallel_loop3A_736 = arith.addi %parallel_loop3A_734, %parallel_loop3A_735 : i32
      %parallel_loop3A_737 = arith.index_cast %parallel_loop3A_736 : i32 to index
      %parallel_loop3A_738 = tpu.vector_load %arg17[%parallel_loop3A_737] {strides = array<i32>} : memref<8192xf32, #tpu.memory_space<vmem>>, vector<16xf32>,
      tpu.vector_store %arg17[%parallel_loop3A_737], %parallel_loop3A_654 {strides = array<i32>} : memref<8192xf32, #tpu.memory_space<vmem>>, vector<16xf32>,
      %parallel_loop3A_739 = arith.constant 2048 : i32
      %parallel_loop3A_740 = arith.addi %parallel_loop3A_708, %parallel_loop3A_739 : i32
      %parallel_loop3A_741 = arith.constant 128 : i32
      %parallel_loop3A_742 = arith.addi %parallel_loop3A_740, %parallel_loop3A_741 : i32
      %parallel_loop3A_743 = arith.index_cast %parallel_loop3A_742 : i32 to index
      %parallel_loop3A_744 = tpu.vector_load %arg17[%parallel_loop3A_743] {strides = array<i32>} : memref<8192xf32, #tpu.memory_space<vmem>>, vector<16xf32>,
      tpu.vector_store %arg17[%parallel_loop3A_743], %parallel_loop3A_660 {strides = array<i32>} : memref<8192xf32, #tpu.memory_space<vmem>>, vector<16xf32>,
      %parallel_loop3A_745 = arith.constant 2048 : i32
      %parallel_loop3A_746 = arith.addi %parallel_loop3A_708, %parallel_loop3A_745 : i32
      %parallel_loop3A_747 = arith.constant 256 : i32
      %parallel_loop3A_748 = arith.addi %parallel_loop3A_746, %parallel_loop3A_747 : i32
      %parallel_loop3A_749 = arith.index_cast %parallel_loop3A_748 : i32 to index
      %parallel_loop3A_750 = tpu.vector_load %arg17[%parallel_loop3A_749] {strides = array<i32>} : memref<8192xf32, #tpu.memory_space<vmem>>, vector<16xf32>,
      tpu.vector_store %arg17[%parallel_loop3A_749], %parallel_loop3A_661 {strides = array<i32>} : memref<8192xf32, #tpu.memory_space<vmem>>, vector<16xf32>,
      %parallel_loop3A_751 = arith.constant 2048 : i32
      %parallel_loop3A_752 = arith.addi %parallel_loop3A_708, %parallel_loop3A_751 : i32
      %parallel_loop3A_753 = arith.constant 384 : i32
      %parallel_loop3A_754 = arith.addi %parallel_loop3A_752, %parallel_loop3A_753 : i32
      %parallel_loop3A_755 = arith.index_cast %parallel_loop3A_754 : i32 to index
      %parallel_loop3A_756 = tpu.vector_load %arg17[%parallel_loop3A_755] {strides = array<i32>} : memref<8192xf32, #tpu.memory_space<vmem>>, vector<16xf32>,
      tpu.vector_store %arg17[%parallel_loop3A_755], %parallel_loop3A_685 {strides = array<i32>} : memref<8192xf32, #tpu.memory_space<vmem>>, vector<16xf32>,
      %parallel_loop3A_757 = arith.constant 4096 : i32
      %parallel_loop3A_758 = arith.addi %parallel_loop3A_708, %parallel_loop3A_757 : i32
      %parallel_loop3A_759 = arith.constant 0 : i32
      %parallel_loop3A_760 = arith.addi %parallel_loop3A_758, %parallel_loop3A_759 : i32
      %parallel_loop3A_761 = arith.index_cast %parallel_loop3A_760 : i32 to index
      %parallel_loop3A_762 = tpu.vector_load %arg17[%parallel_loop3A_761] {strides = array<i32>} : memref<8192xf32, #tpu.memory_space<vmem>>, vector<16xf32>,
      tpu.vector_store %arg17[%parallel_loop3A_761], %parallel_loop3A_662 {strides = array<i32>} : memref<8192xf32, #tpu.memory_space<vmem>>, vector<16xf32>,
      %parallel_loop3A_763 = arith.constant 4096 : i32
      %parallel_loop3A_764 = arith.addi %parallel_loop3A_708, %parallel_loop3A_763 : i32
      %parallel_loop3A_765 = arith.constant 128 : i32
      %parallel_loop3A_766 = arith.addi %parallel_loop3A_764, %parallel_loop3A_765 : i32
      %parallel_loop3A_767 = arith.index_cast %parallel_loop3A_766 : i32 to index
      %parallel_loop3A_768 = tpu.vector_load %arg17[%parallel_loop3A_767] {strides = array<i32>} : memref<8192xf32, #tpu.memory_space<vmem>>, vector<16xf32>,
      tpu.vector_store %arg17[%parallel_loop3A_767], %parallel_loop3A_663 {strides = array<i32>} : memref<8192xf32, #tpu.memory_space<vmem>>, vector<16xf32>,
      %parallel_loop3A_769 = arith.constant 4096 : i32
      %parallel_loop3A_770 = arith.addi %parallel_loop3A_708, %parallel_loop3A_769 : i32
      %parallel_loop3A_771 = arith.constant 256 : i32
      %parallel_loop3A_772 = arith.addi %parallel_loop3A_770, %parallel_loop3A_771 : i32
      %parallel_loop3A_773 = arith.index_cast %parallel_loop3A_772 : i32 to index
      %parallel_loop3A_774 = tpu.vector_load %arg17[%parallel_loop3A_773] {strides = array<i32>} : memref<8192xf32, #tpu.memory_space<vmem>>, vector<16xf32>,
      tpu.vector_store %arg17[%parallel_loop3A_773], %parallel_loop3A_669 {strides = array<i32>} : memref<8192xf32, #tpu.memory_space<vmem>>, vector<16xf32>,
      %parallel_loop3A_775 = arith.constant 4096 : i32
      %parallel_loop3A_776 = arith.addi %parallel_loop3A_708, %parallel_loop3A_775 : i32
      %parallel_loop3A_777 = arith.constant 384 : i32
      %parallel_loop3A_778 = arith.addi %parallel_loop3A_776, %parallel_loop3A_777 : i32
      %parallel_loop3A_779 = arith.index_cast %parallel_loop3A_778 : i32 to index
      %parallel_loop3A_780 = tpu.vector_load %arg17[%parallel_loop3A_779] {strides = array<i32>} : memref<8192xf32, #tpu.memory_space<vmem>>, vector<16xf32>,
      tpu.vector_store %arg17[%parallel_loop3A_779], %parallel_loop3A_693 {strides = array<i32>} : memref<8192xf32, #tpu.memory_space<vmem>>, vector<16xf32>,
      %parallel_loop3A_781 = arith.constant 6144 : i32
      %parallel_loop3A_782 = arith.addi %parallel_loop3A_708, %parallel_loop3A_781 : i32
      %parallel_loop3A_783 = arith.constant 0 : i32
      %parallel_loop3A_784 = arith.addi %parallel_loop3A_782, %parallel_loop3A_783 : i32
      %parallel_loop3A_785 = arith.index_cast %parallel_loop3A_784 : i32 to index
      %parallel_loop3A_786 = tpu.vector_load %arg17[%parallel_loop3A_785] {strides = array<i32>} : memref<8192xf32, #tpu.memory_space<vmem>>, vector<16xf32>,
      tpu.vector_store %arg17[%parallel_loop3A_785], %parallel_loop3A_695 {strides = array<i32>} : memref<8192xf32, #tpu.memory_space<vmem>>, vector<16xf32>,
      %parallel_loop3A_787 = arith.constant 6144 : i32
      %parallel_loop3A_788 = arith.addi %parallel_loop3A_708, %parallel_loop3A_787 : i32
      %parallel_loop3A_789 = arith.constant 128 : i32
      %parallel_loop3A_790 = arith.addi %parallel_loop3A_788, %parallel_loop3A_789 : i32
      %parallel_loop3A_791 = arith.index_cast %parallel_loop3A_790 : i32 to index
      %parallel_loop3A_792 = tpu.vector_load %arg17[%parallel_loop3A_791] {strides = array<i32>} : memref<8192xf32, #tpu.memory_space<vmem>>, vector<16xf32>,
      tpu.vector_store %arg17[%parallel_loop3A_791], %parallel_loop3A_695 {strides = array<i32>} : memref<8192xf32, #tpu.memory_space<vmem>>, vector<16xf32>,
      %parallel_loop3A_793 = arith.constant 6144 : i32
      %parallel_loop3A_794 = arith.addi %parallel_loop3A_708, %parallel_loop3A_793 : i32
      %parallel_loop3A_795 = arith.constant 256 : i32
      %parallel_loop3A_796 = arith.addi %parallel_loop3A_794, %parallel_loop3A_795 : i32
      %parallel_loop3A_797 = arith.index_cast %parallel_loop3A_796 : i32 to index
      %parallel_loop3A_798 = tpu.vector_load %arg17[%parallel_loop3A_797] {strides = array<i32>} : memref<8192xf32, #tpu.memory_space<vmem>>, vector<16xf32>,
      tpu.vector_store %arg17[%parallel_loop3A_797], %parallel_loop3A_695 {strides = array<i32>} : memref<8192xf32, #tpu.memory_space<vmem>>, vector<16xf32>,
      %parallel_loop3A_799 = arith.constant 6144 : i32
      %parallel_loop3A_800 = arith.addi %parallel_loop3A_708, %parallel_loop3A_799 : i32
      %parallel_loop3A_801 = arith.constant 384 : i32
      %parallel_loop3A_802 = arith.addi %parallel_loop3A_800, %parallel_loop3A_801 : i32
      %parallel_loop3A_803 = arith.index_cast %parallel_loop3A_802 : i32 to index
      %parallel_loop3A_804 = tpu.vector_load %arg17[%parallel_loop3A_803] {strides = array<i32>} : memref<8192xf32, #tpu.memory_space<vmem>>, vector<16xf32>,
      tpu.vector_store %arg17[%parallel_loop3A_803], %parallel_loop3A_698 {strides = array<i32>} : memref<8192xf32, #tpu.memory_space<vmem>>, vector<16xf32>,
    } {sc.loop_unroll_factor = 4 : i64, sc.parallel_access}
    %dma_wait3A_302 = arith.constant 2 : i32
    %dma_wait3A_303 = arith.constant 256 : i32
    %dma_wait3A_304 = tpu.memref_slice %arg11[%dma_wait3A_303] : memref<512xf32, #tpu.memory_space<vmem>> -> memref<128xf32, #tpu.memory_space<vmem>>
    %dma_wait3A_305 = arith.constant 0 : i32
    %dma_wait3A_306 = tpu.memref_slice %arg10[%dma_wait3A_302, %dma_wait3A_305] : memref<4x128xi32, #tpu.memory_space<vmem>> -> memref<1x128xi32, #tpu.memory_space<vmem>>
    %dma_wait3A_307 = tpu.memref_squeeze %dma_wait3A_306 : memref<1x128xi32, #tpu.memory_space<vmem>> -> memref<128xi32, #tpu.memory_space<vmem>>
    %dma_wait3A_308 = arith.constant 0 : i32
    %dma_wait3A_309 = tpu.memref_slice %arg3[%dma_wait3A_308] : memref<100000xf32, #tpu.memory_space<hbm>> -> memref<100000xf32, #tpu.memory_space<hbm>>
    tpu.wait_indirect_dma semaphore(%arg19 : memref<!tpu.dma_semaphore, #tpu.memory_space<semaphore_mem>>) src(%dma_wait3A_309 : memref<100000xf32, #tpu.memory_space<hbm>>) dst(%dma_wait3A_304 : memref<128xf32, #tpu.memory_space<vmem>>)
    %dma_wait3A_310 = arith.constant 2 : i32
    %dma_wait3A_311 = arith.constant 256 : i32
    %dma_wait3A_312 = tpu.memref_slice %arg12[%dma_wait3A_311] : memref<512xf32, #tpu.memory_space<vmem>> -> memref<128xf32, #tpu.memory_space<vmem>>
    %dma_wait3A_313 = arith.constant 0 : i32
    %dma_wait3A_314 = tpu.memref_slice %arg10[%dma_wait3A_310, %dma_wait3A_313] : memref<4x128xi32, #tpu.memory_space<vmem>> -> memref<1x128xi32, #tpu.memory_space<vmem>>
    %dma_wait3A_315 = tpu.memref_squeeze %dma_wait3A_314 : memref<1x128xi32, #tpu.memory_space<vmem>> -> memref<128xi32, #tpu.memory_space<vmem>>
    %dma_wait3A_316 = arith.constant 0 : i32
    %dma_wait3A_317 = tpu.memref_slice %arg4[%dma_wait3A_316] : memref<100000xf32, #tpu.memory_space<hbm>> -> memref<100000xf32, #tpu.memory_space<hbm>>
    tpu.wait_indirect_dma semaphore(%arg19 : memref<!tpu.dma_semaphore, #tpu.memory_space<semaphore_mem>>) src(%dma_wait3A_317 : memref<100000xf32, #tpu.memory_space<hbm>>) dst(%dma_wait3A_312 : memref<128xf32, #tpu.memory_space<vmem>>)
    %dma_wait3A_318 = arith.constant 2 : i32
    %dma_wait3A_319 = arith.constant 256 : i32
    %dma_wait3A_320 = tpu.memref_slice %arg13[%dma_wait3A_319] : memref<512xf32, #tpu.memory_space<vmem>> -> memref<128xf32, #tpu.memory_space<vmem>>
    %dma_wait3A_321 = arith.constant 0 : i32
    %dma_wait3A_322 = tpu.memref_slice %arg10[%dma_wait3A_318, %dma_wait3A_321] : memref<4x128xi32, #tpu.memory_space<vmem>> -> memref<1x128xi32, #tpu.memory_space<vmem>>
    %dma_wait3A_323 = tpu.memref_squeeze %dma_wait3A_322 : memref<1x128xi32, #tpu.memory_space<vmem>> -> memref<128xi32, #tpu.memory_space<vmem>>
    %dma_wait3A_324 = arith.constant 0 : i32
    %dma_wait3A_325 = tpu.memref_slice %arg5[%dma_wait3A_324] : memref<100000xf32, #tpu.memory_space<hbm>> -> memref<100000xf32, #tpu.memory_space<hbm>>
    tpu.wait_indirect_dma semaphore(%arg19 : memref<!tpu.dma_semaphore, #tpu.memory_space<semaphore_mem>>) src(%dma_wait3A_325 : memref<100000xf32, #tpu.memory_space<hbm>>) dst(%dma_wait3A_320 : memref<128xf32, #tpu.memory_space<vmem>>)
    %dma_wait3A_326 = arith.constant 2 : i32
    %dma_wait3A_327 = arith.constant 256 : i32
    %dma_wait3A_328 = tpu.memref_slice %arg14[%dma_wait3A_327] : memref<512xf32, #tpu.memory_space<vmem>> -> memref<128xf32, #tpu.memory_space<vmem>>
    %dma_wait3A_329 = arith.constant 0 : i32
    %dma_wait3A_330 = tpu.memref_slice %arg10[%dma_wait3A_326, %dma_wait3A_329] : memref<4x128xi32, #tpu.memory_space<vmem>> -> memref<1x128xi32, #tpu.memory_space<vmem>>
    %dma_wait3A_331 = tpu.memref_squeeze %dma_wait3A_330 : memref<1x128xi32, #tpu.memory_space<vmem>> -> memref<128xi32, #tpu.memory_space<vmem>>
    %dma_wait3A_332 = arith.constant 0 : i32
    %dma_wait3A_333 = tpu.memref_slice %arg6[%dma_wait3A_332] : memref<100000xf32, #tpu.memory_space<hbm>> -> memref<100000xf32, #tpu.memory_space<hbm>>
    tpu.wait_indirect_dma semaphore(%arg19 : memref<!tpu.dma_semaphore, #tpu.memory_space<semaphore_mem>>) src(%dma_wait3A_333 : memref<100000xf32, #tpu.memory_space<hbm>>) dst(%dma_wait3A_328 : memref<128xf32, #tpu.memory_space<vmem>>)
    %dma_wait3A_334 = arith.constant 2 : i32
    %dma_wait3A_335 = arith.constant 256 : i32
    %dma_wait3A_336 = tpu.memref_slice %arg15[%dma_wait3A_335] : memref<512xf32, #tpu.memory_space<vmem>> -> memref<128xf32, #tpu.memory_space<vmem>>
    %dma_wait3A_337 = arith.constant 0 : i32
    %dma_wait3A_338 = tpu.memref_slice %arg10[%dma_wait3A_334, %dma_wait3A_337] : memref<4x128xi32, #tpu.memory_space<vmem>> -> memref<1x128xi32, #tpu.memory_space<vmem>>
    %dma_wait3A_339 = tpu.memref_squeeze %dma_wait3A_338 : memref<1x128xi32, #tpu.memory_space<vmem>> -> memref<128xi32, #tpu.memory_space<vmem>>
    %dma_wait3A_340 = arith.constant 0 : i32
    %dma_wait3A_341 = tpu.memref_slice %arg7[%dma_wait3A_340] : memref<100000xf32, #tpu.memory_space<hbm>> -> memref<100000xf32, #tpu.memory_space<hbm>>
    tpu.wait_indirect_dma semaphore(%arg19 : memref<!tpu.dma_semaphore, #tpu.memory_space<semaphore_mem>>) src(%dma_wait3A_341 : memref<100000xf32, #tpu.memory_space<hbm>>) dst(%dma_wait3A_336 : memref<128xf32, #tpu.memory_space<vmem>>)
    %dma_wait3A_342 = arith.constant 2 : i32
    %dma_wait3A_343 = arith.constant 256 : i32
    %dma_wait3A_344 = tpu.memref_slice %arg16[%dma_wait3A_343] : memref<512xf32, #tpu.memory_space<vmem>> -> memref<128xf32, #tpu.memory_space<vmem>>
    %dma_wait3A_345 = arith.constant 0 : i32
    %dma_wait3A_346 = tpu.memref_slice %arg10[%dma_wait3A_342, %dma_wait3A_345] : memref<4x128xi32, #tpu.memory_space<vmem>> -> memref<1x128xi32, #tpu.memory_space<vmem>>
    %dma_wait3A_347 = tpu.memref_squeeze %dma_wait3A_346 : memref<1x128xi32, #tpu.memory_space<vmem>> -> memref<128xi32, #tpu.memory_space<vmem>>
    %dma_wait3A_348 = arith.constant 0 : i32
    %dma_wait3A_349 = tpu.memref_slice %arg8[%dma_wait3A_348] : memref<100000xf32, #tpu.memory_space<hbm>> -> memref<100000xf32, #tpu.memory_space<hbm>>
    tpu.wait_indirect_dma semaphore(%arg19 : memref<!tpu.dma_semaphore, #tpu.memory_space<semaphore_mem>>) src(%dma_wait3A_349 : memref<100000xf32, #tpu.memory_space<hbm>>) dst(%dma_wait3A_344 : memref<128xf32, #tpu.memory_space<vmem>>)
    %dma_wait3A_350 = arith.constant 3 : i32
    %dma_wait3A_351 = arith.constant 384 : i32
    %dma_wait3A_352 = tpu.memref_slice %arg11[%dma_wait3A_351] : memref<512xf32, #tpu.memory_space<vmem>> -> memref<128xf32, #tpu.memory_space<vmem>>
    %dma_wait3A_353 = arith.constant 0 : i32
    %dma_wait3A_354 = tpu.memref_slice %arg10[%dma_wait3A_350, %dma_wait3A_353] : memref<4x128xi32, #tpu.memory_space<vmem>> -> memref<1x128xi32, #tpu.memory_space<vmem>>
    %dma_wait3A_355 = tpu.memref_squeeze %dma_wait3A_354 : memref<1x128xi32, #tpu.memory_space<vmem>> -> memref<128xi32, #tpu.memory_space<vmem>>
    %dma_wait3A_356 = arith.constant 0 : i32
    %dma_wait3A_357 = tpu.memref_slice %arg3[%dma_wait3A_356] : memref<100000xf32, #tpu.memory_space<hbm>> -> memref<100000xf32, #tpu.memory_space<hbm>>
    tpu.wait_indirect_dma semaphore(%arg19 : memref<!tpu.dma_semaphore, #tpu.memory_space<semaphore_mem>>) src(%dma_wait3A_357 : memref<100000xf32, #tpu.memory_space<hbm>>) dst(%dma_wait3A_352 : memref<128xf32, #tpu.memory_space<vmem>>)
    %dma_wait3A_358 = arith.constant 3 : i32
    %dma_wait3A_359 = arith.constant 384 : i32
    %dma_wait3A_360 = tpu.memref_slice %arg12[%dma_wait3A_359] : memref<512xf32, #tpu.memory_space<vmem>> -> memref<128xf32, #tpu.memory_space<vmem>>
    %dma_wait3A_361 = arith.constant 0 : i32
    %dma_wait3A_362 = tpu.memref_slice %arg10[%dma_wait3A_358, %dma_wait3A_361] : memref<4x128xi32, #tpu.memory_space<vmem>> -> memref<1x128xi32, #tpu.memory_space<vmem>>
    %dma_wait3A_363 = tpu.memref_squeeze %dma_wait3A_362 : memref<1x128xi32, #tpu.memory_space<vmem>> -> memref<128xi32, #tpu.memory_space<vmem>>
    %dma_wait3A_364 = arith.constant 0 : i32
    %dma_wait3A_365 = tpu.memref_slice %arg4[%dma_wait3A_364] : memref<100000xf32, #tpu.memory_space<hbm>> -> memref<100000xf32, #tpu.memory_space<hbm>>
    tpu.wait_indirect_dma semaphore(%arg19 : memref<!tpu.dma_semaphore, #tpu.memory_space<semaphore_mem>>) src(%dma_wait3A_365 : memref<100000xf32, #tpu.memory_space<hbm>>) dst(%dma_wait3A_360 : memref<128xf32, #tpu.memory_space<vmem>>)
    %dma_wait3A_366 = arith.constant 3 : i32
    %dma_wait3A_367 = arith.constant 384 : i32
    %dma_wait3A_368 = tpu.memref_slice %arg13[%dma_wait3A_367] : memref<512xf32, #tpu.memory_space<vmem>> -> memref<128xf32, #tpu.memory_space<vmem>>
    %dma_wait3A_369 = arith.constant 0 : i32
    %dma_wait3A_370 = tpu.memref_slice %arg10[%dma_wait3A_366, %dma_wait3A_369] : memref<4x128xi32, #tpu.memory_space<vmem>> -> memref<1x128xi32, #tpu.memory_space<vmem>>
    %dma_wait3A_371 = tpu.memref_squeeze %dma_wait3A_370 : memref<1x128xi32, #tpu.memory_space<vmem>> -> memref<128xi32, #tpu.memory_space<vmem>>
    %dma_wait3A_372 = arith.constant 0 : i32
    %dma_wait3A_373 = tpu.memref_slice %arg5[%dma_wait3A_372] : memref<100000xf32, #tpu.memory_space<hbm>> -> memref<100000xf32, #tpu.memory_space<hbm>>
    tpu.wait_indirect_dma semaphore(%arg19 : memref<!tpu.dma_semaphore, #tpu.memory_space<semaphore_mem>>) src(%dma_wait3A_373 : memref<100000xf32, #tpu.memory_space<hbm>>) dst(%dma_wait3A_368 : memref<128xf32, #tpu.memory_space<vmem>>)
    %dma_wait3A_374 = arith.constant 3 : i32
    %dma_wait3A_375 = arith.constant 384 : i32
    %dma_wait3A_376 = tpu.memref_slice %arg14[%dma_wait3A_375] : memref<512xf32, #tpu.memory_space<vmem>> -> memref<128xf32, #tpu.memory_space<vmem>>
    %dma_wait3A_377 = arith.constant 0 : i32
    %dma_wait3A_378 = tpu.memref_slice %arg10[%dma_wait3A_374, %dma_wait3A_377] : memref<4x128xi32, #tpu.memory_space<vmem>> -> memref<1x128xi32, #tpu.memory_space<vmem>>
    %dma_wait3A_379 = tpu.memref_squeeze %dma_wait3A_378 : memref<1x128xi32, #tpu.memory_space<vmem>> -> memref<128xi32, #tpu.memory_space<vmem>>
    %dma_wait3A_380 = arith.constant 0 : i32
    %dma_wait3A_381 = tpu.memref_slice %arg6[%dma_wait3A_380] : memref<100000xf32, #tpu.memory_space<hbm>> -> memref<100000xf32, #tpu.memory_space<hbm>>
    tpu.wait_indirect_dma semaphore(%arg19 : memref<!tpu.dma_semaphore, #tpu.memory_space<semaphore_mem>>) src(%dma_wait3A_381 : memref<100000xf32, #tpu.memory_space<hbm>>) dst(%dma_wait3A_376 : memref<128xf32, #tpu.memory_space<vmem>>)
    %dma_wait3A_382 = arith.constant 3 : i32
    %dma_wait3A_383 = arith.constant 384 : i32
    %dma_wait3A_384 = tpu.memref_slice %arg15[%dma_wait3A_383] : memref<512xf32, #tpu.memory_space<vmem>> -> memref<128xf32, #tpu.memory_space<vmem>>
    %dma_wait3A_385 = arith.constant 0 : i32
    %dma_wait3A_386 = tpu.memref_slice %arg10[%dma_wait3A_382, %dma_wait3A_385] : memref<4x128xi32, #tpu.memory_space<vmem>> -> memref<1x128xi32, #tpu.memory_space<vmem>>
    %dma_wait3A_387 = tpu.memref_squeeze %dma_wait3A_386 : memref<1x128xi32, #tpu.memory_space<vmem>> -> memref<128xi32, #tpu.memory_space<vmem>>
    %dma_wait3A_388 = arith.constant 0 : i32
    %dma_wait3A_389 = tpu.memref_slice %arg7[%dma_wait3A_388] : memref<100000xf32, #tpu.memory_space<hbm>> -> memref<100000xf32, #tpu.memory_space<hbm>>
    tpu.wait_indirect_dma semaphore(%arg19 : memref<!tpu.dma_semaphore, #tpu.memory_space<semaphore_mem>>) src(%dma_wait3A_389 : memref<100000xf32, #tpu.memory_space<hbm>>) dst(%dma_wait3A_384 : memref<128xf32, #tpu.memory_space<vmem>>)
    %dma_wait3A_390 = arith.constant 3 : i32
    %dma_wait3A_391 = arith.constant 384 : i32
    %dma_wait3A_392 = tpu.memref_slice %arg16[%dma_wait3A_391] : memref<512xf32, #tpu.memory_space<vmem>> -> memref<128xf32, #tpu.memory_space<vmem>>
    %dma_wait3A_393 = arith.constant 0 : i32
    %dma_wait3A_394 = tpu.memref_slice %arg10[%dma_wait3A_390, %dma_wait3A_393] : memref<4x128xi32, #tpu.memory_space<vmem>> -> memref<1x128xi32, #tpu.memory_space<vmem>>
    %dma_wait3A_395 = tpu.memref_squeeze %dma_wait3A_394 : memref<1x128xi32, #tpu.memory_space<vmem>> -> memref<128xi32, #tpu.memory_space<vmem>>
    %dma_wait3A_396 = arith.constant 0 : i32
    %dma_wait3A_397 = tpu.memref_slice %arg8[%dma_wait3A_396] : memref<100000xf32, #tpu.memory_space<hbm>> -> memref<100000xf32, #tpu.memory_space<hbm>>
    tpu.wait_indirect_dma semaphore(%arg19 : memref<!tpu.dma_semaphore, #tpu.memory_space<semaphore_mem>>) src(%dma_wait3A_397 : memref<100000xf32, #tpu.memory_space<hbm>>) dst(%dma_wait3A_392 : memref<128xf32, #tpu.memory_space<vmem>>)
    %parallel_loop3A_398 = arith.constant 16 : i32
    %parallel_loop3A_399 = arith.constant 32 : i32
    %parallel_loop3A_400 = arith.constant 1 : i32
    scf.for %parallel_loop3A_465 = %parallel_loop3A_398 to %parallel_loop3A_399 step %parallel_loop3A_400  : i32 {
      %parallel_loop3A_466 = arith.constant 16 : i32
      %parallel_loop3A_467 = arith.muli %parallel_loop3A_465, %parallel_loop3A_466 : i32
      %parallel_loop3A_468 = tpu.assume_multiple %parallel_loop3A_467, 16 : i32
      %parallel_loop3A_469 = arith.index_cast %parallel_loop3A_468 : i32 to index
      %parallel_loop3A_470 = tpu.vector_load %arg11[%parallel_loop3A_469] {strides = array<i32>} : memref<512xf32, #tpu.memory_space<vmem>>, vector<16xf32>,
      %parallel_loop3A_471 = arith.index_cast %parallel_loop3A_468 : i32 to index
      %parallel_loop3A_472 = tpu.vector_load %arg12[%parallel_loop3A_471] {strides = array<i32>} : memref<512xf32, #tpu.memory_space<vmem>>, vector<16xf32>,
      %parallel_loop3A_473 = arith.index_cast %parallel_loop3A_468 : i32 to index
      %parallel_loop3A_474 = tpu.vector_load %arg13[%parallel_loop3A_473] {strides = array<i32>} : memref<512xf32, #tpu.memory_space<vmem>>, vector<16xf32>,
      %parallel_loop3A_475 = arith.index_cast %parallel_loop3A_468 : i32 to index
      %parallel_loop3A_476 = tpu.vector_load %arg14[%parallel_loop3A_475] {strides = array<i32>} : memref<512xf32, #tpu.memory_space<vmem>>, vector<16xf32>,
      %parallel_loop3A_477 = arith.index_cast %parallel_loop3A_468 : i32 to index
      %parallel_loop3A_478 = tpu.vector_load %arg15[%parallel_loop3A_477] {strides = array<i32>} : memref<512xf32, #tpu.memory_space<vmem>>, vector<16xf32>,
      %parallel_loop3A_479 = arith.index_cast %parallel_loop3A_468 : i32 to index
      %parallel_loop3A_480 = tpu.vector_load %arg16[%parallel_loop3A_479] {strides = array<i32>} : memref<512xf32, #tpu.memory_space<vmem>>, vector<16xf32>,
      %parallel_loop3A_481 = arith.mulf %parallel_loop3A_470, %parallel_loop3A_470 : vector<16xf32>
      %parallel_loop3A_482 = arith.mulf %parallel_loop3A_472, %parallel_loop3A_472 : vector<16xf32>
      %parallel_loop3A_483 = arith.addf %parallel_loop3A_481, %parallel_loop3A_482 : vector<16xf32>
      %parallel_loop3A_484 = arith.mulf %parallel_loop3A_474, %parallel_loop3A_474 : vector<16xf32>
      %parallel_loop3A_485 = arith.addf %parallel_loop3A_483, %parallel_loop3A_484 : vector<16xf32>
      %parallel_loop3A_486 = arith.constant 9.99999968E-21 : f32
      %parallel_loop3A_487 = vector.broadcast %parallel_loop3A_486 : f32 to vector<16xf32>
      %parallel_loop3A_488 = arith.addf %parallel_loop3A_485, %parallel_loop3A_487 : vector<16xf32>
      %parallel_loop3A_489 = tpu.bitcast %parallel_loop3A_488 : vector<16xf32> -> vector<16xi32>
      %parallel_loop3A_490 = arith.constant 1 : i32
      %parallel_loop3A_491 = vector.broadcast %parallel_loop3A_490 : i32 to vector<16xi32>
      %parallel_loop3A_492 = arith.shrsi %parallel_loop3A_489, %parallel_loop3A_491 : vector<16xi32>
      %parallel_loop3A_493 = arith.constant 1597463007 : i32
      %parallel_loop3A_494 = vector.broadcast %parallel_loop3A_493 : i32 to vector<16xi32>
      %parallel_loop3A_495 = arith.subi %parallel_loop3A_494, %parallel_loop3A_492 : vector<16xi32>
      %parallel_loop3A_496 = tpu.bitcast %parallel_loop3A_495 : vector<16xi32> -> vector<16xf32>
      %parallel_loop3A_497 = arith.constant 5.000000e-01 : f32
      %parallel_loop3A_498 = vector.broadcast %parallel_loop3A_497 : f32 to vector<16xf32>
      %parallel_loop3A_499 = arith.mulf %parallel_loop3A_498, %parallel_loop3A_488 : vector<16xf32>
      %parallel_loop3A_500 = arith.mulf %parallel_loop3A_499, %parallel_loop3A_496 : vector<16xf32>
      %parallel_loop3A_501 = arith.mulf %parallel_loop3A_500, %parallel_loop3A_496 : vector<16xf32>
      %parallel_loop3A_502 = arith.constant 1.500000e+00 : f32
      %parallel_loop3A_503 = vector.broadcast %parallel_loop3A_502 : f32 to vector<16xf32>
      %parallel_loop3A_504 = arith.subf %parallel_loop3A_503, %parallel_loop3A_501 : vector<16xf32>
      %parallel_loop3A_505 = arith.mulf %parallel_loop3A_496, %parallel_loop3A_504 : vector<16xf32>
      %parallel_loop3A_506 = arith.constant 5.000000e-01 : f32
      %parallel_loop3A_507 = vector.broadcast %parallel_loop3A_506 : f32 to vector<16xf32>
      %parallel_loop3A_508 = arith.mulf %parallel_loop3A_507, %parallel_loop3A_488 : vector<16xf32>
      %parallel_loop3A_509 = arith.mulf %parallel_loop3A_508, %parallel_loop3A_505 : vector<16xf32>
      %parallel_loop3A_510 = arith.mulf %parallel_loop3A_509, %parallel_loop3A_505 : vector<16xf32>
      %parallel_loop3A_511 = arith.constant 1.500000e+00 : f32
      %parallel_loop3A_512 = vector.broadcast %parallel_loop3A_511 : f32 to vector<16xf32>
      %parallel_loop3A_513 = arith.subf %parallel_loop3A_512, %parallel_loop3A_510 : vector<16xf32>
      %parallel_loop3A_514 = arith.mulf %parallel_loop3A_505, %parallel_loop3A_513 : vector<16xf32>
      %parallel_loop3A_515 = arith.constant 5.000000e-01 : f32
      %parallel_loop3A_516 = vector.broadcast %parallel_loop3A_515 : f32 to vector<16xf32>
      %parallel_loop3A_517 = arith.mulf %parallel_loop3A_516, %parallel_loop3A_488 : vector<16xf32>
      %parallel_loop3A_518 = arith.mulf %parallel_loop3A_517, %parallel_loop3A_514 : vector<16xf32>
      %parallel_loop3A_519 = arith.mulf %parallel_loop3A_518, %parallel_loop3A_514 : vector<16xf32>
      %parallel_loop3A_520 = arith.constant 1.500000e+00 : f32
      %parallel_loop3A_521 = vector.broadcast %parallel_loop3A_520 : f32 to vector<16xf32>
      %parallel_loop3A_522 = arith.subf %parallel_loop3A_521, %parallel_loop3A_519 : vector<16xf32>
      %parallel_loop3A_523 = arith.mulf %parallel_loop3A_514, %parallel_loop3A_522 : vector<16xf32>
      %parallel_loop3A_524 = arith.mulf %parallel_loop3A_488, %parallel_loop3A_523 : vector<16xf32>
      %parallel_loop3A_525 = arith.constant 9.99999997E-7 : f32
      %parallel_loop3A_526 = vector.broadcast %parallel_loop3A_525 : f32 to vector<16xf32>
      %parallel_loop3A_527 = arith.cmpf olt, %parallel_loop3A_524, %parallel_loop3A_526 : vector<16xf32>
      %parallel_loop3A_528 = arith.constant 1.000000e+00 : f32
      %parallel_loop3A_529 = vector.broadcast %parallel_loop3A_528 : f32 to vector<16xf32>
      %parallel_loop3A_530 = arith.select %parallel_loop3A_527, %parallel_loop3A_529, %parallel_loop3A_524 : vector<16xi1>, vector<16xf32>
      %parallel_loop3A_531 = arith.constant 0.636619746 : f32
      %parallel_loop3A_532 = vector.broadcast %parallel_loop3A_531 : f32 to vector<16xf32>
      %parallel_loop3A_533 = arith.mulf %parallel_loop3A_530, %parallel_loop3A_532 : vector<16xf32>
      %parallel_loop3A_534 = arith.constant 5.000000e-01 : f32
      %parallel_loop3A_535 = vector.broadcast %parallel_loop3A_534 : f32 to vector<16xf32>
      %parallel_loop3A_536 = arith.addf %parallel_loop3A_533, %parallel_loop3A_535 : vector<16xf32>
      %parallel_loop3A_537 = arith.fptosi %parallel_loop3A_536 : vector<16xf32> to vector<16xi32>
      %parallel_loop3A_538 = arith.sitofp %parallel_loop3A_537 : vector<16xi32> to vector<16xf32>
      %parallel_loop3A_539 = arith.constant 1.5703125 : f32
      %parallel_loop3A_540 = vector.broadcast %parallel_loop3A_539 : f32 to vector<16xf32>
      %parallel_loop3A_541 = arith.mulf %parallel_loop3A_538, %parallel_loop3A_540 : vector<16xf32>
      %parallel_loop3A_542 = arith.subf %parallel_loop3A_530, %parallel_loop3A_541 : vector<16xf32>
      %parallel_loop3A_543 = arith.constant 4.83751297E-4 : f32
      %parallel_loop3A_544 = vector.broadcast %parallel_loop3A_543 : f32 to vector<16xf32>
      %parallel_loop3A_545 = arith.mulf %parallel_loop3A_538, %parallel_loop3A_544 : vector<16xf32>
      %parallel_loop3A_546 = arith.subf %parallel_loop3A_542, %parallel_loop3A_545 : vector<16xf32>
      %parallel_loop3A_547 = arith.constant 7.549790e-08 : f32
      %parallel_loop3A_548 = vector.broadcast %parallel_loop3A_547 : f32 to vector<16xf32>
      %parallel_loop3A_549 = arith.mulf %parallel_loop3A_538, %parallel_loop3A_548 : vector<16xf32>
      %parallel_loop3A_550 = arith.subf %parallel_loop3A_546, %parallel_loop3A_549 : vector<16xf32>
      %parallel_loop3A_551 = arith.mulf %parallel_loop3A_550, %parallel_loop3A_550 : vector<16xf32>
      %parallel_loop3A_552 = arith.mulf %parallel_loop3A_550, %parallel_loop3A_551 : vector<16xf32>
      %parallel_loop3A_553 = arith.constant -1.95152956E-4 : f32
      %parallel_loop3A_554 = vector.broadcast %parallel_loop3A_553 : f32 to vector<16xf32>
      %parallel_loop3A_555 = arith.mulf %parallel_loop3A_551, %parallel_loop3A_554 : vector<16xf32>
      %parallel_loop3A_556 = arith.constant 0.00833216123 : f32
      %parallel_loop3A_557 = vector.broadcast %parallel_loop3A_556 : f32 to vector<16xf32>
      %parallel_loop3A_558 = arith.addf %parallel_loop3A_557, %parallel_loop3A_555 : vector<16xf32>
      %parallel_loop3A_559 = arith.mulf %parallel_loop3A_551, %parallel_loop3A_558 : vector<16xf32>
      %parallel_loop3A_560 = arith.constant -0.166666552 : f32
      %parallel_loop3A_561 = vector.broadcast %parallel_loop3A_560 : f32 to vector<16xf32>
      %parallel_loop3A_562 = arith.addf %parallel_loop3A_561, %parallel_loop3A_559 : vector<16xf32>
      %parallel_loop3A_563 = arith.mulf %parallel_loop3A_552, %parallel_loop3A_562 : vector<16xf32>
      %parallel_loop3A_564 = arith.addf %parallel_loop3A_550, %parallel_loop3A_563 : vector<16xf32>
      %parallel_loop3A_565 = arith.constant 5.000000e-01 : f32
      %parallel_loop3A_566 = vector.broadcast %parallel_loop3A_565 : f32 to vector<16xf32>
      %parallel_loop3A_567 = arith.mulf %parallel_loop3A_566, %parallel_loop3A_551 : vector<16xf32>
      %parallel_loop3A_568 = arith.constant 1.000000e+00 : f32
      %parallel_loop3A_569 = vector.broadcast %parallel_loop3A_568 : f32 to vector<16xf32>
      %parallel_loop3A_570 = arith.subf %parallel_loop3A_569, %parallel_loop3A_567 : vector<16xf32>
      %parallel_loop3A_571 = arith.mulf %parallel_loop3A_551, %parallel_loop3A_551 : vector<16xf32>
      %parallel_loop3A_572 = arith.constant 2.44331568E-5 : f32
      %parallel_loop3A_573 = vector.broadcast %parallel_loop3A_572 : f32 to vector<16xf32>
      %parallel_loop3A_574 = arith.mulf %parallel_loop3A_551, %parallel_loop3A_573 : vector<16xf32>
      %parallel_loop3A_575 = arith.constant -0.00138873165 : f32
      %parallel_loop3A_576 = vector.broadcast %parallel_loop3A_575 : f32 to vector<16xf32>
      %parallel_loop3A_577 = arith.addf %parallel_loop3A_576, %parallel_loop3A_574 : vector<16xf32>
      %parallel_loop3A_578 = arith.mulf %parallel_loop3A_551, %parallel_loop3A_577 : vector<16xf32>
      %parallel_loop3A_579 = arith.constant 0.0416666456 : f32
      %parallel_loop3A_580 = vector.broadcast %parallel_loop3A_579 : f32 to vector<16xf32>
      %parallel_loop3A_581 = arith.addf %parallel_loop3A_580, %parallel_loop3A_578 : vector<16xf32>
      %parallel_loop3A_582 = arith.mulf %parallel_loop3A_571, %parallel_loop3A_581 : vector<16xf32>
      %parallel_loop3A_583 = arith.addf %parallel_loop3A_570, %parallel_loop3A_582 : vector<16xf32>
      %parallel_loop3A_584 = arith.constant 3 : i32
      %parallel_loop3A_585 = vector.broadcast %parallel_loop3A_584 : i32 to vector<16xi32>
      %parallel_loop3A_586 = arith.andi %parallel_loop3A_537, %parallel_loop3A_585 : vector<16xi32>
      %parallel_loop3A_587 = arith.constant 0.000000e+00 : f32
      %parallel_loop3A_588 = vector.broadcast %parallel_loop3A_587 : f32 to vector<16xf32>
      %parallel_loop3A_589 = arith.subf %parallel_loop3A_588, %parallel_loop3A_564 : vector<16xf32>
      %parallel_loop3A_590 = arith.constant 0.000000e+00 : f32
      %parallel_loop3A_591 = vector.broadcast %parallel_loop3A_590 : f32 to vector<16xf32>
      %parallel_loop3A_592 = arith.subf %parallel_loop3A_591, %parallel_loop3A_583 : vector<16xf32>
      %parallel_loop3A_593 = arith.constant 0 : i32
      %parallel_loop3A_594 = vector.broadcast %parallel_loop3A_593 : i32 to vector<16xi32>
      %parallel_loop3A_595 = arith.cmpi eq, %parallel_loop3A_586, %parallel_loop3A_594 : vector<16xi32>
      %parallel_loop3A_596 = arith.constant 1 : i32
      %parallel_loop3A_597 = vector.broadcast %parallel_loop3A_596 : i32 to vector<16xi32>
      %parallel_loop3A_598 = arith.cmpi eq, %parallel_loop3A_586, %parallel_loop3A_597 : vector<16xi32>
      %parallel_loop3A_599 = arith.constant 2 : i32
      %parallel_loop3A_600 = vector.broadcast %parallel_loop3A_599 : i32 to vector<16xi32>
      %parallel_loop3A_601 = arith.cmpi eq, %parallel_loop3A_586, %parallel_loop3A_600 : vector<16xi32>
      %parallel_loop3A_602 = arith.select %parallel_loop3A_601, %parallel_loop3A_589, %parallel_loop3A_592 : vector<16xi1>, vector<16xf32>
      %parallel_loop3A_603 = arith.select %parallel_loop3A_598, %parallel_loop3A_583, %parallel_loop3A_602 : vector<16xi1>, vector<16xf32>
      %parallel_loop3A_604 = arith.select %parallel_loop3A_595, %parallel_loop3A_564, %parallel_loop3A_603 : vector<16xi1>, vector<16xf32>
      %parallel_loop3A_605 = arith.constant 0 : i32
      %parallel_loop3A_606 = vector.broadcast %parallel_loop3A_605 : i32 to vector<16xi32>
      %parallel_loop3A_607 = arith.cmpi eq, %parallel_loop3A_586, %parallel_loop3A_606 : vector<16xi32>
      %parallel_loop3A_608 = arith.constant 1 : i32
      %parallel_loop3A_609 = vector.broadcast %parallel_loop3A_608 : i32 to vector<16xi32>
      %parallel_loop3A_610 = arith.cmpi eq, %parallel_loop3A_586, %parallel_loop3A_609 : vector<16xi32>
      %parallel_loop3A_611 = arith.constant 2 : i32
      %parallel_loop3A_612 = vector.broadcast %parallel_loop3A_611 : i32 to vector<16xi32>
      %parallel_loop3A_613 = arith.cmpi eq, %parallel_loop3A_586, %parallel_loop3A_612 : vector<16xi32>
      %parallel_loop3A_614 = arith.select %parallel_loop3A_613, %parallel_loop3A_592, %parallel_loop3A_564 : vector<16xi1>, vector<16xf32>
      %parallel_loop3A_615 = arith.select %parallel_loop3A_610, %parallel_loop3A_589, %parallel_loop3A_614 : vector<16xi1>, vector<16xf32>
      %parallel_loop3A_616 = arith.select %parallel_loop3A_607, %parallel_loop3A_583, %parallel_loop3A_615 : vector<16xi1>, vector<16xf32>
      %parallel_loop3A_617 = arith.constant 0.166666672 : f32
      %parallel_loop3A_618 = vector.broadcast %parallel_loop3A_617 : f32 to vector<16xf32>
      %parallel_loop3A_619 = arith.mulf %parallel_loop3A_485, %parallel_loop3A_618 : vector<16xf32>
      %parallel_loop3A_620 = arith.constant 1.000000e+00 : f32
      %parallel_loop3A_621 = vector.broadcast %parallel_loop3A_620 : f32 to vector<16xf32>
      %parallel_loop3A_622 = arith.subf %parallel_loop3A_621, %parallel_loop3A_619 : vector<16xf32>
      %parallel_loop3A_623 = arith.mulf %parallel_loop3A_604, %parallel_loop3A_523 : vector<16xf32>
      %parallel_loop3A_624 = arith.select %parallel_loop3A_527, %parallel_loop3A_622, %parallel_loop3A_623 : vector<16xi1>, vector<16xf32>
      %parallel_loop3A_625 = arith.constant 0.0416666679 : f32
      %parallel_loop3A_626 = vector.broadcast %parallel_loop3A_625 : f32 to vector<16xf32>
      %parallel_loop3A_627 = arith.mulf %parallel_loop3A_485, %parallel_loop3A_626 : vector<16xf32>
      %parallel_loop3A_628 = arith.constant 5.000000e-01 : f32
      %parallel_loop3A_629 = vector.broadcast %parallel_loop3A_628 : f32 to vector<16xf32>
      %parallel_loop3A_630 = arith.subf %parallel_loop3A_629, %parallel_loop3A_627 : vector<16xf32>
      %parallel_loop3A_631 = arith.constant 1.000000e+00 : f32
      %parallel_loop3A_632 = vector.broadcast %parallel_loop3A_631 : f32 to vector<16xf32>
      %parallel_loop3A_633 = arith.subf %parallel_loop3A_632, %parallel_loop3A_616 : vector<16xf32>
      %parallel_loop3A_634 = arith.mulf %parallel_loop3A_633, %parallel_loop3A_523 : vector<16xf32>
      %parallel_loop3A_635 = arith.mulf %parallel_loop3A_634, %parallel_loop3A_523 : vector<16xf32>
      %parallel_loop3A_636 = arith.select %parallel_loop3A_527, %parallel_loop3A_630, %parallel_loop3A_635 : vector<16xi1>, vector<16xf32>
      %parallel_loop3A_637 = arith.mulf %parallel_loop3A_636, %parallel_loop3A_470 : vector<16xf32>
      %parallel_loop3A_638 = arith.mulf %parallel_loop3A_637, %parallel_loop3A_472 : vector<16xf32>
      %parallel_loop3A_639 = arith.mulf %parallel_loop3A_636, %parallel_loop3A_470 : vector<16xf32>
      %parallel_loop3A_640 = arith.mulf %parallel_loop3A_639, %parallel_loop3A_474 : vector<16xf32>
      %parallel_loop3A_641 = arith.mulf %parallel_loop3A_636, %parallel_loop3A_472 : vector<16xf32>
      %parallel_loop3A_642 = arith.mulf %parallel_loop3A_641, %parallel_loop3A_474 : vector<16xf32>
      %parallel_loop3A_643 = arith.mulf %parallel_loop3A_624, %parallel_loop3A_470 : vector<16xf32>
      %parallel_loop3A_644 = arith.mulf %parallel_loop3A_624, %parallel_loop3A_472 : vector<16xf32>
      %parallel_loop3A_645 = arith.mulf %parallel_loop3A_624, %parallel_loop3A_474 : vector<16xf32>
      %parallel_loop3A_646 = arith.mulf %parallel_loop3A_470, %parallel_loop3A_470 : vector<16xf32>
      %parallel_loop3A_647 = arith.subf %parallel_loop3A_646, %parallel_loop3A_485 : vector<16xf32>
      %parallel_loop3A_648 = arith.mulf %parallel_loop3A_636, %parallel_loop3A_647 : vector<16xf32>
      %parallel_loop3A_649 = arith.constant 1.000000e+00 : f32
      %parallel_loop3A_650 = vector.broadcast %parallel_loop3A_649 : f32 to vector<16xf32>
      %parallel_loop3A_651 = arith.addf %parallel_loop3A_650, %parallel_loop3A_648 : vector<16xf32>
      %parallel_loop3A_652 = arith.addf %parallel_loop3A_645, %parallel_loop3A_638 : vector<16xf32>
      %parallel_loop3A_653 = arith.subf %parallel_loop3A_640, %parallel_loop3A_644 : vector<16xf32>
      %parallel_loop3A_654 = arith.subf %parallel_loop3A_638, %parallel_loop3A_645 : vector<16xf32>
      %parallel_loop3A_655 = arith.mulf %parallel_loop3A_472, %parallel_loop3A_472 : vector<16xf32>
      %parallel_loop3A_656 = arith.subf %parallel_loop3A_655, %parallel_loop3A_485 : vector<16xf32>
      %parallel_loop3A_657 = arith.mulf %parallel_loop3A_636, %parallel_loop3A_656 : vector<16xf32>
      %parallel_loop3A_658 = arith.constant 1.000000e+00 : f32
      %parallel_loop3A_659 = vector.broadcast %parallel_loop3A_658 : f32 to vector<16xf32>
      %parallel_loop3A_660 = arith.addf %parallel_loop3A_659, %parallel_loop3A_657 : vector<16xf32>
      %parallel_loop3A_661 = arith.addf %parallel_loop3A_643, %parallel_loop3A_642 : vector<16xf32>
      %parallel_loop3A_662 = arith.addf %parallel_loop3A_644, %parallel_loop3A_640 : vector<16xf32>
      %parallel_loop3A_663 = arith.subf %parallel_loop3A_642, %parallel_loop3A_643 : vector<16xf32>
      %parallel_loop3A_664 = arith.mulf %parallel_loop3A_474, %parallel_loop3A_474 : vector<16xf32>
      %parallel_loop3A_665 = arith.subf %parallel_loop3A_664, %parallel_loop3A_485 : vector<16xf32>
      %parallel_loop3A_666 = arith.mulf %parallel_loop3A_636, %parallel_loop3A_665 : vector<16xf32>
      %parallel_loop3A_667 = arith.constant 1.000000e+00 : f32
      %parallel_loop3A_668 = vector.broadcast %parallel_loop3A_667 : f32 to vector<16xf32>
      %parallel_loop3A_669 = arith.addf %parallel_loop3A_668, %parallel_loop3A_666 : vector<16xf32>
      %parallel_loop3A_670 = arith.mulf %parallel_loop3A_651, %parallel_loop3A_476 : vector<16xf32>
      %parallel_loop3A_671 = arith.mulf %parallel_loop3A_652, %parallel_loop3A_478 : vector<16xf32>
      %parallel_loop3A_672 = arith.addf %parallel_loop3A_670, %parallel_loop3A_671 : vector<16xf32>
      %parallel_loop3A_673 = arith.mulf %parallel_loop3A_653, %parallel_loop3A_480 : vector<16xf32>
      %parallel_loop3A_674 = arith.addf %parallel_loop3A_672, %parallel_loop3A_673 : vector<16xf32>
      %parallel_loop3A_675 = arith.constant 0.000000e+00 : f32
      %parallel_loop3A_676 = vector.broadcast %parallel_loop3A_675 : f32 to vector<16xf32>
      %parallel_loop3A_677 = arith.subf %parallel_loop3A_676, %parallel_loop3A_674 : vector<16xf32>
      %parallel_loop3A_678 = arith.mulf %parallel_loop3A_654, %parallel_loop3A_476 : vector<16xf32>
      %parallel_loop3A_679 = arith.mulf %parallel_loop3A_660, %parallel_loop3A_478 : vector<16xf32>
      %parallel_loop3A_680 = arith.addf %parallel_loop3A_678, %parallel_loop3A_679 : vector<16xf32>
      %parallel_loop3A_681 = arith.mulf %parallel_loop3A_661, %parallel_loop3A_480 : vector<16xf32>
      %parallel_loop3A_682 = arith.addf %parallel_loop3A_680, %parallel_loop3A_681 : vector<16xf32>
      %parallel_loop3A_683 = arith.constant 0.000000e+00 : f32
      %parallel_loop3A_684 = vector.broadcast %parallel_loop3A_683 : f32 to vector<16xf32>
      %parallel_loop3A_685 = arith.subf %parallel_loop3A_684, %parallel_loop3A_682 : vector<16xf32>
      %parallel_loop3A_686 = arith.mulf %parallel_loop3A_662, %parallel_loop3A_476 : vector<16xf32>
      %parallel_loop3A_687 = arith.mulf %parallel_loop3A_663, %parallel_loop3A_478 : vector<16xf32>
      %parallel_loop3A_688 = arith.addf %parallel_loop3A_686, %parallel_loop3A_687 : vector<16xf32>
      %parallel_loop3A_689 = arith.mulf %parallel_loop3A_669, %parallel_loop3A_480 : vector<16xf32>
      %parallel_loop3A_690 = arith.addf %parallel_loop3A_688, %parallel_loop3A_689 : vector<16xf32>
      %parallel_loop3A_691 = arith.constant 0.000000e+00 : f32
      %parallel_loop3A_692 = vector.broadcast %parallel_loop3A_691 : f32 to vector<16xf32>
      %parallel_loop3A_693 = arith.subf %parallel_loop3A_692, %parallel_loop3A_690 : vector<16xf32>
      %parallel_loop3A_694 = arith.constant 0.000000e+00 : f32
      %parallel_loop3A_695 = vector.broadcast %parallel_loop3A_694 : f32 to vector<16xf32>
      %parallel_loop3A_696 = arith.constant 1.000000e+00 : f32
      %parallel_loop3A_697 = vector.broadcast %parallel_loop3A_696 : f32 to vector<16xf32>
      %parallel_loop3A_698 = arith.addf %parallel_loop3A_695, %parallel_loop3A_697 : vector<16xf32>
      %parallel_loop3A_699 = arith.constant 3 : i32
      %parallel_loop3A_700 = arith.shrsi %parallel_loop3A_465, %parallel_loop3A_699 : i32
      %parallel_loop3A_701 = arith.constant 512 : i32
      %parallel_loop3A_702 = arith.muli %parallel_loop3A_700, %parallel_loop3A_701 : i32
      %parallel_loop3A_703 = arith.constant 7 : i32
      %parallel_loop3A_704 = arith.andi %parallel_loop3A_465, %parallel_loop3A_703 : i32
      %parallel_loop3A_705 = arith.constant 16 : i32
      %parallel_loop3A_706 = arith.muli %parallel_loop3A_704, %parallel_loop3A_705 : i32
      %parallel_loop3A_707 = arith.addi %parallel_loop3A_702, %parallel_loop3A_706 : i32
      %parallel_loop3A_708 = tpu.assume_multiple %parallel_loop3A_707, 16 : i32
      %parallel_loop3A_709 = arith.constant 0 : i32
      %parallel_loop3A_710 = arith.addi %parallel_loop3A_708, %parallel_loop3A_709 : i32
      %parallel_loop3A_711 = arith.constant 0 : i32
      %parallel_loop3A_712 = arith.addi %parallel_loop3A_710, %parallel_loop3A_711 : i32
      %parallel_loop3A_713 = arith.index_cast %parallel_loop3A_712 : i32 to index
      %parallel_loop3A_714 = tpu.vector_load %arg17[%parallel_loop3A_713] {strides = array<i32>} : memref<8192xf32, #tpu.memory_space<vmem>>, vector<16xf32>,
      tpu.vector_store %arg17[%parallel_loop3A_713], %parallel_loop3A_651 {strides = array<i32>} : memref<8192xf32, #tpu.memory_space<vmem>>, vector<16xf32>,
      %parallel_loop3A_715 = arith.constant 0 : i32
      %parallel_loop3A_716 = arith.addi %parallel_loop3A_708, %parallel_loop3A_715 : i32
      %parallel_loop3A_717 = arith.constant 128 : i32
      %parallel_loop3A_718 = arith.addi %parallel_loop3A_716, %parallel_loop3A_717 : i32
      %parallel_loop3A_719 = arith.index_cast %parallel_loop3A_718 : i32 to index
      %parallel_loop3A_720 = tpu.vector_load %arg17[%parallel_loop3A_719] {strides = array<i32>} : memref<8192xf32, #tpu.memory_space<vmem>>, vector<16xf32>,
      tpu.vector_store %arg17[%parallel_loop3A_719], %parallel_loop3A_652 {strides = array<i32>} : memref<8192xf32, #tpu.memory_space<vmem>>, vector<16xf32>,
      %parallel_loop3A_721 = arith.constant 0 : i32
      %parallel_loop3A_722 = arith.addi %parallel_loop3A_708, %parallel_loop3A_721 : i32
      %parallel_loop3A_723 = arith.constant 256 : i32
      %parallel_loop3A_724 = arith.addi %parallel_loop3A_722, %parallel_loop3A_723 : i32
      %parallel_loop3A_725 = arith.index_cast %parallel_loop3A_724 : i32 to index
      %parallel_loop3A_726 = tpu.vector_load %arg17[%parallel_loop3A_725] {strides = array<i32>} : memref<8192xf32, #tpu.memory_space<vmem>>, vector<16xf32>,
      tpu.vector_store %arg17[%parallel_loop3A_725], %parallel_loop3A_653 {strides = array<i32>} : memref<8192xf32, #tpu.memory_space<vmem>>, vector<16xf32>,
      %parallel_loop3A_727 = arith.constant 0 : i32
      %parallel_loop3A_728 = arith.addi %parallel_loop3A_708, %parallel_loop3A_727 : i32
      %parallel_loop3A_729 = arith.constant 384 : i32
      %parallel_loop3A_730 = arith.addi %parallel_loop3A_728, %parallel_loop3A_729 : i32
      %parallel_loop3A_731 = arith.index_cast %parallel_loop3A_730 : i32 to index
      %parallel_loop3A_732 = tpu.vector_load %arg17[%parallel_loop3A_731] {strides = array<i32>} : memref<8192xf32, #tpu.memory_space<vmem>>, vector<16xf32>,
      tpu.vector_store %arg17[%parallel_loop3A_731], %parallel_loop3A_677 {strides = array<i32>} : memref<8192xf32, #tpu.memory_space<vmem>>, vector<16xf32>,
      %parallel_loop3A_733 = arith.constant 2048 : i32
      %parallel_loop3A_734 = arith.addi %parallel_loop3A_708, %parallel_loop3A_733 : i32
      %parallel_loop3A_735 = arith.constant 0 : i32
      %parallel_loop3A_736 = arith.addi %parallel_loop3A_734, %parallel_loop3A_735 : i32
      %parallel_loop3A_737 = arith.index_cast %parallel_loop3A_736 : i32 to index
      %parallel_loop3A_738 = tpu.vector_load %arg17[%parallel_loop3A_737] {strides = array<i32>} : memref<8192xf32, #tpu.memory_space<vmem>>, vector<16xf32>,
      tpu.vector_store %arg17[%parallel_loop3A_737], %parallel_loop3A_654 {strides = array<i32>} : memref<8192xf32, #tpu.memory_space<vmem>>, vector<16xf32>,
      %parallel_loop3A_739 = arith.constant 2048 : i32
      %parallel_loop3A_740 = arith.addi %parallel_loop3A_708, %parallel_loop3A_739 : i32
      %parallel_loop3A_741 = arith.constant 128 : i32
      %parallel_loop3A_742 = arith.addi %parallel_loop3A_740, %parallel_loop3A_741 : i32
      %parallel_loop3A_743 = arith.index_cast %parallel_loop3A_742 : i32 to index
      %parallel_loop3A_744 = tpu.vector_load %arg17[%parallel_loop3A_743] {strides = array<i32>} : memref<8192xf32, #tpu.memory_space<vmem>>, vector<16xf32>,
      tpu.vector_store %arg17[%parallel_loop3A_743], %parallel_loop3A_660 {strides = array<i32>} : memref<8192xf32, #tpu.memory_space<vmem>>, vector<16xf32>,
      %parallel_loop3A_745 = arith.constant 2048 : i32
      %parallel_loop3A_746 = arith.addi %parallel_loop3A_708, %parallel_loop3A_745 : i32
      %parallel_loop3A_747 = arith.constant 256 : i32
      %parallel_loop3A_748 = arith.addi %parallel_loop3A_746, %parallel_loop3A_747 : i32
      %parallel_loop3A_749 = arith.index_cast %parallel_loop3A_748 : i32 to index
      %parallel_loop3A_750 = tpu.vector_load %arg17[%parallel_loop3A_749] {strides = array<i32>} : memref<8192xf32, #tpu.memory_space<vmem>>, vector<16xf32>,
      tpu.vector_store %arg17[%parallel_loop3A_749], %parallel_loop3A_661 {strides = array<i32>} : memref<8192xf32, #tpu.memory_space<vmem>>, vector<16xf32>,
      %parallel_loop3A_751 = arith.constant 2048 : i32
      %parallel_loop3A_752 = arith.addi %parallel_loop3A_708, %parallel_loop3A_751 : i32
      %parallel_loop3A_753 = arith.constant 384 : i32
      %parallel_loop3A_754 = arith.addi %parallel_loop3A_752, %parallel_loop3A_753 : i32
      %parallel_loop3A_755 = arith.index_cast %parallel_loop3A_754 : i32 to index
      %parallel_loop3A_756 = tpu.vector_load %arg17[%parallel_loop3A_755] {strides = array<i32>} : memref<8192xf32, #tpu.memory_space<vmem>>, vector<16xf32>,
      tpu.vector_store %arg17[%parallel_loop3A_755], %parallel_loop3A_685 {strides = array<i32>} : memref<8192xf32, #tpu.memory_space<vmem>>, vector<16xf32>,
      %parallel_loop3A_757 = arith.constant 4096 : i32
      %parallel_loop3A_758 = arith.addi %parallel_loop3A_708, %parallel_loop3A_757 : i32
      %parallel_loop3A_759 = arith.constant 0 : i32
      %parallel_loop3A_760 = arith.addi %parallel_loop3A_758, %parallel_loop3A_759 : i32
      %parallel_loop3A_761 = arith.index_cast %parallel_loop3A_760 : i32 to index
      %parallel_loop3A_762 = tpu.vector_load %arg17[%parallel_loop3A_761] {strides = array<i32>} : memref<8192xf32, #tpu.memory_space<vmem>>, vector<16xf32>,
      tpu.vector_store %arg17[%parallel_loop3A_761], %parallel_loop3A_662 {strides = array<i32>} : memref<8192xf32, #tpu.memory_space<vmem>>, vector<16xf32>,
      %parallel_loop3A_763 = arith.constant 4096 : i32
      %parallel_loop3A_764 = arith.addi %parallel_loop3A_708, %parallel_loop3A_763 : i32
      %parallel_loop3A_765 = arith.constant 128 : i32
      %parallel_loop3A_766 = arith.addi %parallel_loop3A_764, %parallel_loop3A_765 : i32
      %parallel_loop3A_767 = arith.index_cast %parallel_loop3A_766 : i32 to index
      %parallel_loop3A_768 = tpu.vector_load %arg17[%parallel_loop3A_767] {strides = array<i32>} : memref<8192xf32, #tpu.memory_space<vmem>>, vector<16xf32>,
      tpu.vector_store %arg17[%parallel_loop3A_767], %parallel_loop3A_663 {strides = array<i32>} : memref<8192xf32, #tpu.memory_space<vmem>>, vector<16xf32>,
      %parallel_loop3A_769 = arith.constant 4096 : i32
      %parallel_loop3A_770 = arith.addi %parallel_loop3A_708, %parallel_loop3A_769 : i32
      %parallel_loop3A_771 = arith.constant 256 : i32
      %parallel_loop3A_772 = arith.addi %parallel_loop3A_770, %parallel_loop3A_771 : i32
      %parallel_loop3A_773 = arith.index_cast %parallel_loop3A_772 : i32 to index
      %parallel_loop3A_774 = tpu.vector_load %arg17[%parallel_loop3A_773] {strides = array<i32>} : memref<8192xf32, #tpu.memory_space<vmem>>, vector<16xf32>,
      tpu.vector_store %arg17[%parallel_loop3A_773], %parallel_loop3A_669 {strides = array<i32>} : memref<8192xf32, #tpu.memory_space<vmem>>, vector<16xf32>,
      %parallel_loop3A_775 = arith.constant 4096 : i32
      %parallel_loop3A_776 = arith.addi %parallel_loop3A_708, %parallel_loop3A_775 : i32
      %parallel_loop3A_777 = arith.constant 384 : i32
      %parallel_loop3A_778 = arith.addi %parallel_loop3A_776, %parallel_loop3A_777 : i32
      %parallel_loop3A_779 = arith.index_cast %parallel_loop3A_778 : i32 to index
      %parallel_loop3A_780 = tpu.vector_load %arg17[%parallel_loop3A_779] {strides = array<i32>} : memref<8192xf32, #tpu.memory_space<vmem>>, vector<16xf32>,
      tpu.vector_store %arg17[%parallel_loop3A_779], %parallel_loop3A_693 {strides = array<i32>} : memref<8192xf32, #tpu.memory_space<vmem>>, vector<16xf32>,
      %parallel_loop3A_781 = arith.constant 6144 : i32
      %parallel_loop3A_782 = arith.addi %parallel_loop3A_708, %parallel_loop3A_781 : i32
      %parallel_loop3A_783 = arith.constant 0 : i32
      %parallel_loop3A_784 = arith.addi %parallel_loop3A_782, %parallel_loop3A_783 : i32
      %parallel_loop3A_785 = arith.index_cast %parallel_loop3A_784 : i32 to index
      %parallel_loop3A_786 = tpu.vector_load %arg17[%parallel_loop3A_785] {strides = array<i32>} : memref<8192xf32, #tpu.memory_space<vmem>>, vector<16xf32>,
      tpu.vector_store %arg17[%parallel_loop3A_785], %parallel_loop3A_695 {strides = array<i32>} : memref<8192xf32, #tpu.memory_space<vmem>>, vector<16xf32>,
      %parallel_loop3A_787 = arith.constant 6144 : i32
      %parallel_loop3A_788 = arith.addi %parallel_loop3A_708, %parallel_loop3A_787 : i32
      %parallel_loop3A_789 = arith.constant 128 : i32
      %parallel_loop3A_790 = arith.addi %parallel_loop3A_788, %parallel_loop3A_789 : i32
      %parallel_loop3A_791 = arith.index_cast %parallel_loop3A_790 : i32 to index
      %parallel_loop3A_792 = tpu.vector_load %arg17[%parallel_loop3A_791] {strides = array<i32>} : memref<8192xf32, #tpu.memory_space<vmem>>, vector<16xf32>,
      tpu.vector_store %arg17[%parallel_loop3A_791], %parallel_loop3A_695 {strides = array<i32>} : memref<8192xf32, #tpu.memory_space<vmem>>, vector<16xf32>,
      %parallel_loop3A_793 = arith.constant 6144 : i32
      %parallel_loop3A_794 = arith.addi %parallel_loop3A_708, %parallel_loop3A_793 : i32
      %parallel_loop3A_795 = arith.constant 256 : i32
      %parallel_loop3A_796 = arith.addi %parallel_loop3A_794, %parallel_loop3A_795 : i32
      %parallel_loop3A_797 = arith.index_cast %parallel_loop3A_796 : i32 to index
      %parallel_loop3A_798 = tpu.vector_load %arg17[%parallel_loop3A_797] {strides = array<i32>} : memref<8192xf32, #tpu.memory_space<vmem>>, vector<16xf32>,
      tpu.vector_store %arg17[%parallel_loop3A_797], %parallel_loop3A_695 {strides = array<i32>} : memref<8192xf32, #tpu.memory_space<vmem>>, vector<16xf32>,
      %parallel_loop3A_799 = arith.constant 6144 : i32
      %parallel_loop3A_800 = arith.addi %parallel_loop3A_708, %parallel_loop3A_799 : i32
      %parallel_loop3A_801 = arith.constant 384 : i32
      %parallel_loop3A_802 = arith.addi %parallel_loop3A_800, %parallel_loop3A_801 : i32
      %parallel_loop3A_803 = arith.index_cast %parallel_loop3A_802 : i32 to index
      %parallel_loop3A_804 = tpu.vector_load %arg17[%parallel_loop3A_803] {strides = array<i32>} : memref<8192xf32, #tpu.memory_space<vmem>>, vector<16xf32>,
      tpu.vector_store %arg17[%parallel_loop3A_803], %parallel_loop3A_698 {strides = array<i32>} : memref<8192xf32, #tpu.memory_space<vmem>>, vector<16xf32>,
    } {sc.loop_unroll_factor = 4 : i64, sc.parallel_access}
    %mul3A_401 = arith.constant 2048 : i32
    %mul3A_402 = arith.muli %add3A, %mul3A_401 : i32
    %add3A_403 = arith.constant 0 : i32
    %add3A_404 = arith.addi %add3A_403, %mul3A_402 : i32
    %dma_start3A_405 = arith.constant 0 : i32
    %dma_start3A_406 = tpu.memref_slice %arg17[%dma_start3A_405] : memref<8192xf32, #tpu.memory_space<vmem>> -> memref<2048xf32, #tpu.memory_space<vmem>>
    %dma_start3A_407 = tpu.memref_slice %arg9[%add3A_404] : memref<262144xf32, #tpu.memory_space<hbm>> -> memref<2048xf32, #tpu.memory_space<hbm>>
    %dma_start3A_408 = tpu.memref_slice %arg9[%add3A_404] : memref<262144xf32, #tpu.memory_space<hbm>> -> memref<2048xf32, #tpu.memory_space<hbm>>
    %dma_start3A_409 = arith.constant 0 : i32
    %dma_start3A_410 = tpu.memref_slice %arg17[%dma_start3A_409] : memref<8192xf32, #tpu.memory_space<vmem>> -> memref<2048xf32, #tpu.memory_space<vmem>>
    tpu.enqueue_dma source(%dma_start3A_410 : memref<2048xf32, #tpu.memory_space<vmem>>) target(%dma_start3A_408 : memref<2048xf32, #tpu.memory_space<hbm>>) target_semaphore(%arg18 : memref<!tpu.dma_semaphore, #tpu.memory_space<semaphore_mem>>)
    %mul3A_411 = arith.constant 2048 : i32
    %mul3A_412 = arith.muli %add3A, %mul3A_411 : i32
    %add3A_413 = arith.constant 65536 : i32
    %add3A_414 = arith.addi %add3A_413, %mul3A_412 : i32
    %dma_start3A_415 = arith.constant 2048 : i32
    %dma_start3A_416 = tpu.memref_slice %arg17[%dma_start3A_415] : memref<8192xf32, #tpu.memory_space<vmem>> -> memref<2048xf32, #tpu.memory_space<vmem>>
    %dma_start3A_417 = tpu.memref_slice %arg9[%add3A_414] : memref<262144xf32, #tpu.memory_space<hbm>> -> memref<2048xf32, #tpu.memory_space<hbm>>
    %dma_start3A_418 = tpu.memref_slice %arg9[%add3A_414] : memref<262144xf32, #tpu.memory_space<hbm>> -> memref<2048xf32, #tpu.memory_space<hbm>>
    %dma_start3A_419 = arith.constant 2048 : i32
    %dma_start3A_420 = tpu.memref_slice %arg17[%dma_start3A_419] : memref<8192xf32, #tpu.memory_space<vmem>> -> memref<2048xf32, #tpu.memory_space<vmem>>
    tpu.enqueue_dma source(%dma_start3A_420 : memref<2048xf32, #tpu.memory_space<vmem>>) target(%dma_start3A_418 : memref<2048xf32, #tpu.memory_space<hbm>>) target_semaphore(%arg18 : memref<!tpu.dma_semaphore, #tpu.memory_space<semaphore_mem>>)
    %mul3A_421 = arith.constant 2048 : i32
    %mul3A_422 = arith.muli %add3A, %mul3A_421 : i32
    %add3A_423 = arith.constant 131072 : i32
    %add3A_424 = arith.addi %add3A_423, %mul3A_422 : i32
    %dma_start3A_425 = arith.constant 4096 : i32
    %dma_start3A_426 = tpu.memref_slice %arg17[%dma_start3A_425] : memref<8192xf32, #tpu.memory_space<vmem>> -> memref<2048xf32, #tpu.memory_space<vmem>>
    %dma_start3A_427 = tpu.memref_slice %arg9[%add3A_424] : memref<262144xf32, #tpu.memory_space<hbm>> -> memref<2048xf32, #tpu.memory_space<hbm>>
    %dma_start3A_428 = tpu.memref_slice %arg9[%add3A_424] : memref<262144xf32, #tpu.memory_space<hbm>> -> memref<2048xf32, #tpu.memory_space<hbm>>
    %dma_start3A_429 = arith.constant 4096 : i32
    %dma_start3A_430 = tpu.memref_slice %arg17[%dma_start3A_429] : memref<8192xf32, #tpu.memory_space<vmem>> -> memref<2048xf32, #tpu.memory_space<vmem>>
    tpu.enqueue_dma source(%dma_start3A_430 : memref<2048xf32, #tpu.memory_space<vmem>>) target(%dma_start3A_428 : memref<2048xf32, #tpu.memory_space<hbm>>) target_semaphore(%arg18 : memref<!tpu.dma_semaphore, #tpu.memory_space<semaphore_mem>>)
    %mul3A_431 = arith.constant 2048 : i32
    %mul3A_432 = arith.muli %add3A, %mul3A_431 : i32
    %add3A_433 = arith.constant 196608 : i32
    %add3A_434 = arith.addi %add3A_433, %mul3A_432 : i32
    %dma_start3A_435 = arith.constant 6144 : i32
    %dma_start3A_436 = tpu.memref_slice %arg17[%dma_start3A_435] : memref<8192xf32, #tpu.memory_space<vmem>> -> memref<2048xf32, #tpu.memory_space<vmem>>
    %dma_start3A_437 = tpu.memref_slice %arg9[%add3A_434] : memref<262144xf32, #tpu.memory_space<hbm>> -> memref<2048xf32, #tpu.memory_space<hbm>>
    %dma_start3A_438 = tpu.memref_slice %arg9[%add3A_434] : memref<262144xf32, #tpu.memory_space<hbm>> -> memref<2048xf32, #tpu.memory_space<hbm>>
    %dma_start3A_439 = arith.constant 6144 : i32
    %dma_start3A_440 = tpu.memref_slice %arg17[%dma_start3A_439] : memref<8192xf32, #tpu.memory_space<vmem>> -> memref<2048xf32, #tpu.memory_space<vmem>>
    tpu.enqueue_dma source(%dma_start3A_440 : memref<2048xf32, #tpu.memory_space<vmem>>) target(%dma_start3A_438 : memref<2048xf32, #tpu.memory_space<hbm>>) target_semaphore(%arg18 : memref<!tpu.dma_semaphore, #tpu.memory_space<semaphore_mem>>)
    %dma_wait3A_441 = arith.constant 0 : i32
    %dma_wait3A_442 = tpu.memref_slice %arg17[%dma_wait3A_441] : memref<8192xf32, #tpu.memory_space<vmem>> -> memref<2048xf32, #tpu.memory_space<vmem>>
    %dma_wait3A_443 = tpu.memref_slice %arg9[%add3A_404] : memref<262144xf32, #tpu.memory_space<hbm>> -> memref<2048xf32, #tpu.memory_space<hbm>>
    %dma_wait3A_444 = tpu.memref_slice %arg9[%add3A_404] : memref<262144xf32, #tpu.memory_space<hbm>> -> memref<2048xf32, #tpu.memory_space<hbm>>
    %dma_wait3A_445 = arith.constant 0 : i32
    %dma_wait3A_446 = tpu.memref_slice %arg17[%dma_wait3A_445] : memref<8192xf32, #tpu.memory_space<vmem>> -> memref<2048xf32, #tpu.memory_space<vmem>>
    tpu.wait_dma2 semaphore(%arg18 : memref<!tpu.dma_semaphore, #tpu.memory_space<semaphore_mem>>) src(%dma_wait3A_446 : memref<2048xf32, #tpu.memory_space<vmem>>) dst(%dma_wait3A_444 : memref<2048xf32, #tpu.memory_space<hbm>>)
    %dma_wait3A_447 = arith.constant 2048 : i32
    %dma_wait3A_448 = tpu.memref_slice %arg17[%dma_wait3A_447] : memref<8192xf32, #tpu.memory_space<vmem>> -> memref<2048xf32, #tpu.memory_space<vmem>>
    %dma_wait3A_449 = tpu.memref_slice %arg9[%add3A_414] : memref<262144xf32, #tpu.memory_space<hbm>> -> memref<2048xf32, #tpu.memory_space<hbm>>
    %dma_wait3A_450 = tpu.memref_slice %arg9[%add3A_414] : memref<262144xf32, #tpu.memory_space<hbm>> -> memref<2048xf32, #tpu.memory_space<hbm>>
    %dma_wait3A_451 = arith.constant 2048 : i32
    %dma_wait3A_452 = tpu.memref_slice %arg17[%dma_wait3A_451] : memref<8192xf32, #tpu.memory_space<vmem>> -> memref<2048xf32, #tpu.memory_space<vmem>>
    tpu.wait_dma2 semaphore(%arg18 : memref<!tpu.dma_semaphore, #tpu.memory_space<semaphore_mem>>) src(%dma_wait3A_452 : memref<2048xf32, #tpu.memory_space<vmem>>) dst(%dma_wait3A_450 : memref<2048xf32, #tpu.memory_space<hbm>>)
    %dma_wait3A_453 = arith.constant 4096 : i32
    %dma_wait3A_454 = tpu.memref_slice %arg17[%dma_wait3A_453] : memref<8192xf32, #tpu.memory_space<vmem>> -> memref<2048xf32, #tpu.memory_space<vmem>>
    %dma_wait3A_455 = tpu.memref_slice %arg9[%add3A_424] : memref<262144xf32, #tpu.memory_space<hbm>> -> memref<2048xf32, #tpu.memory_space<hbm>>
    %dma_wait3A_456 = tpu.memref_slice %arg9[%add3A_424] : memref<262144xf32, #tpu.memory_space<hbm>> -> memref<2048xf32, #tpu.memory_space<hbm>>
    %dma_wait3A_457 = arith.constant 4096 : i32
    %dma_wait3A_458 = tpu.memref_slice %arg17[%dma_wait3A_457] : memref<8192xf32, #tpu.memory_space<vmem>> -> memref<2048xf32, #tpu.memory_space<vmem>>
    tpu.wait_dma2 semaphore(%arg18 : memref<!tpu.dma_semaphore, #tpu.memory_space<semaphore_mem>>) src(%dma_wait3A_458 : memref<2048xf32, #tpu.memory_space<vmem>>) dst(%dma_wait3A_456 : memref<2048xf32, #tpu.memory_space<hbm>>)
    %dma_wait3A_459 = arith.constant 6144 : i32
    %dma_wait3A_460 = tpu.memref_slice %arg17[%dma_wait3A_459] : memref<8192xf32, #tpu.memory_space<vmem>> -> memref<2048xf32, #tpu.memory_space<vmem>>
    %dma_wait3A_461 = tpu.memref_slice %arg9[%add3A_434] : memref<262144xf32, #tpu.memory_space<hbm>> -> memref<2048xf32, #tpu.memory_space<hbm>>
    %dma_wait3A_462 = tpu.memref_slice %arg9[%add3A_434] : memref<262144xf32, #tpu.memory_space<hbm>> -> memref<2048xf32, #tpu.memory_space<hbm>>
    %dma_wait3A_463 = arith.constant 6144 : i32
    %dma_wait3A_464 = tpu.memref_slice %arg17[%dma_wait3A_463] : memref<8192xf32, #tpu.memory_space<vmem>> -> memref<2048xf32, #tpu.memory_space<vmem>>
    tpu.wait_dma2 semaphore(%arg18 : memref<!tpu.dma_semaphore, #tpu.memory_space<semaphore_mem>>) src(%dma_wait3A_464 : memref<2048xf32, #tpu.memory_space<vmem>>) dst(%dma_wait3A_462 : memref<2048xf32, #tpu.memory_space<hbm>>)
    return
  }
}

</mosaic_0001>

<sc_bundles>
// kernel: kernel.3.cloned.1.call-start
scs
__scs_entry_jumppad:
0x0: {  	(pc) =	sbr.rel $0x88, $3  }
0x1: {  	(tag) =	ssettag $0x0;
	lr =	simm.s32 $0x1  }
0x2: {  	[smem:$0x3F9E] =	sst lr;
	_ =	strace $0xD0000000  }
0x3: {  	_ = 	snop  }
0x4: {  	_ = 	snop  }
0x5: {  	_ = 	snop  }
0x6: {  	_ = 	snop  }
0x7: {  	_ = 	snop  }
__scs_overlays_trampoline_lowered:
0x8: {  	[smem:$0x3FAD] =	sst s0  }
0x9: {  	[smem:$0x3FAE] =	sst s1  }
0xa: {  	[smem:$0x3FAF] =	sst s2  }
0xb: {  	[smem:$0x3FB0] =	sst s3  }
0xc: {  	[smem:$0x3FB1] =	sst s4  }
0xd: {  	[smem:$0x3FB2] =	sst s5  }
0xe: {  	[smem:$0x3FB3] =	sst s6  }
0xf: {  	[smem:$0x3FB4] =	sst s7  }
0x10: {  	[smem:$0x3FB5] =	sst s8  }
0x11: {  	[smem:$0x3FB6] =	sst s9;
	s0 =	simm.s32 @!p0 $0x0  }
0x12: {  	s1 =	sld [smem:$0x3F9C];
	s0 =	simm.s32 @p0 $0x1  }
0x13: {  	[smem:$0x3FB7] =	sst s0;
	s0 =	simm.s32 @!p1 $0x0  }
0x14: {  	s2 =	sld [smem:$0x3F9B];
	s0 =	simm.s32 @p1 $0x1  }
0x15: {  	[smem:$0x3FB8] =	sst s0;
	s0 =	simm.s32 @!p2 $0x0  }
0x16: {  	s3 =	sld [smem:$0x3FDB];
	s0 =	simm.s32 @p2 $0x1  }
0x17: {  	s4 =	simm.s32 $0x1BF5;
	[smem:$0x3FBA] =	sst s0  }
0x18: {  	s0 =	sld [smem:$0x3F9D];
	_ =	swait.ge [sflag:s4], $0x0  }
0x19: {  	s7 =	sld [smem:$0x3F9E]  }
0x1a: {  	s8 =	sadd.s32 $0xFFFFE003, lr  }
0x1b: {  	s9 =	sadd.s32 $0xFFFFFEF7, lr;
	s5 =	simm.s32 $0xFFFFFFFF;
	p2 =	slt.u32 s8, $0xFFFFF086  }
0x1c: {  	p1 =	slt.u32 s9, $0xF7A;
	s5 =	simm.s32 @!p2 $0x0  }
0x1d: {  	s5 =	simm.s32 @p1 $0x1;
	p0 =	seq.s32 s7, s2  }
0x1e: {  	s7 =	smul.u32 @!p0 $0xF7A, s2;
	p2 =	seq.s32 @!p0 s5, $0x0  }
0x1f: {  	s9 =	smul.u32 $0xF7A, s1;
	s8 =	simm.s32 @!p0 $0x1BF5;
	p2 =	por !p2, p0  }
0x20: {  	[sflag:s8] =	ssyncset.s32 @!p0 $0xFFFFF086;
	s6 =	sadd.s32 @!p0 s3, s7;
	s7 =	simm.s32 @!p0 $0x108  }
0x21: {  	s3 =	sadd.s32 s3, s9;
	s6 =	sadd.s32 @!p0 $0x88, s6;
	s7 =	simm.s32 @p2 $0x1082  }
0x22: {  	[simem:s7], [sflag:s8] =	dma.local @!p0 [hbm:s6], $0xF7A  }
0x23: {  	s9 =	sor.u32 $0xD0000000, s2;
	s6 =	simm.s32 $0x108;
	_ =	swait.ge @!p0 [sflag:s8], $0x0  }
0x24: {  	s3 =	sadd.s32 $0x88, s3;
	s6 =	simm.s32 @!p1 $0x1082;
	[sflag:s4] =	ssyncset.s32 $0xFFFFF086  }
0x25: {  	[simem:s6], [sflag:s4] =	dma.local [hbm:s3], $0xF7A  }
0x26: {  	[smem:$0x3F9E] =	sst s1;
	(tag) =	ssettag s2;
	_ =	strace s9  }
0x27: {  	s1 =	sld [smem:$0x3FAE]  }
0x28: {  	s2 =	sld [smem:$0x3FAF]  }
0x29: {  	s4 =	sld [smem:$0x3FB1]  }
0x2a: {  	p0 =	seq.s32 s5, $0x0;
	s5 =	sld [smem:$0x3FB2]  }
0x2b: {  	s6 =	sld [smem:$0x3FB3]  }
0x2c: {  	s7 =	sld [smem:$0x3FB4]  }
0x2d: {  	s3 =	simm.s32 $0x108;
	s8 =	sld [smem:$0x3FB5]  }
0x2e: {  	s3 =	simm.s32 @!p0 $0x1082;
	s9 =	sld [smem:$0x3FB6]  }
0x2f: {  	lr =	sadd.s32 s0, s3;
	s0 =	sld [smem:$0x3FAD]  }
0x30: {  	s3 =	sld [smem:$0x3FB0]  }
0x31: {  	[smem:$0x3FB9] =	sst s10  }
0x32: {  	s10 =	sld [smem:$0x3FB7];
	_ =	sdelay $0x3  }
0x33: {  	p0 =	seq.s32 s10, $0x1;
	s10 =	sld [smem:$0x3FB9];
	_ =	sdelay $0x3  }
0x34: {  	[smem:$0x3FB9] =	sst s10  }
0x35: {  	s10 =	sld [smem:$0x3FB8];
	_ =	sdelay $0x3  }
0x36: {  	p1 =	seq.s32 s10, $0x1;
	s10 =	sld [smem:$0x3FB9];
	_ =	sdelay $0x3  }
0x37: {  	[smem:$0x3FB9] =	sst s10  }
0x38: {  	s10 =	sld [smem:$0x3FBA]  }
0x39: {  	_ = 	snop;
	(pc) =	sbr.ind lr, $3  }
0x3a: {  	_ = 	snop  }
0x3b: {  	_ = 	snop  }
0x3c: {  	p2 =	seq.s32 s10, $0x1;
	s10 =	sld [smem:$0x3FB9]  }
0x3d: {  	_ =	shalt  }
0x3e: {  	_ =	shalt  }
0x3f: {  	_ =	shalt  }
0x40: {  	_ =	shalt  }
0x41: {  	_ =	shalt  }
0x42: {  	_ =	shalt  }
0x43: {  	_ =	shalt  }
0x44: {  	_ =	shalt  }
0x45: {  	_ =	shalt  }
0x46: {  	_ =	shalt  }
0x47: {  	_ =	shalt  }
0x48: {  	_ =	shalt  }
0x49: {  	_ =	shalt  }
0x4a: {  	_ =	shalt  }
0x4b: {  	_ =	shalt  }
0x4c: {  	_ =	shalt  }
0x4d: {  	_ =	shalt  }
0x4e: {  	_ =	shalt  }
0x4f: {  	_ =	shalt  }
0x50: {  	_ =	shalt  }
0x51: {  	_ =	shalt  }
0x52: {  	_ =	shalt  }
0x53: {  	_ =	shalt  }
0x54: {  	_ =	shalt  }
0x55: {  	_ =	shalt  }
0x56: {  	_ =	shalt  }
0x57: {  	_ =	shalt  }
0x58: {  	_ =	shalt  }
0x59: {  	_ =	shalt  }
0x5a: {  	_ =	shalt  }
0x5b: {  	_ =	shalt  }
0x5c: {  	_ =	shalt  }
0x5d: {  	_ =	shalt  }
0x5e: {  	_ =	shalt  }
0x5f: {  	_ =	shalt  }
0x60: {  	_ =	shalt  }
0x61: {  	_ =	shalt  }
0x62: {  	_ =	shalt  }
0x63: {  	_ =	shalt  }
0x64: {  	_ =	shalt  }
0x65: {  	_ =	shalt  }
0x66: {  	_ =	shalt  }
0x67: {  	_ =	shalt  }
0x68: {  	_ =	shalt  }
0x69: {  	_ =	shalt  }
0x6a: {  	_ =	shalt  }
0x6b: {  	_ =	shalt  }
0x6c: {  	_ =	shalt  }
0x6d: {  	_ =	shalt  }
0x6e: {  	_ =	shalt  }
0x6f: {  	_ =	shalt  }
0x70: {  	_ =	shalt  }
0x71: {  	_ =	shalt  }
0x72: {  	_ =	shalt  }
0x73: {  	_ =	shalt  }
0x74: {  	_ =	shalt  }
0x75: {  	_ =	shalt  }
0x76: {  	_ =	shalt  }
0x77: {  	_ =	shalt  }
0x78: {  	_ =	shalt  }
0x79: {  	_ =	shalt  }
0x7a: {  	_ =	shalt  }
0x7b: {  	_ =	shalt  }
0x7c: {  	_ =	shalt  }
0x7d: {  	_ =	shalt  }
0x7e: {  	_ =	shalt  }
0x7f: {  	_ =	shalt  }
0x80: {  	_ =	shalt  }
0x81: {  	_ =	shalt  }
0x82: {  	_ =	shalt  }
0x83: {  	_ =	shalt  }
0x84: {  	_ =	shalt  }
0x85: {  	_ =	shalt  }
0x86: {  	_ =	shalt  }
0x87: {  	_ =	shalt  }
.Lfunc_end0:
.L_simem_size_0:
called_computation_lowered:
.L_overlay_start_0:
0x88: {  	s2 =	sld [smem:$0x3FD9]  }
0x89: {  	s3 =	sld [smem:$0x3FFE];
	_ =	sdelay $0x1  }
0x8a: {  	s1 =	srdreg.scid  }
0x8b: {  	s0 =	sand.u32 $0x1, s1  }
0x8c: {  	s17 =	sshll.u32 s0, $0xA;
	s2 =	sadd.s32 s3, s2  }
0x8d: {  	s2 =	sadd.s32 s2, s17  }
0x8e: {  	[smem:$0x3FC5] =	sst s2  }
0x8f: {  	_ = 	snop  }
0x90: {  	s2 =	sld [smem:$0x3FC9]  }
0x91: {  	s18 =	sld [smem:$0x3FD0];
	(tm) =	ssettm $0x1  }
0x92: {  	s4 =	sld [smem:$0x3FFB];
	_ =	sdelay $0x3  }
0x93: {  	_ =	strace s4  }
0x94: {  	s4 =	sld [smem:$0x3FFC];
	_ =	sdelay $0x3  }
0x95: {  	_ =	strace s4  }
0x96: {  	s4 =	sld [smem:$0x3FFD];
	_ =	sdelay $0x3  }
0x97: {  	_ =	strace s4  }
0x98: {  	_ =	strace $0x8FFFFFFF  }
0x99: {  	s19 =	sld [smem:$0x3FDB];
	_ =	sdelay $0x1  }
0x9a: {  	s5 =	simm.s32 $_scs_section_size  }
0x9b: {  	s6 =	simm.s32 $_size__tile_overlayer_lowered;
	s7 =	simm.s32 $_tile_overlayer_lowered  }
0x9c: {  	s22 =	simm.s32 $0x1BFF;
	s21 =	sshll.u32 s7, $0x1;
	s4 =	sadd.s32 s5, s19  }
0x9d: {  	s8 =	simm.s32 $0x0;
	s20 =	sshll.u32 s6, $0x1;
	s6 =	sadd.s32 s21, s4  }
0x9e: {  	[timem:s8], [sflag:s22] =	dma.local [hbm:s6], s20  }
0x9f: {  	_ =	swait.ge [sflag:s22], s20  }
0xa0: {  	s5 =	ssub.s32 $0x0, s20;
	[sflag:s22] =	ssyncset.done $0x0  }
0xa1: {  	[sflag:s22] =	ssyncadd.s32 s5;
	_ =	sdelay $0x1  }
0xa2: {  	s23 =	simm.s32 $0x1B8B  }
0xa3: {  	_ =	swait.ge [sflag:s23], $0x1  }
0xa4: {  	[sflag:s23] =	ssyncset.done $0x0  }
0xa5: {  	s25 =	simm.s32 $0x1B8E;
	s24 =	sld [smem:$0x3FFE];
	[sflag:s23] =	ssyncadd.s32 $0xFFFFFFFF  }
0xa6: {  	s26 =	simm.s32 $execute0_lowered;
	[smem:$0x3FD2] =	sst s25  }
0xa7: {  	s6 =	sshll.u32 s26, $0x1;
	_ =	strace $0x80000046;
	[dreg:$0x1] =	wrdreg $0xFFFFFFFF  }
0xa8: {  	s28 =	simm.s32 $_size_execute0_lowered;
	s4 =	sadd.s32 s4, s6;
	[dreg:$0x0] =	wrdreg $0x0  }
0xa9: {  	s6 =	sshll.u32 s28, $0x1;
	[dreg:$0x2] =	wrdreg s4  }
0xaa: {  	[dreg:$0x3] =	wrdreg s6  }
0xab: {  	[dreg:$0x4] =	wrdreg $0xC0  }
0xac: {  	_ =	task [dreg:s8], $0x5FFFF  }
0xad: {  	[dreg:$0x1] =	wrdreg $0xFFFFFFFF  }
0xae: {  	[dreg:$0x0] =	wrdreg $0x60  }
0xaf: {  	[dreg:$0x2] =	wrdreg s2  }
0xb0: {  	[dreg:$0x3] =	wrdreg s24  }
0xb1: {  	[dreg:$0x4] =	wrdreg s18  }
0xb2: {  	[dreg:$0x5] =	wrdreg $0x9  }
0xb3: {  	_ =	task.clear_ibuf [dreg:s8], $0x6FFFF;
	_ =	strace $0x90000046  }
0xb4: {  	s29 =	simm.s32 $0x9;
	_ =	strace $0x80000048  }
0xb5: {  	_ =	swait.ge [sflag:s29], $0x1  }
0xb6: {  	[sflag:s29] =	ssyncadd.s32 $0xFFFFFFFF  }
0xb7: {  	_ =	strace $0x90000048  }
0xb8: {  	_ =	sfence  }
0xb9: {  	s30 =	sld [smem:$0x0];
	_ =	sdelay $0x2  }
0xba: {  	s31 =	sshll.u32 s1, $0xD;
	s1 =	sshrl.u32 s1, $0x2  }
0xbb: {  	s3 =	sand.u32 $0x4000, s31;
	s1 =	sadd.s32 s1, s30  }
0xbc: {  	s0 =	sor.u32 s3, s0;
	s1 =	sshll.u32 s1, $0x11  }
0xbd: {  	s0 =	sor.u32 s1, s0  }
0xbe: {  	s0 =	sadd.s32 $0x8F2B, s0  }
0xbf: {  	[sflag:s0] =	ssyncadd.remote.s32 $0x1  }
0xc0: {  	_ =	sfence.sel $0xFFFF  }
0xc1: {  	[dreg:$0x0] =	wrdreg $0xFFFFFFFF;
	(pc) =	sbr.abs _section_cstart, $3  }
0xc2: {  	[dreg:$0x1] =	wrdreg $0xFFFFFFFF  }
0xc3: {  	_ =	task.clear_ibuf [dreg:s8], $0x2FFFF;
	_ =	strace $0x9FFFFFFF  }
0xc4: {  	(tm) =	ssettm $0x7FFFFFFF  }
0xc5: {  	_ =	shalt  }
tec
execute0_lowered:
.L_overlay_start_1:
0x0: {  	(tag) =	ssettag $0x1  }
0x1: {  	s0 =	rddreg [dreg:$0x0]  }
0x2: {  	s6 =	rddreg [dreg:$0x1]  }
0x3: {  	s1 =	rddreg [dreg:$0x2]  }
0x4: {  	s3 =	simm.s32 $0x0;
	s2 =	srdreg.scid;
	s4 =	stileid.u32  }
0x5: {  	[smem:$0x7FF] =	sst s3;
	s5 =	sadd.s32 $0x9600, s6;
	s2 =	sand.u32 $0x1, s2  }
0x6: {  	s19 =	sadd.s32 $0xC800, s6;
	_ =	strace $0x80000047;
	[dreg:$0x4] =	wrdreg s5  }
0x7: {  	s4 =	sshll.u32 s4, $0x1;
	s20 =	sadd.s32 $0xFA00, s6;
	[dreg:$0x5] =	wrdreg s19  }
0x8: {  	s21 =	sadd.s32 $0x6400, s6;
	[dreg:$0x6] =	wrdreg s20;
	s4 =	sor.u32 s2, s4  }
0x9: {  	s6 =	sadd.s32 $0x3200, s6;
	[dreg:$0x7] =	wrdreg s21;
	s22 =	sshll.u32 s4, $0x6  }
0xa: {  	[dreg:$0x8] =	wrdreg s6;
	s26 =	sshll.u32 s4, $0x8;
	s5 =	sadd.s32 s0, s22  }
0xb: {  	s1 =	sadd.s32 s1, s26;
	[dreg:$0x9] =	wrdreg s5  }
0xc: {  	s25 =	sadd.s32 $0x10, s5;
	[dreg:$0xd] =	wrdreg s1  }
0xd: {  	s2 =	ssub.s32 $0x2, s2;
	s28 =	sadd.s32 $0x20, s5;
	[dreg:$0xa] =	wrdreg s25  }
0xe: {  	s23 =	sshrl.u32 s2, $0x1;
	s30 =	sadd.s32 $0x30, s5;
	[dreg:$0xb] =	wrdreg s28  }
0xf: {  	s24 =	ssub.s32 s2, s23;
	s2 =	sadd.s32 $0x2000, s1;
	[dreg:$0xc] =	wrdreg s30  }
0x10: {  	s31 =	sadd.s32 $0x4000, s1;
	[dreg:$0xe] =	wrdreg s2  }
0x11: {  	s29 =	simm.s32 $0x0;
	s1 =	sadd.s32 $0x6000, s1;
	[dreg:$0xf] =	wrdreg s31  }
0x12: {  	s19 =	simm.s32 $0x80;
	s0 =	smax.u32 s24, $0x1;
	[dreg:$0x10] =	wrdreg s1  }
0x13: {  	v0 =	vimm.f32 $1.000000000e+00;
	v1 =	vimm.f32 $0.0e+00;
	s21 =	simm.s32 $0x1;
	s22 =	simm.s32 $0x2;
	[dreg:$0x11] =	wrdreg s0  }
.LBB2_1:
0x14: {  	s0 =	rddreg [dreg:$0x9];
	s8 =	simm.s32 $0x3  }
0x15: {  	[tilespmem:s3], [sflag:$0x3] =	stream.linear.gather [hbm4b:s0+s3], $0x80, $0x38;
	[tilespmem:$0x2E00] =	vst v63  }
0x16: {  	_ =	swait.ge [sflag:s8], $0x80  }
0x17: {  	[sflag:s8] =	ssyncset.done $0x0  }
0x18: {  	s14 =	simm.s32 $0x200;
	s1 =	rddreg [dreg:$0x4];
	[sflag:s8] =	ssyncadd.s32 $0xFFFFFF80  }
0x19: {  	[tilespmem:s14], [sflag:$0x1] =	stream.indirect.gather [hbm4b:s1+s19], $0x1, s3, s19, $0xb8;
	[tilespmem:$0x2E00] =	vst v63  }
0x1a: {  	s15 =	simm.s32 $0x400;
	s2 =	rddreg [dreg:$0x5]  }
0x1b: {  	[tilespmem:s15], [sflag:$0x1] =	stream.indirect.gather [hbm4b:s2+s19], $0x1, s3, s19, $0xb8;
	[tilespmem:$0x2E00] =	vst v63  }
0x1c: {  	s16 =	simm.s32 $0x600;
	s4 =	rddreg [dreg:$0x6]  }
0x1d: {  	[tilespmem:s16], [sflag:$0x1] =	stream.indirect.gather [hbm4b:s4+s19], $0x1, s3, s19, $0xb8;
	[tilespmem:$0x2E00] =	vst v63  }
0x1e: {  	s17 =	simm.s32 $0x800;
	s5 =	rddreg [dreg:$0x7]  }
0x1f: {  	[tilespmem:s17], [sflag:$0x1] =	stream.indirect.gather [hbm4b:s5+s19], $0x1, s3, s19, $0xb8;
	[tilespmem:$0x2E00] =	vst v63  }
0x20: {  	s18 =	simm.s32 $0xA00;
	s6 =	rddreg [dreg:$0x8]  }
0x21: {  	[tilespmem:s18], [sflag:$0x1] =	stream.indirect.gather [hbm4b:s6+s19], $0x1, s3, s19, $0xb8;
	[tilespmem:$0x2E00] =	vst v63  }
0x22: {  	s7 =	simm.s32 $0xC00;
	s0 =	rddreg [dreg:$0x1]  }
0x23: {  	[tilespmem:s7], [sflag:$0x1] =	stream.indirect.gather [hbm4b:s0+s19], $0x1, s3, s19, $0xb8;
	[tilespmem:$0x2E00] =	vst v63  }
0x24: {  	s20 =	rddreg [dreg:$0xa]  }
0x25: {  	[tilespmem:s19], [sflag:$0x3] =	stream.linear.gather [hbm4b:s20+s3], $0x80, $0x38;
	[tilespmem:$0x2E00] =	vst v63  }
0x26: {  	_ =	swait.ge [sflag:s8], $0x80  }
0x27: {  	[sflag:s8] =	ssyncset.done $0x0  }
0x28: {  	s23 =	simm.s32 $0x280;
	[sflag:s8] =	ssyncadd.s32 $0xFFFFFF80  }
0x29: {  	[tilespmem:s23], [sflag:$0x1] =	stream.indirect.gather [hbm4b:s1+s19], $0x1, s19, s19, $0xb8;
	[tilespmem:$0x2E00] =	vst v63  }
0x2a: {  	s24 =	simm.s32 $0x480  }
0x2b: {  	[tilespmem:s24], [sflag:$0x1] =	stream.indirect.gather [hbm4b:s2+s19], $0x1, s19, s19, $0xb8;
	[tilespmem:$0x2E00] =	vst v63  }
0x2c: {  	s25 =	simm.s32 $0x680  }
0x2d: {  	[tilespmem:s25], [sflag:$0x1] =	stream.indirect.gather [hbm4b:s4+s19], $0x1, s19, s19, $0xb8;
	[tilespmem:$0x2E00] =	vst v63  }
0x2e: {  	s26 =	simm.s32 $0x880  }
0x2f: {  	[tilespmem:s26], [sflag:$0x1] =	stream.indirect.gather [hbm4b:s5+s19], $0x1, s19, s19, $0xb8;
	[tilespmem:$0x2E00] =	vst v63  }
0x30: {  	s28 =	simm.s32 $0xA80  }
0x31: {  	[tilespmem:s28], [sflag:$0x1] =	stream.indirect.gather [hbm4b:s6+s19], $0x1, s19, s19, $0xb8;
	[tilespmem:$0x2E00] =	vst v63  }
0x32: {  	s9 =	simm.s32 $0xC80  }
0x33: {  	[tilespmem:s9], [sflag:$0x1] =	stream.indirect.gather [hbm4b:s0+s19], $0x1, s19, s19, $0xb8;
	[tilespmem:$0x2E00] =	vst v63  }
0x34: {  	s10 =	rddreg [dreg:$0xb];
	s9 =	simm.s32 $0x100  }
0x35: {  	[tilespmem:s9], [sflag:$0x3] =	stream.linear.gather [hbm4b:s10+s3], $0x80, $0x38;
	[tilespmem:$0x2E00] =	vst v63  }
0x36: {  	_ =	swait.ge [sflag:s8], $0x80  }
0x37: {  	[sflag:s8] =	ssyncset.done $0x0  }
0x38: {  	s11 =	simm.s32 $0x300;
	[sflag:s8] =	ssyncadd.s32 $0xFFFFFF80  }
0x39: {  	[tilespmem:s11], [sflag:$0x2] =	stream.indirect.gather [hbm4b:s1+s19], $0x1, s9, s19, $0xb8;
	[tilespmem:$0x2E00] =	vst v63  }
0x3a: {  	s12 =	simm.s32 $0x500  }
0x3b: {  	[tilespmem:s12], [sflag:$0x2] =	stream.indirect.gather [hbm4b:s2+s19], $0x1, s9, s19, $0xb8;
	[tilespmem:$0x2E00] =	vst v63  }
0x3c: {  	s13 =	simm.s32 $0x700  }
0x3d: {  	[tilespmem:s13], [sflag:$0x2] =	stream.indirect.gather [hbm4b:s4+s19], $0x1, s9, s19, $0xb8;
	[tilespmem:$0x2E00] =	vst v63  }
0x3e: {  	s14 =	simm.s32 $0x900  }
0x3f: {  	[tilespmem:s14], [sflag:$0x2] =	stream.indirect.gather [hbm4b:s5+s19], $0x1, s9, s19, $0xb8;
	[tilespmem:$0x2E00] =	vst v63  }
0x40: {  	s15 =	simm.s32 $0xB00  }
0x41: {  	[tilespmem:s15], [sflag:$0x2] =	stream.indirect.gather [hbm4b:s6+s19], $0x1, s9, s19, $0xb8;
	[tilespmem:$0x2E00] =	vst v63  }
0x42: {  	s16 =	simm.s32 $0xD00  }
0x43: {  	[tilespmem:s16], [sflag:$0x2] =	stream.indirect.gather [hbm4b:s0+s19], $0x1, s9, s19, $0xb8;
	[tilespmem:$0x2E00] =	vst v63  }
0x44: {  	s18 =	simm.s32 $0x180;
	s17 =	rddreg [dreg:$0xc]  }
0x45: {  	[tilespmem:s18], [sflag:$0x3] =	stream.linear.gather [hbm4b:s17+s3], $0x80, $0x38;
	[tilespmem:$0x2E00] =	vst v63  }
0x46: {  	_ =	swait.ge [sflag:s8], $0x80  }
0x47: {  	[sflag:s8] =	ssyncset.done $0x0  }
0x48: {  	s20 =	simm.s32 $0x380;
	[sflag:s8] =	ssyncadd.s32 $0xFFFFFF80  }
0x49: {  	[tilespmem:s20], [sflag:$0x2] =	stream.indirect.gather [hbm4b:s1+s19], $0x1, s18, s19, $0xb8;
	[tilespmem:$0x2E00] =	vst v63  }
0x4a: {  	s23 =	simm.s32 $0x580  }
0x4b: {  	[tilespmem:s23], [sflag:$0x2] =	stream.indirect.gather [hbm4b:s2+s19], $0x1, s18, s19, $0xb8;
	[tilespmem:$0x2E00] =	vst v63  }
0x4c: {  	s24 =	simm.s32 $0x780  }
0x4d: {  	[tilespmem:s24], [sflag:$0x2] =	stream.indirect.gather [hbm4b:s4+s19], $0x1, s18, s19, $0xb8;
	[tilespmem:$0x2E00] =	vst v63  }
0x4e: {  	s25 =	simm.s32 $0x980  }
0x4f: {  	[tilespmem:s25], [sflag:$0x2] =	stream.indirect.gather [hbm4b:s5+s19], $0x1, s18, s19, $0xb8;
	[tilespmem:$0x2E00] =	vst v63  }
0x50: {  	s26 =	simm.s32 $0xB80  }
0x51: {  	[tilespmem:s26], [sflag:$0x2] =	stream.indirect.gather [hbm4b:s6+s19], $0x1, s18, s19, $0xb8;
	[tilespmem:$0x2E00] =	vst v63  }
0x52: {  	s28 =	simm.s32 $0xD80  }
0x53: {  	[tilespmem:s28], [sflag:$0x2] =	stream.indirect.gather [hbm4b:s0+s19], $0x1, s18, s19, $0xb8;
	[tilespmem:$0x2E00] =	vst v63  }
0x54: {  	_ =	swait.ge [sflag:s21], $0x80  }
0x55: {  	[sflag:s21] =	ssyncset.done $0x0  }
0x56: {  	[sflag:s21] =	ssyncadd.s32 $0xFFFFFF80  }
0x57: {  	_ =	swait.ge [sflag:s21], $0x80  }
0x58: {  	[sflag:s21] =	ssyncset.done $0x0  }
0x59: {  	[sflag:s21] =	ssyncadd.s32 $0xFFFFFF80  }
0x5a: {  	_ =	swait.ge [sflag:s21], $0x80  }
0x5b: {  	[sflag:s21] =	ssyncset.done $0x0  }
0x5c: {  	[sflag:s21] =	ssyncadd.s32 $0xFFFFFF80  }
0x5d: {  	_ =	swait.ge [sflag:s21], $0x80  }
0x5e: {  	[sflag:s21] =	ssyncset.done $0x0  }
0x5f: {  	[sflag:s21] =	ssyncadd.s32 $0xFFFFFF80  }
0x60: {  	_ =	swait.ge [sflag:s21], $0x80  }
0x61: {  	[sflag:s21] =	ssyncset.done $0x0  }
0x62: {  	[sflag:s21] =	ssyncadd.s32 $0xFFFFFF80  }
0x63: {  	_ =	swait.ge [sflag:s21], $0x80  }
0x64: {  	[sflag:s21] =	ssyncset.done $0x0  }
0x65: {  	[sflag:s21] =	ssyncadd.s32 $0xFFFFFF80  }
0x66: {  	_ =	swait.ge [sflag:s21], $0x80  }
0x67: {  	[sflag:s21] =	ssyncset.done $0x0  }
0x68: {  	[sflag:s21] =	ssyncadd.s32 $0xFFFFFF80  }
0x69: {  	_ =	swait.ge [sflag:s21], $0x80  }
0x6a: {  	[sflag:s21] =	ssyncset.done $0x0  }
0x6b: {  	[sflag:s21] =	ssyncadd.s32 $0xFFFFFF80  }
0x6c: {  	_ =	swait.ge [sflag:s21], $0x80  }
0x6d: {  	[sflag:s21] =	ssyncset.done $0x0  }
0x6e: {  	[sflag:s21] =	ssyncadd.s32 $0xFFFFFF80  }
0x6f: {  	_ =	swait.ge [sflag:s21], $0x80  }
0x70: {  	[sflag:s21] =	ssyncset.done $0x0  }
0x71: {  	[sflag:s21] =	ssyncadd.s32 $0xFFFFFF80  }
0x72: {  	_ =	swait.ge [sflag:s21], $0x80  }
0x73: {  	[sflag:s21] =	ssyncset.done $0x0  }
0x74: {  	[sflag:s21] =	ssyncadd.s32 $0xFFFFFF80  }
0x75: {  	s30 =	simm.s32 $0xFFFFFFFC;
	p0 =	por $0x0, $0x0;
	_ =	swait.ge [sflag:s21], $0x80  }
0x76: {  	s31 =	simm.s32 $0x30;
	s20 =	simm.s32 $0x0;
	[sflag:s21] =	ssyncset.done $0x0  }
0x77: {  	s23 =	simm.s32 $0x0;
	s0 =	simm.s32 $0x0;
	[sflag:s21] =	ssyncadd.s32 $0xFFFFFF80  }
.LBB2_2:
0x78: {  	s24 =	sshra.s32 s23, $0x2  }
0x79: {  	v6 =	vld [tilespmem:s24+$0x200]  }
0x7a: {  	v4 =	vld [tilespmem:s24+$0x400];
	_ =	sdelay $0x1  }
0x7b: {  	v9 =	vld [tilespmem:s24+$0x600];
	_ =	sdelay $0x2  }
0x7c: {  	v11 =	vmul.f32 v6, v6;
	v5 =	vmul.f32 v4, v4;
	_ =	sdelay $0x1  }
0x7d: {  	v2 =	vmul.f32 v9, v9;
	v3 =	vadd.f32 v5, v11;
	_ =	sdelay $0x1  }
0x7e: {  	v3 =	vadd.f32 v2, v3;
	_ =	sdelay $0x1  }
0x7f: {  	v7 =	vadd.f32 $9.999999680e-21, v3;
	_ =	sdelay $0x1  }
0x80: {  	v8 =	vshra.s32 v7, $0x1;
	v10 =	vmul.f32 $5.000000000e-01, v7  }
0x81: {  	v8 =	vsub.s32 $0x5F3759DF, v8  }
0x82: {  	v12 =	vmul.f32 v8, v10;
	_ =	sdelay $0x1  }
0x83: {  	v12 =	vmul.f32 v8, v12;
	_ =	sdelay $0x1  }
0x84: {  	v12 =	vsub.f32 $1.500000000e+00, v12;
	_ =	sdelay $0x1  }
0x85: {  	v8 =	vmul.f32 v8, v12;
	_ =	sdelay $0x1  }
0x86: {  	v12 =	vmul.f32 v8, v10;
	_ =	sdelay $0x1  }
0x87: {  	v12 =	vmul.f32 v12, v8;
	_ =	sdelay $0x1  }
0x88: {  	v12 =	vsub.f32 $1.500000000e+00, v12;
	_ =	sdelay $0x1  }
0x89: {  	v8 =	vmul.f32 v12, v8;
	_ =	sdelay $0x1  }
0x8a: {  	v21 =	vld [tilespmem:s24+$0x210];
	v10 =	vmul.f32 v8, v10  }
0x8b: {  	v16 =	vld [tilespmem:s24+$0x410]  }
0x8c: {  	v10 =	vmul.f32 v10, v8  }
0x8d: {  	v20 =	vld [tilespmem:s24+$0x610]  }
0x8e: {  	v10 =	vsub.f32 $1.500000000e+00, v10  }
0x8f: {  	v22 =	vmul.f32 v21, v21  }
0x90: {  	v19 =	vmul.f32 v16, v16;
	v23 =	vmul.f32 v10, v8;
	_ =	sdelay $0x1  }
0x91: {  	v17 =	vmul.f32 v20, v20;
	v42 =	vadd.f32 v19, v22;
	v7 =	vmul.f32 v23, v7;
	_ =	sdelay $0x1  }
0x92: {  	v18 =	vadd.f32 v17, v42;
	vm1 =	vlt.f32 v7, $9.999999970e-07  }
0x93: {  	v7 =	vsel vm1, $0x3F800000, v7  }
0x94: {  	v43 =	vadd.f32 $9.999999680e-21, v18;
	v41 =	vmul.f32 $6.366197460e-01, v7;
	_ =	sdelay $0x1  }
0x95: {  	v13 =	vshra.s32 v43, $0x1;
	v14 =	vmul.f32 $5.000000000e-01, v43;
	v8 =	vadd.f32 $5.000000000e-01, v41  }
0x96: {  	v13 =	vsub.s32 $0x5F3759DF, v13  }
0x97: {  	v24 =	vmul.f32 v13, v14;
	v8 =	vtrunc.f32 v8  }
0x98: {  	v8 =	vcvt.f32.s32 v8  }
0x99: {  	v24 =	vmul.f32 v13, v24  }
0x9a: {  	v44 =	vcvt.s32.f32 v8  }
0x9b: {  	v46 =	vsub.f32 $1.500000000e+00, v24  }
0x9c: {  	v15 =	vmul.f32 $1.570312500e+00, v44  }
0x9d: {  	v47 =	vmul.f32 v13, v46  }
0x9e: {  	v45 =	vmul.f32 $4.837512970e-04, v44;
	v7 =	vsub.f32 v7, v15  }
0x9f: {  	v15 =	vmul.f32 v47, v14  }
0xa0: {  	v10 =	vmul.f32 $7.549790120e-08, v44;
	v7 =	vsub.f32 v7, v45  }
0xa1: {  	v15 =	vmul.f32 v15, v47  }
0xa2: {  	v7 =	vsub.f32 v7, v10  }
0xa3: {  	v15 =	vsub.f32 $1.500000000e+00, v15  }
0xa4: {  	v48 =	vmul.f32 v7, v7  }
0xa5: {  	v15 =	vmul.f32 v15, v47  }
0xa6: {  	v49 =	vmul.f32 $2.443315680e-05, v48  }
0xa7: {  	v25 =	vmul.f32 $1.951529560e-04, v48;
	v14 =	vmul.f32 v15, v14  }
0xa8: {  	v24 =	vadd.f32 $-1.388731650e-03, v49  }
0xa9: {  	v31 =	vmul.f32 $4.166666790e-02, v3;
	v25 =	vsub.f32 $8.332161230e-03, v25;
	v14 =	vmul.f32 v14, v15  }
0xaa: {  	v32 =	vmul.f32 $1.666666720e-01, v3;
	v11 =	vsub.f32 v11, v3;
	v24 =	vmul.f32 v24, v48  }
0xab: {  	v5 =	vsub.f32 v5, v3;
	v50 =	vmul.f32 v25, v48;
	v52 =	vsub.f32 $1.500000000e+00, v14  }
0xac: {  	v51 =	vmul.f32 $5.000000000e-01, v48;
	v26 =	vmul.f32 v48, v48;
	v24 =	vadd.f32 $4.166664560e-02, v24  }
0xad: {  	v13 =	vmul.f32 v48, v7;
	v10 =	vadd.f32 $-1.666665520e-01, v50;
	v33 =	vmul.f32 v52, v15  }
0xae: {  	v3 =	vsub.f32 v2, v3;
	v25 =	vsub.f32 $1.000000000e+00, v51;
	v24 =	vmul.f32 v24, v26  }
0xaf: {  	v22 =	vsub.f32 v22, v18;
	v10 =	vmul.f32 v10, v13;
	v12 =	vmul.f32 v33, v43  }
0xb0: {  	v19 =	vsub.f32 v19, v18;
	v13 =	vld [tilespmem:s24+$0x420];
	v24 =	vadd.f32 v24, v25  }
0xb1: {  	v59 =	vsub.f32 $5.000000000e-01, v31;
	v53 =	vadd.f32 v10, v7;
	v10 =	vld [tilespmem:s24+$0x220];
	vm0 =	vlt.f32 v12, $9.999999970e-07  }
0xb2: {  	v54 =	vand.u32 $0x3, v8;
	v27 =	vsel vm0, $0x3F800000, v12;
	v55 =	vsub.f32 $0.0e+00, v24  }
0xb3: {  	vm2 =	veq.s32 v54, $0x2;
	v14 =	vld [tilespmem:s24+$0x620];
	v56 =	vsub.f32 $0.0e+00, v53;
	v29 =	vmul.f32 $6.366197460e-01, v27  }
0xb4: {  	vm3 =	veq.s32 v54, $0x1;
	vm4 =	veq.s32 v54, $0x0;
	v57 =	vsel vm2, v55, v53  }
0xb5: {  	v12 =	vmul.f32 v13, v13;
	v29 =	vadd.f32 $5.000000000e-01, v29;
	v58 =	vsel vm3, v56, v57  }
0xb6: {  	v26 =	vsel vm2, v56, v55;
	v15 =	vmul.f32 v10, v10;
	v7 =	vsel vm4, v24, v58  }
0xb7: {  	v29 =	vtrunc.f32 v29;
	v24 =	vsel vm3, v24, v26;
	v28 =	vsub.f32 $1.000000000e+00, v7  }
0xb8: {  	v30 =	vadd.f32 v12, v15;
	v7 =	vmul.f32 v14, v14;
	v34 =	vcvt.f32.s32 v29  }
0xb9: {  	v60 =	vsub.f32 $1.000000000e+00, v32;
	v24 =	vsel vm4, v53, v24;
	v28 =	vmul.f32 v28, v23  }
0xba: {  	v8 =	vadd.f32 v7, v30;
	v61 =	vcvt.s32.f32 v34;
	v34 =	vand.u32 $0x3, v34  }
0xbb: {  	vm15 =	veq.s32 v34, $0x0;
	vm6 =	veq.s32 v34, $0x1;
	v28 =	vmul.f32 v28, v23  }
0xbc: {  	v35 =	vadd.f32 $9.999999680e-21, v8;
	v23 =	vmul.f32 v24, v23;
	v43 =	vmul.f32 $1.570312500e+00, v61  }
0xbd: {  	vm7 =	veq.s32 v34, $0x2;
	v46 =	vmul.f32 $4.837512970e-04, v61;
	v26 =	vmul.f32 $7.549790120e-08, v61  }
0xbe: {  	v28 =	vsel vm1, v59, v28;
	v62 =	vshra.s32 v35, $0x1;
	v63 =	vmul.f32 $5.000000000e-01, v35  }
0xbf: {  	v27 =	vsub.f32 v27, v43;
	v42 =	vmul.f32 v28, v6;
	v29 =	vsub.s32 $0x5F3759DF, v62  }
0xc0: {  	v23 =	vsel vm1, v60, v23;
	v36 =	vmul.f32 v28, v4;
	v44 =	vmul.f32 v29, v63  }
0xc1: {  	v6 =	vmul.f32 v23, v6;
	v11 =	vmul.f32 v28, v11;
	v27 =	vsub.f32 v27, v46  }
0xc2: {  	v15 =	vsub.f32 v15, v8;
	v5 =	vmul.f32 v28, v5;
	v31 =	vmul.f32 v29, v44  }
0xc3: {  	v40 =	vmul.f32 v28, v3;
	v45 =	vmul.f32 v42, v4;
	v37 =	vsub.f32 v27, v26  }
0xc4: {  	v2 =	vld [tilespmem:s24+$0x230];
	v24 =	vmul.f32 v42, v9;
	v36 =	vmul.f32 v36, v9;
	v47 =	vsub.f32 $1.500000000e+00, v31  }
0xc5: {  	v12 =	vsub.f32 v12, v8;
	v9 =	vmul.f32 v23, v9;
	v48 =	vmul.f32 v37, v37  }
0xc6: {  	v39 =	vld [tilespmem:s24+$0x800];
	v4 =	vmul.f32 v23, v4;
	v26 =	vadd.f32 $1.000000000e+00, v5;
	v38 =	vmul.f32 v29, v47  }
0xc7: {  	v30 =	vadd.f32 v45, v9;
	v27 =	vsub.f32 v45, v9;
	v51 =	vmul.f32 $2.443315680e-05, v48  }
0xc8: {  	v25 =	vadd.f32 v36, v6;
	v50 =	vmul.f32 $1.951529560e-04, v48;
	v49 =	vmul.f32 v38, v63  }
0xc9: {  	v3 =	vld [tilespmem:s24+$0x430];
	v31 =	vadd.f32 $1.000000000e+00, v11;
	v11 =	vmul.f32 v2, v2;
	v5 =	vadd.f32 $-1.388731650e-03, v51  }
0xca: {  	v29 =	vsub.f32 v24, v4;
	v9 =	vsub.f32 $8.332161230e-03, v50;
	v23 =	vmul.f32 v49, v38  }
0xcb: {  	v41 =	vmul.f32 v31, v39;
	v24 =	vadd.f32 v24, v4;
	v4 =	vld [tilespmem:s24+$0x630];
	v5 =	vmul.f32 v5, v48  }
0xcc: {  	v42 =	vld [tilespmem:s24+$0xA00];
	v52 =	vmul.f32 v48, v37;
	v9 =	vmul.f32 v9, v48;
	v23 =	vsub.f32 $1.500000000e+00, v23  }
0xcd: {  	v53 =	vmul.f32 $5.000000000e-01, v48;
	v44 =	vmul.f32 v48, v48;
	v5 =	vadd.f32 $4.166664560e-02, v5  }
0xce: {  	v43 =	vadd.f32 $-1.666665520e-01, v9;
	v9 =	vmul.f32 v3, v3;
	v38 =	vmul.f32 v23, v38  }
0xcf: {  	v23 =	vsub.f32 v36, v6;
	v6 =	vsub.f32 $1.000000000e+00, v53;
	v54 =	vmul.f32 v5, v44  }
0xd0: {  	v55 =	vadd.f32 v9, v11;
	v5 =	vmul.f32 v4, v4;
	v32 =	vmul.f32 v38, v63  }
0xd1: {  	v7 =	vsub.f32 v7, v8;
	v45 =	vmul.f32 v30, v42;
	v28 =	vmul.f32 v43, v52  }
0xd2: {  	v57 =	vadd.f32 v54, v6;
	v6 =	vadd.f32 v5, v55;
	v32 =	vmul.f32 v32, v38  }
0xd3: {  	v50 =	vmul.f32 v27, v39;
	v39 =	vmul.f32 v24, v39;
	v37 =	vadd.f32 v28, v37  }
0xd4: {  	v36 =	vld [tilespmem:s24+$0xC00];
	v63 =	vmul.f32 v26, v42;
	v44 =	vadd.f32 $9.999999680e-21, v6;
	v56 =	vsub.f32 $1.500000000e+00, v32  }
0xd5: {  	v42 =	vmul.f32 v23, v42;
	v55 =	vadd.f32 v45, v41;
	v58 =	vsub.f32 $0.0e+00, v37  }
0xd6: {  	v47 =	vshra.s32 v44, $0x1;
	v48 =	vmul.f32 $5.000000000e-01, v44;
	v28 =	vmul.f32 v56, v38  }
0xd7: {  	v59 =	vsub.f32 $0.0e+00, v57;
	v43 =	vadd.f32 v50, v63;
	v47 =	vsub.s32 $0x5F3759DF, v47  }
0xd8: {  	v11 =	vsub.f32 v11, v6;
	v49 =	vmul.f32 v47, v48;
	v60 =	vmul.f32 v28, v35  }
0xd9: {  	v46 =	vmul.f32 v29, v36;
	v61 =	vsel vm7, v58, v59;
	v38 =	vsel vm7, v59, v37  }
0xda: {  	v38 =	vsel vm6, v58, v38;
	v49 =	vmul.f32 v47, v49;
	vm8 =	vlt.f32 v60, $9.999999970e-07  }
0xdb: {  	v32 =	vsel vm15, v57, v38;
	v38 =	vmul.f32 v25, v36;
	v34 =	vsel vm8, $0x3F800000, v60  }
0xdc: {  	v35 =	vsel vm6, v57, v61;
	v57 =	vmul.f32 $4.166666790e-02, v18;
	v62 =	vmul.f32 $6.366197460e-01, v34  }
0xdd: {  	v35 =	vsel vm15, v37, v35;
	v51 =	vsub.f32 $1.000000000e+00, v32;
	v32 =	vadd.f32 $1.000000000e+00, v40  }
0xde: {  	v49 =	vsub.f32 $1.500000000e+00, v49;
	v35 =	vmul.f32 v35, v33;
	v37 =	vadd.f32 $5.000000000e-01, v62  }
0xdf: {  	v40 =	vsub.f32 $5.000000000e-01, v57;
	v58 =	vmul.f32 v51, v33;
	v60 =	vmul.f32 $1.666666720e-01, v18  }
0xe0: {  	v57 =	vadd.f32 v42, v39;
	v56 =	vmul.f32 v47, v49;
	v54 =	vtrunc.f32 v37  }
0xe1: {  	v38 =	vadd.f32 v43, v38;
	v36 =	vmul.f32 v32, v36;
	v41 =	vcvt.f32.s32 v54  }
0xe2: {  	v33 =	vmul.f32 v58, v33;
	v47 =	vsub.f32 $1.000000000e+00, v60;
	v49 =	vmul.f32 v56, v48  }
0xe3: {  	v18 =	vsub.f32 v17, v18;
	v36 =	vadd.f32 v57, v36;
	v59 =	vcvt.s32.f32 v41  }
0xe4: {  	v40 =	vsel vm0, v40, v33;
	v35 =	vsel vm0, v47, v35;
	v49 =	vmul.f32 v49, v56  }
0xe5: {  	v51 =	vsub.f32 $0.0e+00, v36;
	v52 =	vmul.f32 v40, v21;
	v61 =	vmul.f32 $1.570312500e+00, v59  }
0xe6: {  	v53 =	vmul.f32 v40, v16;
	v39 =	vmul.f32 v35, v21;
	v49 =	vsub.f32 $1.500000000e+00, v49  }
0xe7: {  	v58 =	vmul.f32 v40, v22;
	v63 =	vmul.f32 $4.837512970e-04, v59;
	v62 =	vsub.f32 v34, v61  }
0xe8: {  	v37 =	vadd.f32 v55, v46;
	v60 =	vmul.f32 v35, v16;
	v45 =	vmul.f32 v49, v56  }
0xe9: {  	v55 =	vmul.f32 v52, v16;
	v54 =	vmul.f32 $7.549790120e-08, v59;
	v33 =	vsub.f32 v62, v63  }
0xea: {  	v47 =	vmul.f32 v52, v20;
	v37 =	vsub.f32 $0.0e+00, v37;
	v56 =	vmul.f32 v45, v48  }
0xeb: {  	v41 =	vand.u32 $0x3, v41;
	v49 =	vmul.f32 v53, v20;
	v50 =	vsub.f32 v33, v54  }
0xec: {  	v20 =	vmul.f32 v35, v20;
	v21 =	vsub.f32 v47, v60;
	v33 =	vmul.f32 v56, v45  }
0xed: {  	v35 =	vmul.f32 v40, v19;
	v19 =	vadd.f32 v47, v60;
	v59 =	vmul.f32 v50, v50  }
0xee: {  	v40 =	vmul.f32 v40, v18;
	vm10 =	veq.s32 v41, $0x2;
	v62 =	vsub.f32 $1.500000000e+00, v33  }
0xef: {  	vm11 =	veq.s32 v41, $0x1;
	v22 =	vadd.f32 v49, v39;
	v61 =	vmul.f32 $2.443315680e-05, v59  }
0xf0: {  	v17 =	vsub.f32 v49, v39;
	v63 =	vmul.f32 $1.951529560e-04, v59;
	v16 =	vmul.f32 v62, v45  }
0xf1: {  	v46 =	vld [tilespmem:s24+$0xA10];
	vm12 =	veq.s32 v41, $0x0;
	v35 =	vadd.f32 $1.000000000e+00, v35;
	v34 =	vadd.f32 $1.000000000e+00, v58  }
0xf2: {  	v45 =	vld [tilespmem:s24+$0x810];
	v52 =	vadd.f32 $-1.388731650e-03, v61;
	v43 =	vsub.f32 $8.332161230e-03, v63;
	v44 =	vmul.f32 v16, v44  }
0xf3: {  	v33 =	vadd.f32 v55, v20;
	v20 =	vsub.f32 v55, v20;
	v55 =	vmul.f32 $5.000000000e-01, v59  }
0xf4: {  	v49 =	vld [tilespmem:s24+$0xC10];
	v53 =	vmul.f32 v52, v59;
	v54 =	vmul.f32 v43, v59;
	vm9 =	vlt.f32 v44, $9.999999970e-07  }
0xf5: {  	v56 =	vmul.f32 v59, v59;
	v57 =	vmul.f32 v59, v50;
	v44 =	vsel vm9, $0x3F800000, v44  }
0xf6: {  	v42 =	vadd.f32 $4.166664560e-02, v53;
	v58 =	vadd.f32 $-1.666665520e-01, v54;
	v59 =	vmul.f32 $6.366197460e-01, v44  }
0xf7: {  	v63 =	vmul.f32 v33, v46;
	v43 =	vsub.f32 $1.000000000e+00, v55;
	v62 =	vmul.f32 v34, v45  }
0xf8: {  	v42 =	vmul.f32 v42, v56;
	v60 =	vmul.f32 v58, v57;
	v61 =	vadd.f32 $5.000000000e-01, v59  }
0xf9: {  	s1 =	simm.s32 $0x1;
	s2 =	sadd.s32 $0xFFFFFFD0, s31;
	s26 =	sand.u32 $0x200, s23;
	v36 =	vadd.f32 $1.000000000e+00, v40;
	v57 =	vmul.f32 v21, v49;
	v58 =	vmul.f32 v20, v45  }
0xfa: {  	s1 =	simm.s32 @!p0 $0x0;
	s4 =	sand.u32 $0x40, s2;
	s25 =	sadd.s32 $0xE00, s26;
	v59 =	vmul.f32 v35, v46;
	v42 =	vadd.f32 v42, v43;
	v18 =	vtrunc.f32 v61  }
0xfb: {  	s1 =	sshll.u32 s1, $0x6;
	s5 =	sor.u32 s4, s25;
	v39 =	vadd.f32 v60, v50;
	v43 =	vadd.f32 v63, v62;
	v18 =	vcvt.f32.s32 v18  }
0xfc: {  	s1 =	sadd.s32 s1, s23;
	[tilespmem:s5+$0x80] =	vst v30;
	v62 =	vmul.f32 $4.166666790e-02, v8;
	v30 =	vadd.f32 v58, v59;
	v52 =	vsub.f32 $0.0e+00, v42  }
0xfd: {  	s2 =	sor.u32 s2, s23;
	s1 =	sor.u32 $0x100, s1;
	[tilespmem:s5+$0x0] =	vst v31;
	v50 =	vsub.f32 $0.0e+00, v39;
	v61 =	vadd.f32 v43, v57;
	v54 =	vcvt.s32.f32 v18  }
0xfe: {  	s28 =	sadd.s32 $0x1600, s26;
	s17 =	sor.u32 $0x180, s2;
	[tilespmem:s1+$0xE00] =	vst v29;
	v31 =	vsub.f32 $5.000000000e-01, v62;
	v57 =	vmul.f32 v17, v46;
	v18 =	vand.u32 $0x3, v18  }
0xff: {  	s11 =	sadd.s32 $0x1680, s26;
	s18 =	sor.u32 s4, s28;
	[tilespmem:s17+$0xE00] =	vst v37;
	v53 =	vsel vm10, v52, v39;
	v48 =	vsel vm10, v50, v52;
	v56 =	vmul.f32 $1.570312500e+00, v54  }
0x100: {  	s10 =	sadd.s32 $0x1700, s26;
	s2 =	sor.u32 s4, s11;
	[tilespmem:s18+$0x0] =	vst v27;
	v47 =	vsel vm11, v50, v53;
	v55 =	vsel vm11, v42, v48;
	v60 =	vmul.f32 $4.837512970e-04, v54  }
0x101: {  	s12 =	sadd.s32 $0x1780, s26;
	s5 =	sor.u32 s4, s10;
	[tilespmem:s2+$0x0] =	vst v26;
	v42 =	vsel vm12, v42, v47;
	v47 =	vsub.f32 $0.0e+00, v38;
	v44 =	vsub.f32 v44, v56  }
0x102: {  	s14 =	sadd.s32 $0x1E00, s26;
	s6 =	sor.u32 s4, s12;
	[tilespmem:s5+$0x0] =	vst v25;
	v29 =	vsub.f32 $0.0e+00, v61;
	v61 =	vmul.f32 v36, v49;
	v42 =	vsub.f32 $1.000000000e+00, v42  }
0x103: {  	s15 =	sadd.s32 $0x1E80, s26;
	s7 =	sor.u32 s4, s14;
	vm13 =	veq.s32 v18, $0x2;
	v52 =	vmul.f32 $7.549790120e-08, v54;
	[tilespmem:s6+$0x0] =	vst v47;
	v44 =	vsub.f32 v44, v60  }
0x104: {  	s16 =	sadd.s32 $0x1F00, s26;
	s9 =	sor.u32 s4, s15;
	vm14 =	veq.s32 v18, $0x1;
	vm15 =	veq.s32 v18, $0x0;
	s6 =	sadd.s32 $0xFFFFFFE0, s31;
	v42 =	vmul.f32 v42, v28;
	[tilespmem:s7+$0x0] =	vst v24  }
0x105: {  	s8 =	sand.u32 $0x7, s20;
	s13 =	sor.u32 s4, s16;
	v53 =	vmul.f32 v22, v49;
	v54 =	vmul.f32 v19, v45;
	s5 =	sand.u32 $0x50, s6;
	[tilespmem:s9+$0x0] =	vst v23;
	v38 =	vsub.f32 v44, v52  }
0x106: {  	s1 =	sshll.u32 s8, $0x4;
	v63 =	vsel vm12, v39, v55;
	v55 =	vmul.f32 $1.666666720e-01, v8;
	s7 =	sor.u32 s5, s25;
	v48 =	vmul.f32 v42, v28;
	[tilespmem:s13+$0x0] =	vst v32  }
0x107: {  	s17 =	sadd.s32 $0x1F80, s26;
	v56 =	vadd.f32 v30, v53;
	v27 =	vadd.f32 v57, v54;
	s9 =	sadd.s32 s1, s23;
	[tilespmem:s7+$0x0] =	vst v34;
	v60 =	vmul.f32 v38, v38  }
0x108: {  	s18 =	sor.u32 s4, s17;
	v59 =	vsub.f32 $1.000000000e+00, v55;
	v28 =	vmul.f32 v63, v28;
	s1 =	sadd.s32 $0x10, s9;
	[tilespmem:s7+$0x80] =	vst v33;
	v25 =	vsel vm8, v31, v48  }
0x109: {  	s8 =	sor.u32 s6, s23;
	v27 =	vadd.f32 v27, v61;
	[tilespmem:s18+$0x0] =	vst v51;
	s1 =	sor.u32 $0x100, s1;
	v58 =	vmul.f32 v25, v10;
	v39 =	vmul.f32 $2.443315680e-05, v60  }
0x10a: {  	s13 =	sor.u32 $0x180, s8;
	v23 =	vsel vm8, v59, v28;
	[tilespmem:s1+$0xE00] =	vst v21;
	v63 =	vmul.f32 v25, v13;
	v40 =	vmul.f32 $1.951529560e-04, v60  }
0x10b: {  	s18 =	sor.u32 s5, s28;
	[tilespmem:s13+$0xE00] =	vst v29;
	v15 =	vmul.f32 v25, v15;
	v12 =	vmul.f32 v25, v12;
	v28 =	vadd.f32 $-1.388731650e-03, v39  }
0x10c: {  	s2 =	sor.u32 s5, s11;
	s13 =	sadd.s32 $0x2600, s26;
	v7 =	vmul.f32 v25, v7;
	[tilespmem:s18+$0x0] =	vst v20;
	v45 =	vmul.f32 $5.000000000e-01, v60;
	v41 =	vsub.f32 $8.332161230e-03, v40  }
0x10d: {  	v24 =	vsub.f32 $0.0e+00, v56;
	v46 =	vmul.f32 v60, v60;
	s8 =	sor.u32 s4, s13;
	[tilespmem:s2+$0x0] =	vst v35;
	v28 =	vmul.f32 v28, v60  }
0x10e: {  	s6 =	sor.u32 s5, s10;
	v54 =	vsub.f32 $0.0e+00, v27;
	v48 =	vmul.f32 v60, v38;
	[tilespmem:s8+$0x0] =	vst v1;
	v21 =	vmul.f32 v41, v60  }
0x10f: {  	s7 =	sor.u32 s5, s12;
	v62 =	vmul.f32 v58, v13;
	v31 =	vmul.f32 v58, v14;
	[tilespmem:s6+$0x0] =	vst v22;
	v28 =	vadd.f32 $4.166664560e-02, v28  }
0x110: {  	v43 =	vld [tilespmem:s24+$0xA20];
	s1 =	sadd.s32 $0x2680, s26;
	s18 =	sor.u32 s5, s14;
	v26 =	vmul.f32 v63, v14;
	v14 =	vmul.f32 v23, v14;
	[tilespmem:s7+$0x0] =	vst v24;
	v21 =	vadd.f32 $-1.666665520e-01, v21  }
0x111: {  	v42 =	vld [tilespmem:s24+$0x820];
	v15 =	vadd.f32 $1.000000000e+00, v15;
	s2 =	sadd.s32 $0x2700, s26;
	v50 =	vsub.f32 $1.000000000e+00, v45;
	s7 =	sor.u32 s4, s1;
	[tilespmem:s18+$0x0] =	vst v19;
	v49 =	vmul.f32 v28, v46  }
0x112: {  	v12 =	vadd.f32 $1.000000000e+00, v12;
	v7 =	vadd.f32 $1.000000000e+00, v7;
	[tilespmem:s7+$0x0] =	vst v1;
	s7 =	sor.u32 s4, s2;
	v21 =	vmul.f32 v21, v48  }
0x113: {  	v47 =	vld [tilespmem:s24+$0xC20];
	v13 =	vmul.f32 v23, v13;
	s8 =	sor.u32 s5, s15;
	v44 =	vadd.f32 v62, v14;
	[tilespmem:s7+$0x0] =	vst v1;
	v24 =	vadd.f32 v49, v50  }
0x114: {  	v34 =	vmul.f32 $1.666666720e-01, v6;
	s26 =	sadd.s32 $0x2780, s26;
	v14 =	vsub.f32 v62, v14;
	s18 =	sor.u32 s5, s16;
	[tilespmem:s8+$0x0] =	vst v17;
	v21 =	vadd.f32 v21, v38  }
0x115: {  	v10 =	vmul.f32 v23, v10;
	v51 =	vsub.f32 v31, v13;
	s4 =	sor.u32 s4, s26;
	s8 =	sadd.s32 $0xFFFFFFF0, s31;
	[tilespmem:s18+$0x0] =	vst v36;
	v57 =	vsub.f32 $0.0e+00, v24  }
0x116: {  	v52 =	vmul.f32 v15, v42;
	v53 =	vmul.f32 v44, v43;
	s7 =	sand.u32 $0x3, s0;
	s18 =	sor.u32 s5, s17;
	s6 =	sand.u32 $0x60, s8;
	[tilespmem:s4+$0x0] =	vst v0;
	v58 =	vsub.f32 $0.0e+00, v21  }
0x117: {  	v56 =	vadd.f32 v26, v10;
	v61 =	vmul.f32 v12, v43;
	s7 =	sshll.u32 s7, $0x5;
	[tilespmem:s18+$0x0] =	vst v54;
	s18 =	sor.u32 s6, s25;
	v60 =	vsel vm13, v57, v21  }
0x118: {  	v55 =	vmul.f32 v51, v47;
	v19 =	vadd.f32 v53, v52;
	s7 =	sadd.s32 s23, s7;
	[tilespmem:s18+$0x0] =	vst v15;
	v62 =	vsel vm14, v58, v60  }
0x119: {  	v13 =	vadd.f32 v31, v13;
	v31 =	vmul.f32 $4.166666790e-02, v6;
	s7 =	sadd.s32 $0x20, s7;
	[tilespmem:s18+$0x80] =	vst v44;
	s18 =	sor.u32 s8, s23;
	s8 =	sor.u32 s5, s13;
	v18 =	vsel vm15, v24, v62  }
0x11a: {  	v59 =	vmul.f32 v14, v42;
	v19 =	vadd.f32 v19, v55;
	s7 =	sor.u32 $0x100, s7;
	[tilespmem:s8+$0x0] =	vst v1;
	v18 =	vsub.f32 $1.000000000e+00, v18  }
0x11b: {  	v10 =	vsub.f32 v26, v10;
	v30 =	vmul.f32 v56, v47;
	v33 =	vmul.f32 v13, v42;
	[tilespmem:s7+$0xE00] =	vst v51;
	s7 =	sor.u32 $0x180, s18;
	s18 =	sor.u32 s5, s1  }
0x11c: {  	s8 =	sor.u32 s5, s2;
	v63 =	vsub.f32 $0.0e+00, v19;
	[tilespmem:s18+$0x0] =	vst v1;
	v32 =	vsel vm13, v58, v57;
	v18 =	vmul.f32 v18, v16  }
0x11d: {  	v20 =	vmul.f32 v10, v43;
	v15 =	vadd.f32 v59, v61;
	[tilespmem:s8+$0x0] =	vst v1;
	v19 =	vsel vm14, v24, v32  }
0x11e: {  	v8 =	vsub.f32 $5.000000000e-01, v31;
	[tilespmem:s7+$0xE00] =	vst v63;
	s7 =	sor.u32 s6, s28;
	v19 =	vsel vm15, v21, v19;
	v18 =	vmul.f32 v18, v16  }
0x11f: {  	v15 =	vadd.f32 v15, v30;
	s18 =	sor.u32 s5, s26;
	[tilespmem:s7+$0x0] =	vst v14;
	v14 =	vsub.f32 $1.000000000e+00, v34;
	v16 =	vmul.f32 v19, v16  }
0x120: {  	v35 =	vmul.f32 v7, v47;
	v20 =	vadd.f32 v20, v33;
	s5 =	sor.u32 s6, s11;
	[tilespmem:s18+$0x0] =	vst v0;
	v8 =	vsel vm9, v8, v18  }
0x121: {  	v37 =	vld [tilespmem:s24+$0x830];
	v15 =	vsub.f32 $0.0e+00, v15;
	s7 =	sor.u32 s6, s10;
	[tilespmem:s5+$0x0] =	vst v12;
	v14 =	vsel vm9, v14, v16;
	v36 =	vmul.f32 v8, v2  }
0x122: {  	v38 =	vld [tilespmem:s24+$0xA30];
	s8 =	sor.u32 s6, s12;
	[tilespmem:s7+$0x0] =	vst v56;
	v18 =	vadd.f32 v20, v35;
	v40 =	vmul.f32 v14, v4  }
0x123: {  	s18 =	sor.u32 s6, s14;
	[tilespmem:s8+$0x0] =	vst v15;
	v11 =	vmul.f32 v8, v11;
	v39 =	vmul.f32 v36, v3  }
0x124: {  	v9 =	vsub.f32 v9, v6;
	v41 =	vld [tilespmem:s24+$0xC30];
	s5 =	sor.u32 s6, s15;
	[tilespmem:s18+$0x0] =	vst v13;
	v42 =	vmul.f32 v14, v3;
	v18 =	vsub.f32 $0.0e+00, v18  }
0x125: {  	s7 =	sor.u32 s6, s16;
	[tilespmem:s5+$0x0] =	vst v10;
	v19 =	vmul.f32 v36, v4;
	v11 =	vadd.f32 $1.000000000e+00, v11;
	v43 =	vadd.f32 v39, v40  }
0x126: {  	s8 =	sor.u32 s6, s17;
	[tilespmem:s7+$0x0] =	vst v7;
	v44 =	vmul.f32 v8, v9;
	v3 =	vmul.f32 v8, v3  }
0x127: {  	s18 =	sor.u32 s6, s13;
	[tilespmem:s8+$0x0] =	vst v18;
	v45 =	vsub.f32 v19, v42;
	v46 =	vmul.f32 v11, v37;
	v47 =	vmul.f32 v43, v38  }
0x128: {  	s24 =	sor.u32 s6, s1;
	v2 =	vmul.f32 v14, v2;
	v7 =	vadd.f32 $1.000000000e+00, v44;
	v3 =	vmul.f32 v3, v4;
	[tilespmem:s18+$0x0] =	vst v1  }
0x129: {  	s5 =	sor.u32 s6, s2;
	v48 =	vsub.f32 v39, v40;
	[tilespmem:s24+$0x0] =	vst v1;
	v50 =	vmul.f32 v45, v41;
	v49 =	vadd.f32 v47, v46  }
0x12a: {  	v5 =	vsub.f32 v5, v6;
	s7 =	sor.u32 s6, s26;
	v54 =	vmul.f32 v7, v38;
	[tilespmem:s5+$0x0] =	vst v1;
	s5 =	sand.u32 $0x70, s31  }
0x12b: {  	v51 =	vadd.f32 v3, v2;
	v53 =	vmul.f32 v48, v37;
	[tilespmem:s7+$0x0] =	vst v0;
	s8 =	sor.u32 s5, s25;
	v52 =	vadd.f32 v49, v50  }
0x12c: {  	v10 =	vadd.f32 v19, v42;
	s18 =	sadd.s32 $0x30, s9;
	v2 =	vsub.f32 v3, v2;
	v3 =	vmul.f32 v8, v5;
	[tilespmem:s8+$0x0] =	vst v11  }
0x12d: {  	s24 =	sor.u32 $0x100, s18;
	s25 =	sor.u32 s31, s23;
	v56 =	vadd.f32 v53, v54;
	v57 =	vmul.f32 v51, v41;
	[tilespmem:s8+$0x80] =	vst v43;
	v55 =	vsub.f32 $0.0e+00, v52  }
0x12e: {  	v58 =	vmul.f32 v10, v37;
	s7 =	sor.u32 $0x180, s25;
	[tilespmem:s24+$0xE00] =	vst v45  }
0x12f: {  	v3 =	vadd.f32 $1.000000000e+00, v3;
	v59 =	vmul.f32 v2, v38;
	s8 =	sor.u32 s5, s28;
	v6 =	vadd.f32 v56, v57;
	[tilespmem:s7+$0xE00] =	vst v55  }
0x130: {  	s9 =	sor.u32 s5, s11;
	[tilespmem:s8+$0x0] =	vst v48  }
0x131: {  	s11 =	sor.u32 s5, s10;
	v61 =	vadd.f32 v59, v58;
	v62 =	vmul.f32 v3, v41;
	v60 =	vsub.f32 $0.0e+00, v6;
	[tilespmem:s9+$0x0] =	vst v7  }
0x132: {  	s12 =	sor.u32 s5, s12;
	[tilespmem:s11+$0x0] =	vst v51  }
0x133: {  	s14 =	sor.u32 s5, s14;
	v5 =	vadd.f32 v61, v62;
	[tilespmem:s12+$0x0] =	vst v60  }
0x134: {  	s15 =	sor.u32 s5, s15;
	[tilespmem:s14+$0x0] =	vst v10  }
0x135: {  	s30 =	sadd.s32 $0x4, s30;
	s16 =	sor.u32 s5, s16;
	v63 =	vsub.f32 $0.0e+00, v5;
	[tilespmem:s15+$0x0] =	vst v2  }
0x136: {  	p1 =	slt.u32 s30, $0xC;
	s18 =	sor.u32 s5, s17;
	[tilespmem:s16+$0x0] =	vst v3  }
.Ltmp0:
0x137: {  	s24 =	sor.u32 s5, s13;
	[tilespmem:s18+$0x0] =	vst v63;
	(pc) =	sbr.rel @p1 .LBB2_2-.Ltmp0, $4  }
0x138: {  	s1 =	sor.u32 s5, s1;
	[tilespmem:s24+$0x0] =	vst v1  }
0x139: {  	s25 =	sor.u32 s5, s2;
	[tilespmem:s1+$0x0] =	vst v1  }
0x13a: {  	s20 =	sadd.s32 $0x4, s20;
	p0 =	por !p0, !p0;
	s28 =	sor.u32 s5, s26;
	[tilespmem:s25+$0x0] =	vst v1  }
0x13b: {  	s0 =	sadd.s32 $0x2, s0;
	s23 =	sadd.s32 $0x100, s23;
	s31 =	sadd.s32 $0x40, s31;
	[tilespmem:s28+$0x0] =	vst v0  }
0x13c: {  	_ =	swait.ge [sflag:s22], $0x80  }
0x13d: {  	[sflag:s22] =	ssyncset.done $0x0  }
0x13e: {  	[sflag:s22] =	ssyncadd.s32 $0xFFFFFF80  }
0x13f: {  	_ =	swait.ge [sflag:s22], $0x80  }
0x140: {  	[sflag:s22] =	ssyncset.done $0x0  }
0x141: {  	[sflag:s22] =	ssyncadd.s32 $0xFFFFFF80  }
0x142: {  	_ =	swait.ge [sflag:s22], $0x80  }
0x143: {  	[sflag:s22] =	ssyncset.done $0x0  }
0x144: {  	[sflag:s22] =	ssyncadd.s32 $0xFFFFFF80  }
0x145: {  	_ =	swait.ge [sflag:s22], $0x80  }
0x146: {  	[sflag:s22] =	ssyncset.done $0x0  }
0x147: {  	[sflag:s22] =	ssyncadd.s32 $0xFFFFFF80  }
0x148: {  	_ =	swait.ge [sflag:s22], $0x80  }
0x149: {  	[sflag:s22] =	ssyncset.done $0x0  }
0x14a: {  	[sflag:s22] =	ssyncadd.s32 $0xFFFFFF80  }
0x14b: {  	_ =	swait.ge [sflag:s22], $0x80  }
0x14c: {  	[sflag:s22] =	ssyncset.done $0x0  }
0x14d: {  	[sflag:s22] =	ssyncadd.s32 $0xFFFFFF80  }
0x14e: {  	_ =	swait.ge [sflag:s22], $0x80  }
0x14f: {  	[sflag:s22] =	ssyncset.done $0x0  }
0x150: {  	[sflag:s22] =	ssyncadd.s32 $0xFFFFFF80  }
0x151: {  	_ =	swait.ge [sflag:s22], $0x80  }
0x152: {  	[sflag:s22] =	ssyncset.done $0x0  }
0x153: {  	[sflag:s22] =	ssyncadd.s32 $0xFFFFFF80  }
0x154: {  	_ =	swait.ge [sflag:s22], $0x80  }
0x155: {  	[sflag:s22] =	ssyncset.done $0x0  }
0x156: {  	[sflag:s22] =	ssyncadd.s32 $0xFFFFFF80  }
0x157: {  	_ =	swait.ge [sflag:s22], $0x80  }
0x158: {  	[sflag:s22] =	ssyncset.done $0x0  }
0x159: {  	[sflag:s22] =	ssyncadd.s32 $0xFFFFFF80  }
0x15a: {  	_ =	swait.ge [sflag:s22], $0x80  }
0x15b: {  	[sflag:s22] =	ssyncset.done $0x0  }
0x15c: {  	[sflag:s22] =	ssyncadd.s32 $0xFFFFFF80  }
0x15d: {  	s30 =	simm.s32 $0xC;
	s31 =	simm.s32 $0x400;
	_ =	swait.ge [sflag:s22], $0x80  }
0x15e: {  	s0 =	simm.s32 $0x0;
	p0 =	por $0x0, $0x0;
	[sflag:s22] =	ssyncset.done $0x0  }
0x15f: {  	s20 =	simm.s32 $0x130;
	s23 =	simm.s32 $0x0;
	[sflag:s22] =	ssyncadd.s32 $0xFFFFFF80  }
.LBB2_4:
0x160: {  	s24 =	sshra.s32 s31, $0x2  }
0x161: {  	v6 =	vld [tilespmem:s24+$0x200]  }
0x162: {  	v4 =	vld [tilespmem:s24+$0x400];
	_ =	sdelay $0x1  }
0x163: {  	v9 =	vld [tilespmem:s24+$0x600];
	_ =	sdelay $0x2  }
0x164: {  	v11 =	vmul.f32 v6, v6;
	v5 =	vmul.f32 v4, v4;
	_ =	sdelay $0x1  }
0x165: {  	v2 =	vmul.f32 v9, v9;
	v3 =	vadd.f32 v5, v11;
	_ =	sdelay $0x1  }
0x166: {  	v3 =	vadd.f32 v2, v3;
	_ =	sdelay $0x1  }
0x167: {  	v7 =	vadd.f32 $9.999999680e-21, v3;
	_ =	sdelay $0x1  }
0x168: {  	v8 =	vshra.s32 v7, $0x1;
	v10 =	vmul.f32 $5.000000000e-01, v7  }
0x169: {  	v8 =	vsub.s32 $0x5F3759DF, v8  }
0x16a: {  	v12 =	vmul.f32 v8, v10;
	_ =	sdelay $0x1  }
0x16b: {  	v12 =	vmul.f32 v8, v12;
	_ =	sdelay $0x1  }
0x16c: {  	v12 =	vsub.f32 $1.500000000e+00, v12;
	_ =	sdelay $0x1  }
0x16d: {  	v8 =	vmul.f32 v8, v12;
	_ =	sdelay $0x1  }
0x16e: {  	v12 =	vmul.f32 v8, v10;
	_ =	sdelay $0x1  }
0x16f: {  	v12 =	vmul.f32 v12, v8;
	_ =	sdelay $0x1  }
0x170: {  	v12 =	vsub.f32 $1.500000000e+00, v12;
	_ =	sdelay $0x1  }
0x171: {  	v8 =	vmul.f32 v12, v8;
	_ =	sdelay $0x1  }
0x172: {  	v21 =	vld [tilespmem:s24+$0x210];
	v10 =	vmul.f32 v8, v10  }
0x173: {  	v16 =	vld [tilespmem:s24+$0x410]  }
0x174: {  	v10 =	vmul.f32 v10, v8  }
0x175: {  	v20 =	vld [tilespmem:s24+$0x610]  }
0x176: {  	v10 =	vsub.f32 $1.500000000e+00, v10  }
0x177: {  	v22 =	vmul.f32 v21, v21  }
0x178: {  	v19 =	vmul.f32 v16, v16;
	v23 =	vmul.f32 v10, v8;
	_ =	sdelay $0x1  }
0x179: {  	v17 =	vmul.f32 v20, v20;
	v42 =	vadd.f32 v19, v22;
	v7 =	vmul.f32 v23, v7;
	_ =	sdelay $0x1  }
0x17a: {  	v18 =	vadd.f32 v17, v42;
	vm1 =	vlt.f32 v7, $9.999999970e-07  }
0x17b: {  	v7 =	vsel vm1, $0x3F800000, v7  }
0x17c: {  	v43 =	vadd.f32 $9.999999680e-21, v18;
	v41 =	vmul.f32 $6.366197460e-01, v7;
	_ =	sdelay $0x1  }
0x17d: {  	v13 =	vshra.s32 v43, $0x1;
	v14 =	vmul.f32 $5.000000000e-01, v43;
	v8 =	vadd.f32 $5.000000000e-01, v41  }
0x17e: {  	v13 =	vsub.s32 $0x5F3759DF, v13  }
0x17f: {  	v24 =	vmul.f32 v13, v14;
	v8 =	vtrunc.f32 v8  }
0x180: {  	v8 =	vcvt.f32.s32 v8  }
0x181: {  	v24 =	vmul.f32 v13, v24  }
0x182: {  	v44 =	vcvt.s32.f32 v8  }
0x183: {  	v46 =	vsub.f32 $1.500000000e+00, v24  }
0x184: {  	v15 =	vmul.f32 $1.570312500e+00, v44  }
0x185: {  	v47 =	vmul.f32 v13, v46  }
0x186: {  	v45 =	vmul.f32 $4.837512970e-04, v44;
	v7 =	vsub.f32 v7, v15  }
0x187: {  	v15 =	vmul.f32 v47, v14  }
0x188: {  	v10 =	vmul.f32 $7.549790120e-08, v44;
	v7 =	vsub.f32 v7, v45  }
0x189: {  	v15 =	vmul.f32 v15, v47  }
0x18a: {  	v7 =	vsub.f32 v7, v10  }
0x18b: {  	v15 =	vsub.f32 $1.500000000e+00, v15  }
0x18c: {  	v48 =	vmul.f32 v7, v7  }
0x18d: {  	v15 =	vmul.f32 v15, v47  }
0x18e: {  	v49 =	vmul.f32 $2.443315680e-05, v48  }
0x18f: {  	v25 =	vmul.f32 $1.951529560e-04, v48;
	v14 =	vmul.f32 v15, v14  }
0x190: {  	v24 =	vadd.f32 $-1.388731650e-03, v49  }
0x191: {  	v31 =	vmul.f32 $4.166666790e-02, v3;
	v25 =	vsub.f32 $8.332161230e-03, v25;
	v14 =	vmul.f32 v14, v15  }
0x192: {  	v32 =	vmul.f32 $1.666666720e-01, v3;
	v11 =	vsub.f32 v11, v3;
	v24 =	vmul.f32 v24, v48  }
0x193: {  	v5 =	vsub.f32 v5, v3;
	v50 =	vmul.f32 v25, v48;
	v52 =	vsub.f32 $1.500000000e+00, v14  }
0x194: {  	v51 =	vmul.f32 $5.000000000e-01, v48;
	v26 =	vmul.f32 v48, v48;
	v24 =	vadd.f32 $4.166664560e-02, v24  }
0x195: {  	v13 =	vmul.f32 v48, v7;
	v10 =	vadd.f32 $-1.666665520e-01, v50;
	v33 =	vmul.f32 v52, v15  }
0x196: {  	v3 =	vsub.f32 v2, v3;
	v25 =	vsub.f32 $1.000000000e+00, v51;
	v24 =	vmul.f32 v24, v26  }
0x197: {  	v22 =	vsub.f32 v22, v18;
	v10 =	vmul.f32 v10, v13;
	v12 =	vmul.f32 v33, v43  }
0x198: {  	v19 =	vsub.f32 v19, v18;
	v13 =	vld [tilespmem:s24+$0x420];
	v24 =	vadd.f32 v24, v25  }
0x199: {  	v59 =	vsub.f32 $5.000000000e-01, v31;
	v53 =	vadd.f32 v10, v7;
	v10 =	vld [tilespmem:s24+$0x220];
	vm0 =	vlt.f32 v12, $9.999999970e-07  }
0x19a: {  	v54 =	vand.u32 $0x3, v8;
	v27 =	vsel vm0, $0x3F800000, v12;
	v55 =	vsub.f32 $0.0e+00, v24  }
0x19b: {  	vm2 =	veq.s32 v54, $0x2;
	v14 =	vld [tilespmem:s24+$0x620];
	v56 =	vsub.f32 $0.0e+00, v53;
	v29 =	vmul.f32 $6.366197460e-01, v27  }
0x19c: {  	vm3 =	veq.s32 v54, $0x1;
	vm4 =	veq.s32 v54, $0x0;
	v57 =	vsel vm2, v55, v53  }
0x19d: {  	v12 =	vmul.f32 v13, v13;
	v29 =	vadd.f32 $5.000000000e-01, v29;
	v58 =	vsel vm3, v56, v57  }
0x19e: {  	v26 =	vsel vm2, v56, v55;
	v15 =	vmul.f32 v10, v10;
	v7 =	vsel vm4, v24, v58  }
0x19f: {  	v29 =	vtrunc.f32 v29;
	v24 =	vsel vm3, v24, v26;
	v28 =	vsub.f32 $1.000000000e+00, v7  }
0x1a0: {  	v30 =	vadd.f32 v12, v15;
	v7 =	vmul.f32 v14, v14;
	v34 =	vcvt.f32.s32 v29  }
0x1a1: {  	v60 =	vsub.f32 $1.000000000e+00, v32;
	v24 =	vsel vm4, v53, v24;
	v28 =	vmul.f32 v28, v23  }
0x1a2: {  	v8 =	vadd.f32 v7, v30;
	v61 =	vcvt.s32.f32 v34;
	v34 =	vand.u32 $0x3, v34  }
0x1a3: {  	vm15 =	veq.s32 v34, $0x0;
	vm6 =	veq.s32 v34, $0x1;
	v28 =	vmul.f32 v28, v23  }
0x1a4: {  	v35 =	vadd.f32 $9.999999680e-21, v8;
	v23 =	vmul.f32 v24, v23;
	v43 =	vmul.f32 $1.570312500e+00, v61  }
0x1a5: {  	vm7 =	veq.s32 v34, $0x2;
	v46 =	vmul.f32 $4.837512970e-04, v61;
	v26 =	vmul.f32 $7.549790120e-08, v61  }
0x1a6: {  	v28 =	vsel vm1, v59, v28;
	v62 =	vshra.s32 v35, $0x1;
	v63 =	vmul.f32 $5.000000000e-01, v35  }
0x1a7: {  	v27 =	vsub.f32 v27, v43;
	v42 =	vmul.f32 v28, v6;
	v29 =	vsub.s32 $0x5F3759DF, v62  }
0x1a8: {  	v23 =	vsel vm1, v60, v23;
	v36 =	vmul.f32 v28, v4;
	v44 =	vmul.f32 v29, v63  }
0x1a9: {  	v6 =	vmul.f32 v23, v6;
	v11 =	vmul.f32 v28, v11;
	v27 =	vsub.f32 v27, v46  }
0x1aa: {  	v15 =	vsub.f32 v15, v8;
	v5 =	vmul.f32 v28, v5;
	v31 =	vmul.f32 v29, v44  }
0x1ab: {  	v40 =	vmul.f32 v28, v3;
	v45 =	vmul.f32 v42, v4;
	v37 =	vsub.f32 v27, v26  }
0x1ac: {  	v2 =	vld [tilespmem:s24+$0x230];
	v24 =	vmul.f32 v42, v9;
	v36 =	vmul.f32 v36, v9;
	v47 =	vsub.f32 $1.500000000e+00, v31  }
0x1ad: {  	v12 =	vsub.f32 v12, v8;
	v9 =	vmul.f32 v23, v9;
	v48 =	vmul.f32 v37, v37  }
0x1ae: {  	v39 =	vld [tilespmem:s24+$0x800];
	v4 =	vmul.f32 v23, v4;
	v26 =	vadd.f32 $1.000000000e+00, v5;
	v38 =	vmul.f32 v29, v47  }
0x1af: {  	v30 =	vadd.f32 v45, v9;
	v27 =	vsub.f32 v45, v9;
	v51 =	vmul.f32 $2.443315680e-05, v48  }
0x1b0: {  	v25 =	vadd.f32 v36, v6;
	v50 =	vmul.f32 $1.951529560e-04, v48;
	v49 =	vmul.f32 v38, v63  }
0x1b1: {  	v3 =	vld [tilespmem:s24+$0x430];
	v31 =	vadd.f32 $1.000000000e+00, v11;
	v11 =	vmul.f32 v2, v2;
	v5 =	vadd.f32 $-1.388731650e-03, v51  }
0x1b2: {  	v29 =	vsub.f32 v24, v4;
	v9 =	vsub.f32 $8.332161230e-03, v50;
	v23 =	vmul.f32 v49, v38  }
0x1b3: {  	v41 =	vmul.f32 v31, v39;
	v24 =	vadd.f32 v24, v4;
	v4 =	vld [tilespmem:s24+$0x630];
	v5 =	vmul.f32 v5, v48  }
0x1b4: {  	v42 =	vld [tilespmem:s24+$0xA00];
	v52 =	vmul.f32 v48, v37;
	v9 =	vmul.f32 v9, v48;
	v23 =	vsub.f32 $1.500000000e+00, v23  }
0x1b5: {  	v53 =	vmul.f32 $5.000000000e-01, v48;
	v44 =	vmul.f32 v48, v48;
	v5 =	vadd.f32 $4.166664560e-02, v5  }
0x1b6: {  	v43 =	vadd.f32 $-1.666665520e-01, v9;
	v9 =	vmul.f32 v3, v3;
	v38 =	vmul.f32 v23, v38  }
0x1b7: {  	v23 =	vsub.f32 v36, v6;
	v6 =	vsub.f32 $1.000000000e+00, v53;
	v54 =	vmul.f32 v5, v44  }
0x1b8: {  	v55 =	vadd.f32 v9, v11;
	v5 =	vmul.f32 v4, v4;
	v32 =	vmul.f32 v38, v63  }
0x1b9: {  	v7 =	vsub.f32 v7, v8;
	v45 =	vmul.f32 v30, v42;
	v28 =	vmul.f32 v43, v52  }
0x1ba: {  	v57 =	vadd.f32 v54, v6;
	v6 =	vadd.f32 v5, v55;
	v32 =	vmul.f32 v32, v38  }
0x1bb: {  	v50 =	vmul.f32 v27, v39;
	v39 =	vmul.f32 v24, v39;
	v37 =	vadd.f32 v28, v37  }
0x1bc: {  	v36 =	vld [tilespmem:s24+$0xC00];
	v63 =	vmul.f32 v26, v42;
	v44 =	vadd.f32 $9.999999680e-21, v6;
	v56 =	vsub.f32 $1.500000000e+00, v32  }
0x1bd: {  	v42 =	vmul.f32 v23, v42;
	v55 =	vadd.f32 v45, v41;
	v58 =	vsub.f32 $0.0e+00, v37  }
0x1be: {  	v47 =	vshra.s32 v44, $0x1;
	v48 =	vmul.f32 $5.000000000e-01, v44;
	v28 =	vmul.f32 v56, v38  }
0x1bf: {  	v59 =	vsub.f32 $0.0e+00, v57;
	v43 =	vadd.f32 v50, v63;
	v47 =	vsub.s32 $0x5F3759DF, v47  }
0x1c0: {  	v11 =	vsub.f32 v11, v6;
	v49 =	vmul.f32 v47, v48;
	v60 =	vmul.f32 v28, v35  }
0x1c1: {  	v46 =	vmul.f32 v29, v36;
	v61 =	vsel vm7, v58, v59;
	v38 =	vsel vm7, v59, v37  }
0x1c2: {  	v38 =	vsel vm6, v58, v38;
	v49 =	vmul.f32 v47, v49;
	vm8 =	vlt.f32 v60, $9.999999970e-07  }
0x1c3: {  	v32 =	vsel vm15, v57, v38;
	v38 =	vmul.f32 v25, v36;
	v34 =	vsel vm8, $0x3F800000, v60  }
0x1c4: {  	v35 =	vsel vm6, v57, v61;
	v57 =	vmul.f32 $4.166666790e-02, v18;
	v62 =	vmul.f32 $6.366197460e-01, v34  }
0x1c5: {  	v35 =	vsel vm15, v37, v35;
	v51 =	vsub.f32 $1.000000000e+00, v32;
	v32 =	vadd.f32 $1.000000000e+00, v40  }
0x1c6: {  	v49 =	vsub.f32 $1.500000000e+00, v49;
	v35 =	vmul.f32 v35, v33;
	v37 =	vadd.f32 $5.000000000e-01, v62  }
0x1c7: {  	v40 =	vsub.f32 $5.000000000e-01, v57;
	v58 =	vmul.f32 v51, v33;
	v60 =	vmul.f32 $1.666666720e-01, v18  }
0x1c8: {  	v57 =	vadd.f32 v42, v39;
	v56 =	vmul.f32 v47, v49;
	v54 =	vtrunc.f32 v37  }
0x1c9: {  	v38 =	vadd.f32 v43, v38;
	v36 =	vmul.f32 v32, v36;
	v41 =	vcvt.f32.s32 v54  }
0x1ca: {  	v33 =	vmul.f32 v58, v33;
	v47 =	vsub.f32 $1.000000000e+00, v60;
	v49 =	vmul.f32 v56, v48  }
0x1cb: {  	v18 =	vsub.f32 v17, v18;
	v36 =	vadd.f32 v57, v36;
	v59 =	vcvt.s32.f32 v41  }
0x1cc: {  	v40 =	vsel vm0, v40, v33;
	v35 =	vsel vm0, v47, v35;
	v49 =	vmul.f32 v49, v56  }
0x1cd: {  	v51 =	vsub.f32 $0.0e+00, v36;
	v52 =	vmul.f32 v40, v21;
	v61 =	vmul.f32 $1.570312500e+00, v59  }
0x1ce: {  	v53 =	vmul.f32 v40, v16;
	v39 =	vmul.f32 v35, v21;
	v49 =	vsub.f32 $1.500000000e+00, v49  }
0x1cf: {  	v58 =	vmul.f32 v40, v22;
	v63 =	vmul.f32 $4.837512970e-04, v59;
	v62 =	vsub.f32 v34, v61  }
0x1d0: {  	v37 =	vadd.f32 v55, v46;
	v60 =	vmul.f32 v35, v16;
	v45 =	vmul.f32 v49, v56  }
0x1d1: {  	v55 =	vmul.f32 v52, v16;
	v54 =	vmul.f32 $7.549790120e-08, v59;
	v33 =	vsub.f32 v62, v63  }
0x1d2: {  	v47 =	vmul.f32 v52, v20;
	v37 =	vsub.f32 $0.0e+00, v37;
	v56 =	vmul.f32 v45, v48  }
0x1d3: {  	v41 =	vand.u32 $0x3, v41;
	v49 =	vmul.f32 v53, v20;
	v50 =	vsub.f32 v33, v54  }
0x1d4: {  	v20 =	vmul.f32 v35, v20;
	v21 =	vsub.f32 v47, v60;
	v33 =	vmul.f32 v56, v45  }
0x1d5: {  	v35 =	vmul.f32 v40, v19;
	v19 =	vadd.f32 v47, v60;
	v59 =	vmul.f32 v50, v50  }
0x1d6: {  	v40 =	vmul.f32 v40, v18;
	vm10 =	veq.s32 v41, $0x2;
	v62 =	vsub.f32 $1.500000000e+00, v33  }
0x1d7: {  	vm11 =	veq.s32 v41, $0x1;
	v22 =	vadd.f32 v49, v39;
	v61 =	vmul.f32 $2.443315680e-05, v59  }
0x1d8: {  	s1 =	simm.s32 $0x1;
	s2 =	sadd.s32 $0xFFFFFFD0, s20;
	s4 =	sand.u32 $0x600, s31;
	v46 =	vld [tilespmem:s24+$0xA10];
	v17 =	vsub.f32 v49, v39;
	v63 =	vmul.f32 $1.951529560e-04, v59;
	v16 =	vmul.f32 v62, v45  }
0x1d9: {  	s1 =	simm.s32 @!p0 $0x0;
	s26 =	sand.u32 $0x40, s2;
	s25 =	sadd.s32 $0xE00, s4;
	vm12 =	veq.s32 v41, $0x0;
	v34 =	vadd.f32 $1.000000000e+00, v58;
	v33 =	vadd.f32 v55, v20  }
0x1da: {  	s1 =	sshll.u32 s1, $0x6;
	s5 =	sor.u32 s26, s25;
	v45 =	vld [tilespmem:s24+$0x810];
	v52 =	vadd.f32 $-1.388731650e-03, v61;
	v43 =	vsub.f32 $8.332161230e-03, v63;
	v44 =	vmul.f32 v16, v44  }
0x1db: {  	s1 =	sadd.s32 s31, s1;
	[tilespmem:s5+$0x0] =	vst v31;
	v20 =	vsub.f32 v55, v20;
	v55 =	vmul.f32 $5.000000000e-01, v59;
	v56 =	vmul.f32 v59, v59  }
0x1dc: {  	s6 =	sadd.s32 $0xFFFFFFE0, s20;
	s1 =	sor.u32 $0x100, s1;
	[tilespmem:s5+$0x80] =	vst v30;
	s5 =	sand.u32 $0x7, s23;
	v49 =	vld [tilespmem:s24+$0xC10];
	v53 =	vmul.f32 v52, v59;
	v54 =	vmul.f32 v43, v59;
	vm9 =	vlt.f32 v44, $9.999999970e-07  }
0x1dd: {  	[tilespmem:s1+$0xE00] =	vst v29;
	s1 =	sshll.u32 s5, $0x4;
	s5 =	sand.u32 $0x50, s6;
	v57 =	vmul.f32 v59, v50;
	v63 =	vmul.f32 v33, v46;
	v44 =	vsel vm9, $0x3F800000, v44  }
0x1de: {  	s13 =	sor.u32 s5, s25;
	v42 =	vadd.f32 $4.166664560e-02, v53;
	v58 =	vadd.f32 $-1.666665520e-01, v54;
	v59 =	vmul.f32 $6.366197460e-01, v44  }
0x1df: {  	v35 =	vadd.f32 $1.000000000e+00, v35;
	[tilespmem:s13+$0x0] =	vst v34;
	v62 =	vmul.f32 v34, v45;
	v34 =	vmul.f32 $1.666666720e-01, v6  }
0x1e0: {  	v42 =	vmul.f32 v42, v56;
	v60 =	vmul.f32 v58, v57;
	v61 =	vadd.f32 $5.000000000e-01, v59  }
0x1e1: {  	v43 =	vsub.f32 $1.000000000e+00, v55;
	v57 =	vmul.f32 v21, v49;
	v58 =	vmul.f32 v20, v45  }
0x1e2: {  	v36 =	vadd.f32 $1.000000000e+00, v40;
	v59 =	vmul.f32 v35, v46;
	v18 =	vtrunc.f32 v61  }
0x1e3: {  	v42 =	vadd.f32 v42, v43;
	v39 =	vadd.f32 v60, v50;
	v18 =	vcvt.f32.s32 v18  }
0x1e4: {  	v43 =	vadd.f32 v63, v62;
	v62 =	vmul.f32 $4.166666790e-02, v8;
	v30 =	vadd.f32 v58, v59  }
0x1e5: {  	s2 =	sor.u32 s2, s31;
	v52 =	vsub.f32 $0.0e+00, v42;
	v50 =	vsub.f32 $0.0e+00, v39;
	v54 =	vcvt.s32.f32 v18  }
0x1e6: {  	s28 =	sadd.s32 $0x1600, s4;
	s14 =	sor.u32 $0x180, s2;
	v61 =	vadd.f32 v43, v57;
	v31 =	vsub.f32 $5.000000000e-01, v62;
	v57 =	vmul.f32 v17, v46  }
0x1e7: {  	s11 =	sadd.s32 $0x1680, s4;
	s15 =	sor.u32 s26, s28;
	[tilespmem:s14+$0xE00] =	vst v37;
	v53 =	vsel vm10, v52, v39;
	v48 =	vsel vm10, v50, v52;
	v56 =	vmul.f32 $1.570312500e+00, v54  }
0x1e8: {  	s10 =	sadd.s32 $0x1700, s4;
	s16 =	sor.u32 s26, s11;
	[tilespmem:s15+$0x0] =	vst v27;
	v47 =	vsel vm11, v50, v53;
	v55 =	vsel vm11, v42, v48;
	v60 =	vmul.f32 $4.837512970e-04, v54  }
0x1e9: {  	s12 =	sadd.s32 $0x1780, s4;
	s17 =	sor.u32 s26, s10;
	[tilespmem:s16+$0x0] =	vst v26;
	v42 =	vsel vm12, v42, v47;
	v47 =	vsub.f32 $0.0e+00, v38;
	v44 =	vsub.f32 v44, v56  }
0x1ea: {  	s18 =	sor.u32 s26, s12;
	s14 =	sadd.s32 $0x1E00, s4;
	[tilespmem:s17+$0x0] =	vst v25;
	v18 =	vand.u32 $0x3, v18;
	v29 =	vsub.f32 $0.0e+00, v61;
	v42 =	vsub.f32 $1.000000000e+00, v42  }
0x1eb: {  	s2 =	sor.u32 s26, s14;
	s15 =	sadd.s32 $0x1E80, s4;
	v61 =	vmul.f32 v36, v49;
	v52 =	vmul.f32 $7.549790120e-08, v54;
	[tilespmem:s18+$0x0] =	vst v47;
	v44 =	vsub.f32 v44, v60  }
0x1ec: {  	s7 =	sor.u32 s26, s15;
	s16 =	sadd.s32 $0x1F00, s4;
	vm13 =	veq.s32 v18, $0x2;
	vm14 =	veq.s32 v18, $0x1;
	v42 =	vmul.f32 v42, v28;
	[tilespmem:s2+$0x0] =	vst v24  }
0x1ed: {  	s8 =	sor.u32 s26, s16;
	s17 =	sadd.s32 $0x1F80, s4;
	v53 =	vmul.f32 v22, v49;
	v54 =	vmul.f32 v19, v45;
	[tilespmem:s7+$0x0] =	vst v23;
	v38 =	vsub.f32 v44, v52  }
0x1ee: {  	s9 =	sor.u32 s26, s17;
	v63 =	vsel vm12, v39, v55;
	v55 =	vmul.f32 $1.666666720e-01, v8;
	v48 =	vmul.f32 v42, v28;
	[tilespmem:s8+$0x0] =	vst v32  }
0x1ef: {  	v56 =	vadd.f32 v30, v53;
	v27 =	vadd.f32 v57, v54;
	[tilespmem:s9+$0x0] =	vst v51;
	s9 =	sadd.s32 s31, s1;
	v60 =	vmul.f32 v38, v38  }
0x1f0: {  	v59 =	vsub.f32 $1.000000000e+00, v55;
	v28 =	vmul.f32 v63, v28;
	v25 =	vsel vm8, v31, v48;
	s18 =	sadd.s32 $0x10, s9  }
0x1f1: {  	[tilespmem:s13+$0x80] =	vst v33;
	v27 =	vadd.f32 v27, v61;
	s8 =	sor.u32 s6, s31;
	v58 =	vmul.f32 v25, v10;
	s7 =	sor.u32 $0x100, s18;
	v39 =	vmul.f32 $2.443315680e-05, v60  }
0x1f2: {  	s13 =	sor.u32 $0x180, s8;
	v23 =	vsel vm8, v59, v28;
	v63 =	vmul.f32 v25, v13;
	v40 =	vmul.f32 $1.951529560e-04, v60;
	[tilespmem:s7+$0xE00] =	vst v21  }
0x1f3: {  	s18 =	sor.u32 s5, s28;
	v15 =	vmul.f32 v25, v15;
	v12 =	vmul.f32 v25, v12;
	[tilespmem:s13+$0xE00] =	vst v29;
	v28 =	vadd.f32 $-1.388731650e-03, v39  }
0x1f4: {  	s2 =	sor.u32 s5, s11;
	v7 =	vmul.f32 v25, v7;
	v45 =	vmul.f32 $5.000000000e-01, v60;
	s13 =	sadd.s32 $0x2600, s4;
	v41 =	vsub.f32 $8.332161230e-03, v40;
	[tilespmem:s18+$0x0] =	vst v20  }
0x1f5: {  	v24 =	vsub.f32 $0.0e+00, v56;
	v46 =	vmul.f32 v60, v60;
	s8 =	sor.u32 s26, s13;
	[tilespmem:s2+$0x0] =	vst v35;
	v28 =	vmul.f32 v28, v60  }
0x1f6: {  	s6 =	sor.u32 s5, s10;
	v54 =	vsub.f32 $0.0e+00, v27;
	v48 =	vmul.f32 v60, v38;
	[tilespmem:s8+$0x0] =	vst v1;
	v21 =	vmul.f32 v41, v60  }
0x1f7: {  	s7 =	sor.u32 s5, s12;
	v62 =	vmul.f32 v58, v13;
	v31 =	vmul.f32 v58, v14;
	[tilespmem:s6+$0x0] =	vst v22;
	v28 =	vadd.f32 $4.166664560e-02, v28  }
0x1f8: {  	v43 =	vld [tilespmem:s24+$0xA20];
	s1 =	sadd.s32 $0x2680, s4;
	v26 =	vmul.f32 v63, v14;
	v14 =	vmul.f32 v23, v14;
	s18 =	sor.u32 s5, s14;
	[tilespmem:s7+$0x0] =	vst v24;
	v21 =	vadd.f32 $-1.666665520e-01, v21  }
0x1f9: {  	v42 =	vld [tilespmem:s24+$0x820];
	v15 =	vadd.f32 $1.000000000e+00, v15;
	v50 =	vsub.f32 $1.000000000e+00, v45;
	s2 =	sadd.s32 $0x2700, s4;
	s7 =	sor.u32 s26, s1;
	[tilespmem:s18+$0x0] =	vst v19;
	v49 =	vmul.f32 v28, v46  }
0x1fa: {  	v12 =	vadd.f32 $1.000000000e+00, v12;
	v7 =	vadd.f32 $1.000000000e+00, v7;
	[tilespmem:s7+$0x0] =	vst v1;
	s7 =	sor.u32 s26, s2;
	v21 =	vmul.f32 v21, v48  }
0x1fb: {  	v47 =	vld [tilespmem:s24+$0xC20];
	v13 =	vmul.f32 v23, v13;
	v44 =	vadd.f32 v62, v14;
	s8 =	sor.u32 s5, s15;
	[tilespmem:s7+$0x0] =	vst v1;
	v24 =	vadd.f32 v49, v50  }
0x1fc: {  	vm15 =	veq.s32 v18, $0x0;
	v14 =	vsub.f32 v62, v14;
	s4 =	sadd.s32 $0x2780, s4;
	s18 =	sor.u32 s5, s16;
	[tilespmem:s8+$0x0] =	vst v17;
	v21 =	vadd.f32 v21, v38  }
0x1fd: {  	v10 =	vmul.f32 v23, v10;
	v51 =	vsub.f32 v31, v13;
	s26 =	sor.u32 s26, s4;
	s8 =	sadd.s32 $0xFFFFFFF0, s20;
	[tilespmem:s18+$0x0] =	vst v36;
	v57 =	vsub.f32 $0.0e+00, v24  }
0x1fe: {  	v52 =	vmul.f32 v15, v42;
	v53 =	vmul.f32 v44, v43;
	s18 =	sor.u32 s5, s17;
	s6 =	sand.u32 $0x60, s8;
	[tilespmem:s26+$0x0] =	vst v0;
	v58 =	vsub.f32 $0.0e+00, v21  }
0x1ff: {  	v56 =	vadd.f32 v26, v10;
	v61 =	vmul.f32 v12, v43;
	s7 =	sand.u32 $0x3, s0;
	[tilespmem:s18+$0x0] =	vst v54;
	s18 =	sor.u32 s6, s25;
	v60 =	vsel vm13, v57, v21  }
0x200: {  	v55 =	vmul.f32 v51, v47;
	v19 =	vadd.f32 v53, v52;
	s7 =	sshll.u32 s7, $0x5;
	[tilespmem:s18+$0x0] =	vst v15;
	v62 =	vsel vm14, v58, v60  }
0x201: {  	v13 =	vadd.f32 v31, v13;
	v31 =	vmul.f32 $4.166666790e-02, v6;
	s8 =	sor.u32 s8, s31;
	s26 =	sor.u32 s5, s13;
	s7 =	sadd.s32 s31, s7;
	[tilespmem:s18+$0x80] =	vst v44;
	v18 =	vsel vm15, v24, v62  }
0x202: {  	v59 =	vmul.f32 v14, v42;
	v19 =	vadd.f32 v19, v55;
	s7 =	sadd.s32 $0x20, s7;
	s18 =	sor.u32 $0x180, s8;
	[tilespmem:s26+$0x0] =	vst v1;
	s8 =	sor.u32 s5, s1;
	v18 =	vsub.f32 $1.000000000e+00, v18  }
0x203: {  	v10 =	vsub.f32 v26, v10;
	v30 =	vmul.f32 v56, v47;
	v33 =	vmul.f32 v13, v42;
	s7 =	sor.u32 $0x100, s7;
	[tilespmem:s8+$0x0] =	vst v1  }
0x204: {  	s26 =	sor.u32 s5, s2;
	v63 =	vsub.f32 $0.0e+00, v19;
	[tilespmem:s7+$0xE00] =	vst v51;
	v32 =	vsel vm13, v58, v57;
	v18 =	vmul.f32 v18, v16  }
0x205: {  	v20 =	vmul.f32 v10, v43;
	v15 =	vadd.f32 v59, v61;
	[tilespmem:s26+$0x0] =	vst v1;
	v19 =	vsel vm14, v24, v32  }
0x206: {  	v8 =	vsub.f32 $5.000000000e-01, v31;
	[tilespmem:s18+$0xE00] =	vst v63;
	s18 =	sor.u32 s6, s28;
	v19 =	vsel vm15, v21, v19;
	v18 =	vmul.f32 v18, v16  }
0x207: {  	s5 =	sor.u32 s5, s4;
	v15 =	vadd.f32 v15, v30;
	[tilespmem:s18+$0x0] =	vst v14;
	v14 =	vsub.f32 $1.000000000e+00, v34;
	v16 =	vmul.f32 v19, v16  }
0x208: {  	v35 =	vmul.f32 v7, v47;
	v20 =	vadd.f32 v20, v33;
	s7 =	sor.u32 s6, s11;
	[tilespmem:s5+$0x0] =	vst v0;
	v8 =	vsel vm9, v8, v18  }
0x209: {  	v37 =	vld [tilespmem:s24+$0x830];
	s8 =	sor.u32 s6, s10;
	v15 =	vsub.f32 $0.0e+00, v15;
	[tilespmem:s7+$0x0] =	vst v12;
	v14 =	vsel vm9, v14, v16;
	v36 =	vmul.f32 v8, v2  }
0x20a: {  	v38 =	vld [tilespmem:s24+$0xA30];
	s18 =	sor.u32 s6, s12;
	[tilespmem:s8+$0x0] =	vst v56;
	v18 =	vadd.f32 v20, v35;
	v40 =	vmul.f32 v14, v4  }
0x20b: {  	s26 =	sor.u32 s6, s14;
	[tilespmem:s18+$0x0] =	vst v15;
	v11 =	vmul.f32 v8, v11;
	v39 =	vmul.f32 v36, v3  }
0x20c: {  	v9 =	vsub.f32 v9, v6;
	v41 =	vld [tilespmem:s24+$0xC30];
	s7 =	sor.u32 s6, s15;
	[tilespmem:s26+$0x0] =	vst v13;
	v42 =	vmul.f32 v14, v3;
	v18 =	vsub.f32 $0.0e+00, v18  }
0x20d: {  	s8 =	sor.u32 s6, s16;
	[tilespmem:s7+$0x0] =	vst v10;
	v19 =	vmul.f32 v36, v4;
	v11 =	vadd.f32 $1.000000000e+00, v11;
	v43 =	vadd.f32 v39, v40  }
0x20e: {  	s24 =	sor.u32 s6, s13;
	s18 =	sor.u32 s6, s17;
	s26 =	sor.u32 s6, s1;
	[tilespmem:s8+$0x0] =	vst v7;
	v44 =	vmul.f32 v8, v9;
	v3 =	vmul.f32 v8, v3  }
0x20f: {  	s7 =	sor.u32 s6, s2;
	s8 =	sor.u32 s6, s4;
	s6 =	sand.u32 $0x70, s20;
	[tilespmem:s18+$0x0] =	vst v18;
	v45 =	vsub.f32 v19, v42;
	v46 =	vmul.f32 v11, v37;
	v47 =	vmul.f32 v43, v38  }
0x210: {  	v2 =	vmul.f32 v14, v2;
	v7 =	vadd.f32 $1.000000000e+00, v44;
	s18 =	sor.u32 s6, s25;
	v3 =	vmul.f32 v3, v4;
	[tilespmem:s24+$0x0] =	vst v1  }
0x211: {  	v48 =	vsub.f32 v39, v40;
	[tilespmem:s18+$0x0] =	vst v11;
	v50 =	vmul.f32 v45, v41;
	v49 =	vadd.f32 v47, v46  }
0x212: {  	v5 =	vsub.f32 v5, v6;
	v54 =	vmul.f32 v7, v38;
	[tilespmem:s26+$0x0] =	vst v1  }
0x213: {  	[tilespmem:s7+$0x0] =	vst v1;
	v51 =	vadd.f32 v3, v2;
	v53 =	vmul.f32 v48, v37;
	v52 =	vadd.f32 v49, v50  }
0x214: {  	v10 =	vadd.f32 v19, v42;
	s24 =	sadd.s32 $0x30, s9;
	v2 =	vsub.f32 v3, v2;
	v3 =	vmul.f32 v8, v5;
	[tilespmem:s18+$0x80] =	vst v43  }
0x215: {  	s25 =	sor.u32 $0x100, s24;
	s26 =	sor.u32 s20, s31;
	[tilespmem:s8+$0x0] =	vst v0;
	v56 =	vadd.f32 v53, v54;
	v57 =	vmul.f32 v51, v41;
	v55 =	vsub.f32 $0.0e+00, v52  }
0x216: {  	s7 =	sor.u32 $0x180, s26;
	v58 =	vmul.f32 v10, v37;
	[tilespmem:s25+$0xE00] =	vst v45  }
0x217: {  	s8 =	sor.u32 s6, s28;
	v3 =	vadd.f32 $1.000000000e+00, v3;
	v59 =	vmul.f32 v2, v38;
	v6 =	vadd.f32 v56, v57;
	[tilespmem:s7+$0xE00] =	vst v55  }
0x218: {  	s9 =	sor.u32 s6, s11;
	[tilespmem:s8+$0x0] =	vst v48  }
0x219: {  	s11 =	sor.u32 s6, s10;
	v61 =	vadd.f32 v59, v58;
	v62 =	vmul.f32 v3, v41;
	v60 =	vsub.f32 $0.0e+00, v6;
	[tilespmem:s9+$0x0] =	vst v7  }
0x21a: {  	s12 =	sor.u32 s6, s12;
	[tilespmem:s11+$0x0] =	vst v51  }
0x21b: {  	s14 =	sor.u32 s6, s14;
	v5 =	vadd.f32 v61, v62;
	[tilespmem:s12+$0x0] =	vst v60  }
0x21c: {  	s15 =	sor.u32 s6, s15;
	[tilespmem:s14+$0x0] =	vst v10  }
0x21d: {  	s30 =	sadd.s32 $0x4, s30;
	s18 =	sor.u32 s6, s16;
	v63 =	vsub.f32 $0.0e+00, v5;
	[tilespmem:s15+$0x0] =	vst v2  }
0x21e: {  	p1 =	slt.u32 s30, $0x1C;
	s24 =	sor.u32 s6, s17;
	[tilespmem:s18+$0x0] =	vst v3  }
.Ltmp1:
0x21f: {  	s25 =	sor.u32 s6, s13;
	[tilespmem:s24+$0x0] =	vst v63;
	(pc) =	sbr.rel @p1 .LBB2_4-.Ltmp1, $4  }
0x220: {  	s1 =	sor.u32 s6, s1;
	[tilespmem:s25+$0x0] =	vst v1  }
0x221: {  	s26 =	sor.u32 s6, s2;
	[tilespmem:s1+$0x0] =	vst v1  }
0x222: {  	p0 =	por !p0, !p0;
	s23 =	sadd.s32 $0x4, s23;
	s28 =	sor.u32 s6, s4;
	[tilespmem:s26+$0x0] =	vst v1  }
0x223: {  	s0 =	sadd.s32 $0x2, s0;
	s31 =	sadd.s32 $0x100, s31;
	s20 =	sadd.s32 $0x40, s20;
	[tilespmem:s28+$0x0] =	vst v0  }
0x224: {  	s0 =	rddreg [dreg:$0xd];
	s1 =	simm.s32 $0xE00  }
0x225: {  	[hbm4b:s0+s3] =	stream.linear.scatter [tilespmem:s1], [sflag:$0x1], $0x800, $0x38;
	[tilespmem:$0x2E00] =	vst v63  }
0x226: {  	s23 =	rddreg [dreg:$0xe];
	s24 =	simm.s32 $0x1600  }
0x227: {  	[hbm4b:s23+s3] =	stream.linear.scatter [tilespmem:s24], [sflag:$0x1], $0x800, $0x38;
	[tilespmem:$0x2E00] =	vst v63  }
0x228: {  	s25 =	rddreg [dreg:$0xf];
	s26 =	simm.s32 $0x1E00  }
0x229: {  	[hbm4b:s25+s3] =	stream.linear.scatter [tilespmem:s26], [sflag:$0x1], $0x800, $0x38;
	[tilespmem:$0x2E00] =	vst v63  }
0x22a: {  	s28 =	rddreg [dreg:$0x10];
	s30 =	simm.s32 $0x2600  }
0x22b: {  	[hbm4b:s28+s3] =	stream.linear.scatter [tilespmem:s30], [sflag:$0x1], $0x800, $0x38;
	[tilespmem:$0x2E00] =	vst v63  }
0x22c: {  	_ =	swait.ge [sflag:s21], $0x800  }
0x22d: {  	[sflag:s21] =	ssyncset.done $0x0  }
0x22e: {  	[sflag:s21] =	ssyncadd.s32 $0xFFFFF800  }
0x22f: {  	_ =	swait.ge [sflag:s21], $0x800  }
0x230: {  	[sflag:s21] =	ssyncset.done $0x0  }
0x231: {  	[sflag:s21] =	ssyncadd.s32 $0xFFFFF800  }
0x232: {  	_ =	swait.ge [sflag:s21], $0x800  }
0x233: {  	[sflag:s21] =	ssyncset.done $0x0  }
0x234: {  	[sflag:s21] =	ssyncadd.s32 $0xFFFFF800  }
0x235: {  	_ =	swait.ge [sflag:s21], $0x800  }
0x236: {  	s29 =	sadd.s32 $0x1, s29;
	s31 =	rddreg [dreg:$0x11]  }
0x237: {  	p0 =	sne.s32 s29, s31  }
.Ltmp2:
0x238: {  	_ = 	snop;
	(pc) =	sbr.rel @p0 .LBB2_1-.Ltmp2, $3  }
0x239: {  	_ =	sdelay $0x1  }
0x23a: {  	[sflag:s21] =	ssyncset.done $0x0  }
0x23b: {  	[sflag:s21] =	ssyncadd.s32 $0xFFFFF800  }
0x23c: {  	_ =	sfence.sel $0x180000  }
0x23d: {  	[bflag:$0x0] =	sbarrier.arrive $0xFFFF  }
0x23e: {  	_ =	strace $0x90000047  }
0x23f: {  	s0 =	stileid.u32;
	[bflag:$0x2] =	sbarrier.arrive $0xFFFF  }
0x240: {  	p0 =	sne.s32 s0, $0x0;
	s0 =	rddreg [dreg:$0x3]  }
0x241: {  	s0 =	sadd.s32 @!p0 $0x100000, s0  }
0x242: {  	[sflag:s0] =	ssyncadd.tile.s32 @!p0 $0x1;
	_ =	shalt  }
.Lfunc_end2:
_tile_overlayer_lowered:
.L_overlay_start_2:
0x243: {  	(tag) =	ssettag $0x2  }
0x244: {  	s0 =	rddreg [dreg:$0x0];
	s2 =	stileid.u32  }
0x245: {  	s1 =	rddreg [dreg:$0x1];
	p0 =	sne.s32 s2, $0x0  }
0x246: {  	s3 =	rddreg [dreg:$0x2];
	[bflag:$0x3] =	sbarrier.arrive $0xFFFF;
	s2 =	simm.s32 @!p0 $0x1C03  }
0x247: {  	[timem:s3], [sflag:s2] =	dma.local @!p0 [hbm:s0], s1  }
0x248: {  	s0 =	simm.s32 @!p0 $0x3  }
0x249: {  	_ =	swait.ge @!p0 [sflag:s0], s1  }
0x24a: {  	s1 =	ssub.s32 @!p0 $0x0, s1;
	[sflag:s0] =	ssyncset.done @!p0 $0x0  }
0x24b: {  	[sflag:s0] =	ssyncadd.s32 @!p0 s1  }
0x24c: {  	[bflag:$0x3] =	sbarrier.arrive $0xFFFF  }
0x24d: {  	_ =	shalt  }

</sc_bundles>
